<compile_context>
chip_gen: v7x
topology: tpu7x:2x2x1
jax: 0.10.2.dev20260603
libtpu: 0.0.44.dev20260713+nightly
codegen_flags: <defaults>
</compile_context>

<pallas_src>
import functools

import jax
import jax.numpy as jnp
from jax import lax
from jax.experimental import pallas as pl
from jax.experimental.pallas import tpu as pltpu
from jax.experimental.pallas import tpu_sc as plsc

N = 10000
E = 320000
D = 128

NC = 2
NS = 16
NW = NC * NS
EW = E // NW
C = 125
K = EW // C
G = 4
KG = K // G
NPAD = 10240
RPT = NPAD // NS


def _sc_agg_body(with_deg, h_hbm, src_hbm, dst_hbm, zacc_hbm, zdeg_hbm,
                 part_hbm, *rest):
    if with_deg:
        degp_hbm, acc_sp, deg_sp, sidx_g, didx_g, rows_a, rows_b, \
            ones1, sem_ga, sem_gb, sem_sa, sem_sb, sem_d = rest
    else:
        degp_hbm = deg_sp = ones1 = sem_d = None
        acc_sp, sidx_g, didx_g, rows_a, rows_b, \
            sem_ga, sem_gb, sem_sa, sem_sb = rest
    cid = lax.axis_index("c")
    sid = lax.axis_index("s")
    wid = sid * NC + cid

    if with_deg:
        pltpu.sync_copy(zdeg_hbm, deg_sp.at[pl.ds(sid * RPT, RPT)])
        ones16 = jnp.full((16,), 1.0, dtype=jnp.float32)

        def init_ones(i, _):
            ones1[pl.ds(i * 16, 16)] = ones16
            return _
        lax.fori_loop(0, C // 16, init_ones, None)
        ones1[pl.ds(C - 16, 16)] = ones16

    pltpu.sync_copy(zacc_hbm, acc_sp.at[pl.ds(sid * RPT, RPT)])

    plsc.subcore_barrier()

    def gather_start(k, rows, sem):
        pltpu.async_copy(h_hbm.at[sidx_g.at[k, 0]], rows, sem)

    def gather_wait(k, rows, sem):
        pltpu.make_async_copy(h_hbm.at[sidx_g.at[k, 0]], rows, sem).wait()

    def scat_start(k, rows, sem):
        pltpu.async_copy(rows, acc_sp.at[didx_g.at[k, 0]], sem, add=True)

    def scat_wait(rows, sem):
        pltpu.make_async_copy(rows, acc_sp.at[didx_g.at[0, 0]], sem).wait()

    P = KG // 2

    def group(g, _):
        base = wid * G + g
        pltpu.sync_copy(src_hbm.at[base], sidx_g)
        pltpu.sync_copy(dst_hbm.at[base], didx_g)

        def dfire(j):
            if with_deg:
                pltpu.async_copy(ones1, deg_sp.at[didx_g.at[j, 0]],
                                 sem_d, add=True)

        gather_start(0, rows_a, sem_ga)
        gather_start(1, rows_b, sem_gb)

        def pair(j, _):
            a = 2 * j
            gather_wait(a, rows_a, sem_ga)
            scat_start(a, rows_a, sem_sa)
            dfire(a)
            gather_wait(a + 1, rows_b, sem_gb)
            scat_start(a + 1, rows_b, sem_sb)
            dfire(a + 1)
            scat_wait(rows_a, sem_sa)
            gather_start(a + 2, rows_a, sem_ga)
            scat_wait(rows_b, sem_sb)
            gather_start(a + 3, rows_b, sem_gb)
            return _
        lax.fori_loop(0, P - 1, pair, None)

        a = 2 * (P - 1)
        gather_wait(a, rows_a, sem_ga)
        scat_start(a, rows_a, sem_sa)
        dfire(a)
        gather_wait(a + 1, rows_b, sem_gb)
        scat_start(a + 1, rows_b, sem_sb)
        dfire(a + 1)
        scat_wait(rows_a, sem_sa)
        scat_wait(rows_b, sem_sb)

        if with_deg:
            def ddrain(j, _):
                pltpu.make_async_copy(ones1, deg_sp.at[didx_g.at[0, 0]],
                                      sem_d).wait()
                return _
            lax.fori_loop(0, KG, ddrain, None)
        return _
    lax.fori_loop(0, G, group, None)

    plsc.subcore_barrier()

    pltpu.sync_copy(acc_sp.at[pl.ds(sid * RPT, RPT)],
                    part_hbm.at[cid, pl.ds(sid * RPT, RPT)])
    if with_deg:
        pltpu.sync_copy(deg_sp.at[pl.ds(sid * RPT, RPT)],
                        degp_hbm.at[pl.ds(cid * NPAD + sid * RPT, RPT)])


def _make_sc_agg(with_deg):
    mesh = plsc.VectorSubcoreMesh(core_axis_name="c", subcore_axis_name="s")
    out_type = [jax.ShapeDtypeStruct((NC, NPAD, D), jnp.float32)]
    scratch = [pltpu.VMEM_SHARED((NPAD, D), jnp.float32)]
    if with_deg:
        out_type.append(jax.ShapeDtypeStruct((NC * NPAD,), jnp.float32))
        scratch.append(pltpu.VMEM_SHARED((NPAD,), jnp.float32))
    scratch += [
        pltpu.VMEM((KG, 1, C), jnp.int32),
        pltpu.VMEM((KG, 1, C), jnp.int32),
        pltpu.VMEM((C, D), jnp.float32),
        pltpu.VMEM((C, D), jnp.float32),
    ]
    if with_deg:
        scratch.append(pltpu.VMEM((C,), jnp.float32))
    scratch += [
        pltpu.SemaphoreType.DMA,
        pltpu.SemaphoreType.DMA,
        pltpu.SemaphoreType.DMA,
        pltpu.SemaphoreType.DMA,
    ]
    if with_deg:
        scratch.append(pltpu.SemaphoreType.DMA)
    return pl.kernel(
        functools.partial(_sc_agg_body, with_deg),
        out_type=tuple(out_type) if with_deg else out_type[0],
        mesh=mesh,
        scratch_types=scratch)


_sc_agg_deg = _make_sc_agg(True)
_sc_agg = _make_sc_agg(False)


BN = 2000


def _pre_body(x_ref, wp_ref, bp_ref, wp2_ref, bp2_ref, o_ref):
    h = lax.dot_general(x_ref[...], wp_ref[...],
                        (((1,), (1,)), ((), ())),
                        preferred_element_type=jnp.float32)
    h = h + bp_ref[0:1, :]
    h = lax.dot_general(h, wp2_ref[...],
                        (((1,), (1,)), ((), ())),
                        preferred_element_type=jnp.float32)
    o_ref[...] = h + bp2_ref[0:1, :]


def _pre_transform(x, Wp, bp, Wp2, bp2):
    grid = (N // BN,)
    row_spec = pl.BlockSpec((BN, D), lambda i: (i, 0))
    full = pl.BlockSpec((D, D), lambda i: (0, 0))
    bias = pl.BlockSpec((8, D), lambda i: (0, 0))
    return pl.pallas_call(
        _pre_body,
        grid=grid,
        in_specs=[row_spec, full, bias, full, bias],
        out_specs=row_spec,
        out_shape=jax.ShapeDtypeStruct((N, D), jnp.float32),
    )(x, Wp, jnp.broadcast_to(bp, (8, D)), Wp2, jnp.broadcast_to(bp2, (8, D)))


def _combine_body(act, p0_ref, p1_ref, d0_ref, d1_ref, h_ref,
                  wl_ref, bl_ref, wr_ref, o_ref):
    agg = p0_ref[...] + p1_ref[...]
    deg = d0_ref[...] + d1_ref[...]
    mean = agg / jnp.maximum(deg, 1.0)
    out = lax.dot_general(mean, wl_ref[...], (((1,), (1,)), ((), ())),
                          preferred_element_type=jnp.float32)
    out = out + bl_ref[0:1, :]
    out = out + lax.dot_general(h_ref[...], wr_ref[...],
                                (((1,), (1,)), ((), ())),
                                preferred_element_type=jnp.float32)
    if act == "relu":
        out = jnp.maximum(out, 0.0)
    elif act == "l2norm":
        nrm = jnp.sqrt(jnp.sum(out * out, axis=1, keepdims=True))
        out = out / jnp.maximum(nrm, 1e-12)
    o_ref[...] = out


def _combine(act, p0, p1, d0, d1, h, Wl, bl, Wr):
    grid = (N // BN,)
    row_spec = pl.BlockSpec((BN, D), lambda i: (i, 0))
    deg_spec = pl.BlockSpec((BN, 1), lambda i: (i, 0))
    full = pl.BlockSpec((D, D), lambda i: (0, 0))
    bias = pl.BlockSpec((8, D), lambda i: (0, 0))
    return pl.pallas_call(
        functools.partial(_combine_body, act),
        grid=grid,
        in_specs=[row_spec, row_spec, deg_spec, deg_spec, row_spec,
                  full, bias, full],
        out_specs=row_spec,
        out_shape=jax.ShapeDtypeStruct((N, D), jnp.float32),
    )(p0, p1, d0, d1, h, Wl, jnp.broadcast_to(bl, (8, D)), Wr)


def kernel(x, edge_index, W_pre, b_pre, W_pre2, b_pre2,
           Wl1, bl1, Wr1, Wl2, bl2, Wr2):
    src = edge_index[0].reshape(NW * G, KG, 1, C)
    dst = edge_index[1].reshape(NW * G, KG, 1, C)
    zacc = jnp.zeros((RPT, D), jnp.float32)
    zdeg = jnp.zeros((RPT,), jnp.float32)

    h = _pre_transform(x, W_pre, b_pre, W_pre2, b_pre2)

    part1, degp = _sc_agg_deg(h, src, dst, zacc, zdeg)
    d0 = degp[:N].reshape(N, 1)
    d1 = degp[NPAD:NPAD + N].reshape(N, 1)
    h1 = _combine("relu",
                  part1[0, :N], part1[1, :N], d0, d1,
                  h, Wl1, bl1, Wr1)

    part2 = _sc_agg(h1, src, dst, zacc, zdeg)
    out = _combine("l2norm",
                   part2[0, :N], part2[1, :N], d0, d1,
                   h1, Wl2, bl2, Wr2)
    return out

# --- scband reference (transcript-rebuilt; emitter-appended) ---
"""Pipeline reference for scband-sage-64003602645175 (READ-ONLY COPY).

The authoritative reference and input builder live on the scoring server;
editing this copy changes nothing except your own understanding.
"""

import jax, jax.numpy as jnp
import numpy as np

N = 10000
E = 320000
D = 128


def setup_inputs(seed: int = 0) -> dict:
    key = jax.random.key(seed)
    ks = jax.random.split(key, 12)
    x = jax.random.normal(ks[0], (N, D), dtype=jnp.float32)
    edge_index = jax.random.randint(ks[1], (2, E), 0, N, dtype=jnp.int32)
    s = 1.0 / np.sqrt(D)
    W_pre = jax.random.uniform(ks[2], (D, D), dtype=jnp.float32, minval=-s, maxval=s)
    b_pre = jax.random.uniform(ks[3], (D,), dtype=jnp.float32, minval=-s, maxval=s)
    W_pre2 = jax.random.uniform(ks[4], (D, D), dtype=jnp.float32, minval=-s, maxval=s)
    b_pre2 = jax.random.uniform(ks[5], (D,), dtype=jnp.float32, minval=-s, maxval=s)
    Wl1 = jax.random.uniform(ks[6], (D, D), dtype=jnp.float32, minval=-s, maxval=s)
    bl1 = jnp.zeros((D,), dtype=jnp.float32)
    Wr1 = jax.random.uniform(ks[7], (D, D), dtype=jnp.float32, minval=-s, maxval=s)
    Wl2 = jax.random.uniform(ks[8], (D, D), dtype=jnp.float32, minval=-s, maxval=s)
    bl2 = jnp.zeros((D,), dtype=jnp.float32)
    Wr2 = jax.random.uniform(ks[9], (D, D), dtype=jnp.float32, minval=-s, maxval=s)
    return {"x": x, "edge_index": edge_index, "W_pre": W_pre, "b_pre": b_pre,
            "W_pre2": W_pre2, "b_pre2": b_pre2, "Wl1": Wl1, "bl1": bl1, "Wr1": Wr1,
            "Wl2": Wl2, "bl2": bl2, "Wr2": Wr2}


def _sage_conv(h, src, dst, Wl, bl, Wr):
    # PyG SAGEConv with mean aggregation: lin_l(mean_agg(x_src -> dst)) + lin_r(x)
    msgs = jnp.take(h, src, axis=0)
    agg = jax.ops.segment_sum(msgs, dst, num_segments=N)
    deg = jax.ops.segment_sum(jnp.ones((E,), dtype=h.dtype), dst, num_segments=N)
    mean = agg / jnp.clip(deg, 1.0)[:, None]
    return mean @ Wl.T + bl + h @ Wr.T


def reference(x, edge_index, W_pre, b_pre, W_pre2, b_pre2, Wl1, bl1, Wr1, Wl2, bl2, Wr2):
    src = edge_index[0]
    dst = edge_index[1]
    h = x @ W_pre.T + b_pre
    h = h @ W_pre2.T + b_pre2
    h = _sage_conv(h, src, dst, Wl1, bl1, Wr1)
    h = jax.nn.relu(h)
    # dropout skipped (eval mode / self.training=False)
    h = _sage_conv(h, src, dst, Wl2, bl2, Wr2)
    nrm = jnp.linalg.norm(h, axis=-1, keepdims=True)
    out = h / jnp.clip(nrm, 1e-12)
    return out

if __name__ == "__main__":
    import jax
    _d = setup_inputs()
    print(jax.jit(kernel)(*tuple(_d.values())))

</pallas_src>

<mosaic_0001>
#map = affine_map<(d0, d1) -> (0, 0)>
#map1 = affine_map<(d0, d1) -> (0, 0, 0, 0)>
#map2 = affine_map<(d0, d1) -> (0)>
#map3 = affine_map<(d0, d1) -> (0, 0, 0)>
module attributes {stable_mosaic.version = 14 : i64} {
  func.func @_sc_agg_body(%arg0: i32, %arg1: i32, %arg2: memref<10000x128xf32, #tpu.memory_space<hbm>>, %arg3: memref<128x20x1x125xi32, #tpu.memory_space<hbm>>, %arg4: memref<128x20x1x125xi32, #tpu.memory_space<hbm>>, %arg5: memref<640x128xf32, #tpu.memory_space<hbm>>, %arg6: memref<640xf32, #tpu.memory_space<hbm>>, %arg7: memref<2x10240x128xf32, #tpu.memory_space<hbm>>, %arg8: memref<10240x128xf32, #tpu.memory_space<vmem_shared>>, %arg9: memref<20x1x125xi32, #tpu.memory_space<vmem>>, %arg10: memref<20x1x125xi32, #tpu.memory_space<vmem>>, %arg11: memref<125x128xf32, #tpu.memory_space<vmem>>, %arg12: memref<125x128xf32, #tpu.memory_space<vmem>>, %arg13: memref<!tpu.dma_semaphore, #tpu.memory_space<semaphore_mem>>, %arg14: memref<!tpu.dma_semaphore, #tpu.memory_space<semaphore_mem>>, %arg15: memref<!tpu.dma_semaphore, #tpu.memory_space<semaphore_mem>>, %arg16: memref<!tpu.dma_semaphore, #tpu.memory_space<semaphore_mem>>) attributes {dimension_semantics = [#tpu.dimension_semantics<core_parallel>, #tpu.dimension_semantics<subcore_parallel>], iteration_bounds = array<i64: 2, 16>, scalar_prefetch = 0 : i64, scratch_operands = 9 : i64, tpu.core_type = #tpu.core_type<sc_vector_subcore>, window_params = [{transform_indices = #map}, {transform_indices = #map1}, {transform_indices = #map1}, {transform_indices = #map}, {transform_indices = #map2}, {transform_indices = #map3}]} {
    %mul3A = arith.constant 2 : i32
    %mul3A_0 = arith.muli %arg1, %mul3A : i32
    %add3A = arith.addi %mul3A_0, %arg0 : i32
    %mul3A_1 = arith.constant 640 : i32
    %mul3A_2 = arith.muli %arg1, %mul3A_1 : i32
    "tpu.region"() ({
      %run_scoped3A = tpu.sem_alloc : memref<!tpu.dma_semaphore, #tpu.memory_space<semaphore_mem>>
      %dma_start3A = arith.constant 0 : i32
      %dma_start3A_12 = tpu.memref_slice %arg8[%mul3A_2, %dma_start3A] : memref<10240x128xf32, #tpu.memory_space<vmem_shared>> -> memref<640x128xf32, #tpu.memory_space<vmem_shared>>
      tpu.enqueue_dma source(%arg5 : memref<640x128xf32, #tpu.memory_space<hbm>>) target(%dma_start3A_12 : memref<640x128xf32, #tpu.memory_space<vmem_shared>>) target_semaphore(%run_scoped3A : memref<!tpu.dma_semaphore, #tpu.memory_space<semaphore_mem>>)
      %dma_wait3A = arith.constant 0 : i32
      %dma_wait3A_13 = tpu.memref_slice %arg8[%mul3A_2, %dma_wait3A] : memref<10240x128xf32, #tpu.memory_space<vmem_shared>> -> memref<640x128xf32, #tpu.memory_space<vmem_shared>>
      tpu.wait_dma2 semaphore(%run_scoped3A : memref<!tpu.dma_semaphore, #tpu.memory_space<semaphore_mem>>) src(%arg5 : memref<640x128xf32, #tpu.memory_space<hbm>>) dst(%dma_wait3A_13 : memref<640x128xf32, #tpu.memory_space<vmem_shared>>)
      tpu.yield
    }) : () -> ()
    %barrier3A = arith.constant 0 : index
    tpu.barrier barrier_id(%barrier3A)
    %scan3A = arith.constant 0 : i32
    %scan3A_3 = arith.constant 4 : i32
    %scan3A_4 = arith.addi %scan3A, %scan3A_3 : i32
    %scan3A_5 = arith.constant 1 : i32
    scf.for %scan3A_12 = %scan3A to %scan3A_4 step %scan3A_5  : i32 {
      %mul3A_13 = arith.constant 4 : i32
      %mul3A_14 = arith.muli %add3A, %mul3A_13 : i32
      %add3A_15 = arith.addi %mul3A_14, %scan3A_12 : i32
      "tpu.region"() ({
        %run_scoped3A = tpu.sem_alloc : memref<!tpu.dma_semaphore, #tpu.memory_space<semaphore_mem>>
        %dma_start3A_83 = arith.constant 0 : i32
        %dma_start3A_84 = arith.constant 0 : i32
        %dma_start3A_85 = arith.constant 0 : i32
        %dma_start3A_86 = tpu.memref_slice %arg3[%add3A_15, %dma_start3A_83, %dma_start3A_84, %dma_start3A_85] : memref<128x20x1x125xi32, #tpu.memory_space<hbm>> -> memref<1x20x1x125xi32, #tpu.memory_space<hbm>>
        %dma_start3A_87 = tpu.memref_squeeze %dma_start3A_86 : memref<1x20x1x125xi32, #tpu.memory_space<hbm>> -> memref<20x1x125xi32, #tpu.memory_space<hbm>>
        %dma_start3A_88 = arith.constant 0 : i32
        %dma_start3A_89 = arith.constant 0 : i32
        %dma_start3A_90 = arith.constant 0 : i32
        %dma_start3A_91 = tpu.memref_slice %arg3[%add3A_15, %dma_start3A_88, %dma_start3A_89, %dma_start3A_90] : memref<128x20x1x125xi32, #tpu.memory_space<hbm>> -> memref<1x20x1x125xi32, #tpu.memory_space<hbm>>
        %dma_start3A_92 = tpu.memref_squeeze %dma_start3A_91 : memref<1x20x1x125xi32, #tpu.memory_space<hbm>> -> memref<20x1x125xi32, #tpu.memory_space<hbm>>
        tpu.enqueue_dma source(%dma_start3A_92 : memref<20x1x125xi32, #tpu.memory_space<hbm>>) target(%arg9 : memref<20x1x125xi32, #tpu.memory_space<vmem>>) target_semaphore(%run_scoped3A : memref<!tpu.dma_semaphore, #tpu.memory_space<semaphore_mem>>)
        %dma_wait3A_93 = arith.constant 0 : i32
        %dma_wait3A_94 = arith.constant 0 : i32
        %dma_wait3A_95 = arith.constant 0 : i32
        %dma_wait3A_96 = tpu.memref_slice %arg3[%add3A_15, %dma_wait3A_93, %dma_wait3A_94, %dma_wait3A_95] : memref<128x20x1x125xi32, #tpu.memory_space<hbm>> -> memref<1x20x1x125xi32, #tpu.memory_space<hbm>>
        %dma_wait3A_97 = tpu.memref_squeeze %dma_wait3A_96 : memref<1x20x1x125xi32, #tpu.memory_space<hbm>> -> memref<20x1x125xi32, #tpu.memory_space<hbm>>
        %dma_wait3A_98 = arith.constant 0 : i32
        %dma_wait3A_99 = arith.constant 0 : i32
        %dma_wait3A_100 = arith.constant 0 : i32
        %dma_wait3A_101 = tpu.memref_slice %arg3[%add3A_15, %dma_wait3A_98, %dma_wait3A_99, %dma_wait3A_100] : memref<128x20x1x125xi32, #tpu.memory_space<hbm>> -> memref<1x20x1x125xi32, #tpu.memory_space<hbm>>
        %dma_wait3A_102 = tpu.memref_squeeze %dma_wait3A_101 : memref<1x20x1x125xi32, #tpu.memory_space<hbm>> -> memref<20x1x125xi32, #tpu.memory_space<hbm>>
        tpu.wait_dma2 semaphore(%run_scoped3A : memref<!tpu.dma_semaphore, #tpu.memory_space<semaphore_mem>>) src(%dma_wait3A_102 : memref<20x1x125xi32, #tpu.memory_space<hbm>>) dst(%arg9 : memref<20x1x125xi32, #tpu.memory_space<vmem>>)
        tpu.yield
      }) : () -> ()
      "tpu.region"() ({
        %run_scoped3A = tpu.sem_alloc : memref<!tpu.dma_semaphore, #tpu.memory_space<semaphore_mem>>
        %dma_start3A_83 = arith.constant 0 : i32
        %dma_start3A_84 = arith.constant 0 : i32
        %dma_start3A_85 = arith.constant 0 : i32
        %dma_start3A_86 = tpu.memref_slice %arg4[%add3A_15, %dma_start3A_83, %dma_start3A_84, %dma_start3A_85] : memref<128x20x1x125xi32, #tpu.memory_space<hbm>> -> memref<1x20x1x125xi32, #tpu.memory_space<hbm>>
        %dma_start3A_87 = tpu.memref_squeeze %dma_start3A_86 : memref<1x20x1x125xi32, #tpu.memory_space<hbm>> -> memref<20x1x125xi32, #tpu.memory_space<hbm>>
        %dma_start3A_88 = arith.constant 0 : i32
        %dma_start3A_89 = arith.constant 0 : i32
        %dma_start3A_90 = arith.constant 0 : i32
        %dma_start3A_91 = tpu.memref_slice %arg4[%add3A_15, %dma_start3A_88, %dma_start3A_89, %dma_start3A_90] : memref<128x20x1x125xi32, #tpu.memory_space<hbm>> -> memref<1x20x1x125xi32, #tpu.memory_space<hbm>>
        %dma_start3A_92 = tpu.memref_squeeze %dma_start3A_91 : memref<1x20x1x125xi32, #tpu.memory_space<hbm>> -> memref<20x1x125xi32, #tpu.memory_space<hbm>>
        tpu.enqueue_dma source(%dma_start3A_92 : memref<20x1x125xi32, #tpu.memory_space<hbm>>) target(%arg10 : memref<20x1x125xi32, #tpu.memory_space<vmem>>) target_semaphore(%run_scoped3A : memref<!tpu.dma_semaphore, #tpu.memory_space<semaphore_mem>>)
        %dma_wait3A_93 = arith.constant 0 : i32
        %dma_wait3A_94 = arith.constant 0 : i32
        %dma_wait3A_95 = arith.constant 0 : i32
        %dma_wait3A_96 = tpu.memref_slice %arg4[%add3A_15, %dma_wait3A_93, %dma_wait3A_94, %dma_wait3A_95] : memref<128x20x1x125xi32, #tpu.memory_space<hbm>> -> memref<1x20x1x125xi32, #tpu.memory_space<hbm>>
        %dma_wait3A_97 = tpu.memref_squeeze %dma_wait3A_96 : memref<1x20x1x125xi32, #tpu.memory_space<hbm>> -> memref<20x1x125xi32, #tpu.memory_space<hbm>>
        %dma_wait3A_98 = arith.constant 0 : i32
        %dma_wait3A_99 = arith.constant 0 : i32
        %dma_wait3A_100 = arith.constant 0 : i32
        %dma_wait3A_101 = tpu.memref_slice %arg4[%add3A_15, %dma_wait3A_98, %dma_wait3A_99, %dma_wait3A_100] : memref<128x20x1x125xi32, #tpu.memory_space<hbm>> -> memref<1x20x1x125xi32, #tpu.memory_space<hbm>>
        %dma_wait3A_102 = tpu.memref_squeeze %dma_wait3A_101 : memref<1x20x1x125xi32, #tpu.memory_space<hbm>> -> memref<20x1x125xi32, #tpu.memory_space<hbm>>
        tpu.wait_dma2 semaphore(%run_scoped3A : memref<!tpu.dma_semaphore, #tpu.memory_space<semaphore_mem>>) src(%dma_wait3A_102 : memref<20x1x125xi32, #tpu.memory_space<hbm>>) dst(%arg10 : memref<20x1x125xi32, #tpu.memory_space<vmem>>)
        tpu.yield
      }) : () -> ()
      %dma_start3A = arith.constant 0 : i32
      %dma_start3A_16 = arith.constant 0 : i32
      %dma_start3A_17 = arith.constant 0 : i32
      %dma_start3A_18 = tpu.memref_slice %arg9[%dma_start3A, %dma_start3A_16, %dma_start3A_17] : memref<20x1x125xi32, #tpu.memory_space<vmem>> -> memref<1x1x125xi32, #tpu.memory_space<vmem>>
      %dma_start3A_19 = tpu.memref_squeeze %dma_start3A_18 : memref<1x1x125xi32, #tpu.memory_space<vmem>> -> memref<125xi32, #tpu.memory_space<vmem>>
      %dma_start3A_20 = arith.constant 0 : i32
      %dma_start3A_21 = arith.constant 0 : i32
      %dma_start3A_22 = tpu.memref_slice %arg2[%dma_start3A_20, %dma_start3A_21] : memref<10000x128xf32, #tpu.memory_space<hbm>> -> memref<10000x128xf32, #tpu.memory_space<hbm>>
      tpu.enqueue_indirect_dma source(%dma_start3A_22 : memref<10000x128xf32, #tpu.memory_space<hbm>>) target(%arg11 : memref<125x128xf32, #tpu.memory_space<vmem>>) offsets(%dma_start3A_19 : memref<125xi32, #tpu.memory_space<vmem>>) semaphore(%arg13 : memref<!tpu.dma_semaphore, #tpu.memory_space<semaphore_mem>>)
      %dma_start3A_23 = arith.constant 1 : i32
      %dma_start3A_24 = arith.constant 0 : i32
      %dma_start3A_25 = arith.constant 0 : i32
      %dma_start3A_26 = tpu.memref_slice %arg9[%dma_start3A_23, %dma_start3A_24, %dma_start3A_25] : memref<20x1x125xi32, #tpu.memory_space<vmem>> -> memref<1x1x125xi32, #tpu.memory_space<vmem>>
      %dma_start3A_27 = tpu.memref_squeeze %dma_start3A_26 : memref<1x1x125xi32, #tpu.memory_space<vmem>> -> memref<125xi32, #tpu.memory_space<vmem>>
      %dma_start3A_28 = arith.constant 0 : i32
      %dma_start3A_29 = arith.constant 0 : i32
      %dma_start3A_30 = tpu.memref_slice %arg2[%dma_start3A_28, %dma_start3A_29] : memref<10000x128xf32, #tpu.memory_space<hbm>> -> memref<10000x128xf32, #tpu.memory_space<hbm>>
      tpu.enqueue_indirect_dma source(%dma_start3A_30 : memref<10000x128xf32, #tpu.memory_space<hbm>>) target(%arg12 : memref<125x128xf32, #tpu.memory_space<vmem>>) offsets(%dma_start3A_27 : memref<125xi32, #tpu.memory_space<vmem>>) semaphore(%arg14 : memref<!tpu.dma_semaphore, #tpu.memory_space<semaphore_mem>>)
      %scan3A_31 = arith.constant 0 : i32
      %scan3A_32 = arith.constant 9 : i32
      %scan3A_33 = arith.addi %scan3A_31, %scan3A_32 : i32
      %scan3A_34 = arith.constant 1 : i32
      scf.for %scan3A_83 = %scan3A_31 to %scan3A_33 step %scan3A_34  : i32 {
        %mul3A_84 = arith.constant 2 : i32
        %mul3A_85 = arith.muli %mul3A_84, %scan3A_83 : i32
        %dma_wait3A_86 = arith.constant 0 : i32
        %dma_wait3A_87 = arith.constant 0 : i32
        %dma_wait3A_88 = tpu.memref_slice %arg9[%mul3A_85, %dma_wait3A_86, %dma_wait3A_87] : memref<20x1x125xi32, #tpu.memory_space<vmem>> -> memref<1x1x125xi32, #tpu.memory_space<vmem>>
        %dma_wait3A_89 = tpu.memref_squeeze %dma_wait3A_88 : memref<1x1x125xi32, #tpu.memory_space<vmem>> -> memref<125xi32, #tpu.memory_space<vmem>>
        %dma_wait3A_90 = arith.constant 0 : i32
        %dma_wait3A_91 = arith.constant 0 : i32
        %dma_wait3A_92 = tpu.memref_slice %arg2[%dma_wait3A_90, %dma_wait3A_91] : memref<10000x128xf32, #tpu.memory_space<hbm>> -> memref<10000x128xf32, #tpu.memory_space<hbm>>
        tpu.wait_indirect_dma semaphore(%arg13 : memref<!tpu.dma_semaphore, #tpu.memory_space<semaphore_mem>>) src(%dma_wait3A_92 : memref<10000x128xf32, #tpu.memory_space<hbm>>) dst(%arg11 : memref<125x128xf32, #tpu.memory_space<vmem>>)
        %dma_start3A_93 = arith.constant 0 : i32
        %dma_start3A_94 = arith.constant 0 : i32
        %dma_start3A_95 = tpu.memref_slice %arg10[%mul3A_85, %dma_start3A_93, %dma_start3A_94] : memref<20x1x125xi32, #tpu.memory_space<vmem>> -> memref<1x1x125xi32, #tpu.memory_space<vmem>>
        %dma_start3A_96 = tpu.memref_squeeze %dma_start3A_95 : memref<1x1x125xi32, #tpu.memory_space<vmem>> -> memref<125xi32, #tpu.memory_space<vmem>>
        %dma_start3A_97 = arith.constant 0 : i32
        %dma_start3A_98 = arith.constant 0 : i32
        %dma_start3A_99 = tpu.memref_slice %arg8[%dma_start3A_97, %dma_start3A_98] : memref<10240x128xf32, #tpu.memory_space<vmem_shared>> -> memref<10240x128xf32, #tpu.memory_space<vmem_shared>>
        tpu.enqueue_indirect_dma source(%arg11 : memref<125x128xf32, #tpu.memory_space<vmem>>) target(%dma_start3A_99 : memref<10240x128xf32, #tpu.memory_space<vmem_shared>>) offsets(%dma_start3A_96 : memref<125xi32, #tpu.memory_space<vmem>>) semaphore(%arg15 : memref<!tpu.dma_semaphore, #tpu.memory_space<semaphore_mem>>) {add = true}
        %add3A_100 = arith.constant 1 : i32
        %add3A_101 = arith.addi %mul3A_85, %add3A_100 : i32
        %dma_wait3A_102 = arith.constant 0 : i32
        %dma_wait3A_103 = arith.constant 0 : i32
        %dma_wait3A_104 = tpu.memref_slice %arg9[%add3A_101, %dma_wait3A_102, %dma_wait3A_103] : memref<20x1x125xi32, #tpu.memory_space<vmem>> -> memref<1x1x125xi32, #tpu.memory_space<vmem>>
        %dma_wait3A_105 = tpu.memref_squeeze %dma_wait3A_104 : memref<1x1x125xi32, #tpu.memory_space<vmem>> -> memref<125xi32, #tpu.memory_space<vmem>>
        %dma_wait3A_106 = arith.constant 0 : i32
        %dma_wait3A_107 = arith.constant 0 : i32
        %dma_wait3A_108 = tpu.memref_slice %arg2[%dma_wait3A_106, %dma_wait3A_107] : memref<10000x128xf32, #tpu.memory_space<hbm>> -> memref<10000x128xf32, #tpu.memory_space<hbm>>
        tpu.wait_indirect_dma semaphore(%arg14 : memref<!tpu.dma_semaphore, #tpu.memory_space<semaphore_mem>>) src(%dma_wait3A_108 : memref<10000x128xf32, #tpu.memory_space<hbm>>) dst(%arg12 : memref<125x128xf32, #tpu.memory_space<vmem>>)
        %add3A_109 = arith.constant 1 : i32
        %add3A_110 = arith.addi %mul3A_85, %add3A_109 : i32
        %dma_start3A_111 = arith.constant 0 : i32
        %dma_start3A_112 = arith.constant 0 : i32
        %dma_start3A_113 = tpu.memref_slice %arg10[%add3A_110, %dma_start3A_111, %dma_start3A_112] : memref<20x1x125xi32, #tpu.memory_space<vmem>> -> memref<1x1x125xi32, #tpu.memory_space<vmem>>
        %dma_start3A_114 = tpu.memref_squeeze %dma_start3A_113 : memref<1x1x125xi32, #tpu.memory_space<vmem>> -> memref<125xi32, #tpu.memory_space<vmem>>
        %dma_start3A_115 = arith.constant 0 : i32
        %dma_start3A_116 = arith.constant 0 : i32
        %dma_start3A_117 = tpu.memref_slice %arg8[%dma_start3A_115, %dma_start3A_116] : memref<10240x128xf32, #tpu.memory_space<vmem_shared>> -> memref<10240x128xf32, #tpu.memory_space<vmem_shared>>
        tpu.enqueue_indirect_dma source(%arg12 : memref<125x128xf32, #tpu.memory_space<vmem>>) target(%dma_start3A_117 : memref<10240x128xf32, #tpu.memory_space<vmem_shared>>) offsets(%dma_start3A_114 : memref<125xi32, #tpu.memory_space<vmem>>) semaphore(%arg16 : memref<!tpu.dma_semaphore, #tpu.memory_space<semaphore_mem>>) {add = true}
        %add3A_118 = arith.constant 1 : i32
        %add3A_119 = arith.addi %mul3A_85, %add3A_118 : i32
        %dma_wait3A_120 = arith.constant 0 : i32
        %dma_wait3A_121 = arith.constant 0 : i32
        %dma_wait3A_122 = arith.constant 0 : i32
        %dma_wait3A_123 = tpu.memref_slice %arg10[%dma_wait3A_120, %dma_wait3A_121, %dma_wait3A_122] : memref<20x1x125xi32, #tpu.memory_space<vmem>> -> memref<1x1x125xi32, #tpu.memory_space<vmem>>
        %dma_wait3A_124 = tpu.memref_squeeze %dma_wait3A_123 : memref<1x1x125xi32, #tpu.memory_space<vmem>> -> memref<125xi32, #tpu.memory_space<vmem>>
        %dma_wait3A_125 = arith.constant 0 : i32
        %dma_wait3A_126 = arith.constant 0 : i32
        %dma_wait3A_127 = tpu.memref_slice %arg8[%dma_wait3A_125, %dma_wait3A_126] : memref<10240x128xf32, #tpu.memory_space<vmem_shared>> -> memref<10240x128xf32, #tpu.memory_space<vmem_shared>>
        tpu.wait_indirect_dma semaphore(%arg15 : memref<!tpu.dma_semaphore, #tpu.memory_space<semaphore_mem>>) src(%arg11 : memref<125x128xf32, #tpu.memory_space<vmem>>) dst(%dma_wait3A_127 : memref<10240x128xf32, #tpu.memory_space<vmem_shared>>)
        %add3A_128 = arith.constant 2 : i32
        %add3A_129 = arith.addi %mul3A_85, %add3A_128 : i32
        %dma_start3A_130 = arith.constant 0 : i32
        %dma_start3A_131 = arith.constant 0 : i32
        %dma_start3A_132 = tpu.memref_slice %arg9[%add3A_129, %dma_start3A_130, %dma_start3A_131] : memref<20x1x125xi32, #tpu.memory_space<vmem>> -> memref<1x1x125xi32, #tpu.memory_space<vmem>>
        %dma_start3A_133 = tpu.memref_squeeze %dma_start3A_132 : memref<1x1x125xi32, #tpu.memory_space<vmem>> -> memref<125xi32, #tpu.memory_space<vmem>>
        %dma_start3A_134 = arith.constant 0 : i32
        %dma_start3A_135 = arith.constant 0 : i32
        %dma_start3A_136 = tpu.memref_slice %arg2[%dma_start3A_134, %dma_start3A_135] : memref<10000x128xf32, #tpu.memory_space<hbm>> -> memref<10000x128xf32, #tpu.memory_space<hbm>>
        tpu.enqueue_indirect_dma source(%dma_start3A_136 : memref<10000x128xf32, #tpu.memory_space<hbm>>) target(%arg11 : memref<125x128xf32, #tpu.memory_space<vmem>>) offsets(%dma_start3A_133 : memref<125xi32, #tpu.memory_space<vmem>>) semaphore(%arg13 : memref<!tpu.dma_semaphore, #tpu.memory_space<semaphore_mem>>)
        %dma_wait3A_137 = arith.constant 0 : i32
        %dma_wait3A_138 = arith.constant 0 : i32
        %dma_wait3A_139 = arith.constant 0 : i32
        %dma_wait3A_140 = tpu.memref_slice %arg10[%dma_wait3A_137, %dma_wait3A_138, %dma_wait3A_139] : memref<20x1x125xi32, #tpu.memory_space<vmem>> -> memref<1x1x125xi32, #tpu.memory_space<vmem>>
        %dma_wait3A_141 = tpu.memref_squeeze %dma_wait3A_140 : memref<1x1x125xi32, #tpu.memory_space<vmem>> -> memref<125xi32, #tpu.memory_space<vmem>>
        %dma_wait3A_142 = arith.constant 0 : i32
        %dma_wait3A_143 = arith.constant 0 : i32
        %dma_wait3A_144 = tpu.memref_slice %arg8[%dma_wait3A_142, %dma_wait3A_143] : memref<10240x128xf32, #tpu.memory_space<vmem_shared>> -> memref<10240x128xf32, #tpu.memory_space<vmem_shared>>
        tpu.wait_indirect_dma semaphore(%arg16 : memref<!tpu.dma_semaphore, #tpu.memory_space<semaphore_mem>>) src(%arg12 : memref<125x128xf32, #tpu.memory_space<vmem>>) dst(%dma_wait3A_144 : memref<10240x128xf32, #tpu.memory_space<vmem_shared>>)
        %add3A_145 = arith.constant 3 : i32
        %add3A_146 = arith.addi %mul3A_85, %add3A_145 : i32
        %dma_start3A_147 = arith.constant 0 : i32
        %dma_start3A_148 = arith.constant 0 : i32
        %dma_start3A_149 = tpu.memref_slice %arg9[%add3A_146, %dma_start3A_147, %dma_start3A_148] : memref<20x1x125xi32, #tpu.memory_space<vmem>> -> memref<1x1x125xi32, #tpu.memory_space<vmem>>
        %dma_start3A_150 = tpu.memref_squeeze %dma_start3A_149 : memref<1x1x125xi32, #tpu.memory_space<vmem>> -> memref<125xi32, #tpu.memory_space<vmem>>
        %dma_start3A_151 = arith.constant 0 : i32
        %dma_start3A_152 = arith.constant 0 : i32
        %dma_start3A_153 = tpu.memref_slice %arg2[%dma_start3A_151, %dma_start3A_152] : memref<10000x128xf32, #tpu.memory_space<hbm>> -> memref<10000x128xf32, #tpu.memory_space<hbm>>
        tpu.enqueue_indirect_dma source(%dma_start3A_153 : memref<10000x128xf32, #tpu.memory_space<hbm>>) target(%arg12 : memref<125x128xf32, #tpu.memory_space<vmem>>) offsets(%dma_start3A_150 : memref<125xi32, #tpu.memory_space<vmem>>) semaphore(%arg14 : memref<!tpu.dma_semaphore, #tpu.memory_space<semaphore_mem>>)
      }
      %scan3A_35 = arith.constant 9 : i32
      %dma_wait3A = arith.constant 18 : i32
      %dma_wait3A_36 = arith.constant 0 : i32
      %dma_wait3A_37 = arith.constant 0 : i32
      %dma_wait3A_38 = tpu.memref_slice %arg9[%dma_wait3A, %dma_wait3A_36, %dma_wait3A_37] : memref<20x1x125xi32, #tpu.memory_space<vmem>> -> memref<1x1x125xi32, #tpu.memory_space<vmem>>
      %dma_wait3A_39 = tpu.memref_squeeze %dma_wait3A_38 : memref<1x1x125xi32, #tpu.memory_space<vmem>> -> memref<125xi32, #tpu.memory_space<vmem>>
      %dma_wait3A_40 = arith.constant 0 : i32
      %dma_wait3A_41 = arith.constant 0 : i32
      %dma_wait3A_42 = tpu.memref_slice %arg2[%dma_wait3A_40, %dma_wait3A_41] : memref<10000x128xf32, #tpu.memory_space<hbm>> -> memref<10000x128xf32, #tpu.memory_space<hbm>>
      tpu.wait_indirect_dma semaphore(%arg13 : memref<!tpu.dma_semaphore, #tpu.memory_space<semaphore_mem>>) src(%dma_wait3A_42 : memref<10000x128xf32, #tpu.memory_space<hbm>>) dst(%arg11 : memref<125x128xf32, #tpu.memory_space<vmem>>)
      %dma_start3A_43 = arith.constant 18 : i32
      %dma_start3A_44 = arith.constant 0 : i32
      %dma_start3A_45 = arith.constant 0 : i32
      %dma_start3A_46 = tpu.memref_slice %arg10[%dma_start3A_43, %dma_start3A_44, %dma_start3A_45] : memref<20x1x125xi32, #tpu.memory_space<vmem>> -> memref<1x1x125xi32, #tpu.memory_space<vmem>>
      %dma_start3A_47 = tpu.memref_squeeze %dma_start3A_46 : memref<1x1x125xi32, #tpu.memory_space<vmem>> -> memref<125xi32, #tpu.memory_space<vmem>>
      %dma_start3A_48 = arith.constant 0 : i32
      %dma_start3A_49 = arith.constant 0 : i32
      %dma_start3A_50 = tpu.memref_slice %arg8[%dma_start3A_48, %dma_start3A_49] : memref<10240x128xf32, #tpu.memory_space<vmem_shared>> -> memref<10240x128xf32, #tpu.memory_space<vmem_shared>>
      tpu.enqueue_indirect_dma source(%arg11 : memref<125x128xf32, #tpu.memory_space<vmem>>) target(%dma_start3A_50 : memref<10240x128xf32, #tpu.memory_space<vmem_shared>>) offsets(%dma_start3A_47 : memref<125xi32, #tpu.memory_space<vmem>>) semaphore(%arg15 : memref<!tpu.dma_semaphore, #tpu.memory_space<semaphore_mem>>) {add = true}
      %dma_wait3A_51 = arith.constant 19 : i32
      %dma_wait3A_52 = arith.constant 0 : i32
      %dma_wait3A_53 = arith.constant 0 : i32
      %dma_wait3A_54 = tpu.memref_slice %arg9[%dma_wait3A_51, %dma_wait3A_52, %dma_wait3A_53] : memref<20x1x125xi32, #tpu.memory_space<vmem>> -> memref<1x1x125xi32, #tpu.memory_space<vmem>>
      %dma_wait3A_55 = tpu.memref_squeeze %dma_wait3A_54 : memref<1x1x125xi32, #tpu.memory_space<vmem>> -> memref<125xi32, #tpu.memory_space<vmem>>
      %dma_wait3A_56 = arith.constant 0 : i32
      %dma_wait3A_57 = arith.constant 0 : i32
      %dma_wait3A_58 = tpu.memref_slice %arg2[%dma_wait3A_56, %dma_wait3A_57] : memref<10000x128xf32, #tpu.memory_space<hbm>> -> memref<10000x128xf32, #tpu.memory_space<hbm>>
      tpu.wait_indirect_dma semaphore(%arg14 : memref<!tpu.dma_semaphore, #tpu.memory_space<semaphore_mem>>) src(%dma_wait3A_58 : memref<10000x128xf32, #tpu.memory_space<hbm>>) dst(%arg12 : memref<125x128xf32, #tpu.memory_space<vmem>>)
      %dma_start3A_59 = arith.constant 19 : i32
      %dma_start3A_60 = arith.constant 0 : i32
      %dma_start3A_61 = arith.constant 0 : i32
      %dma_start3A_62 = tpu.memref_slice %arg10[%dma_start3A_59, %dma_start3A_60, %dma_start3A_61] : memref<20x1x125xi32, #tpu.memory_space<vmem>> -> memref<1x1x125xi32, #tpu.memory_space<vmem>>
      %dma_start3A_63 = tpu.memref_squeeze %dma_start3A_62 : memref<1x1x125xi32, #tpu.memory_space<vmem>> -> memref<125xi32, #tpu.memory_space<vmem>>
      %dma_start3A_64 = arith.constant 0 : i32
      %dma_start3A_65 = arith.constant 0 : i32
      %dma_start3A_66 = tpu.memref_slice %arg8[%dma_start3A_64, %dma_start3A_65] : memref<10240x128xf32, #tpu.memory_space<vmem_shared>> -> memref<10240x128xf32, #tpu.memory_space<vmem_shared>>
      tpu.enqueue_indirect_dma source(%arg12 : memref<125x128xf32, #tpu.memory_space<vmem>>) target(%dma_start3A_66 : memref<10240x128xf32, #tpu.memory_space<vmem_shared>>) offsets(%dma_start3A_63 : memref<125xi32, #tpu.memory_space<vmem>>) semaphore(%arg16 : memref<!tpu.dma_semaphore, #tpu.memory_space<semaphore_mem>>) {add = true}
      %dma_wait3A_67 = arith.constant 0 : i32
      %dma_wait3A_68 = arith.constant 0 : i32
      %dma_wait3A_69 = arith.constant 0 : i32
      %dma_wait3A_70 = tpu.memref_slice %arg10[%dma_wait3A_67, %dma_wait3A_68, %dma_wait3A_69] : memref<20x1x125xi32, #tpu.memory_space<vmem>> -> memref<1x1x125xi32, #tpu.memory_space<vmem>>
      %dma_wait3A_71 = tpu.memref_squeeze %dma_wait3A_70 : memref<1x1x125xi32, #tpu.memory_space<vmem>> -> memref<125xi32, #tpu.memory_space<vmem>>
      %dma_wait3A_72 = arith.constant 0 : i32
      %dma_wait3A_73 = arith.constant 0 : i32
      %dma_wait3A_74 = tpu.memref_slice %arg8[%dma_wait3A_72, %dma_wait3A_73] : memref<10240x128xf32, #tpu.memory_space<vmem_shared>> -> memref<10240x128xf32, #tpu.memory_space<vmem_shared>>
      tpu.wait_indirect_dma semaphore(%arg15 : memref<!tpu.dma_semaphore, #tpu.memory_space<semaphore_mem>>) src(%arg11 : memref<125x128xf32, #tpu.memory_space<vmem>>) dst(%dma_wait3A_74 : memref<10240x128xf32, #tpu.memory_space<vmem_shared>>)
      %dma_wait3A_75 = arith.constant 0 : i32
      %dma_wait3A_76 = arith.constant 0 : i32
      %dma_wait3A_77 = arith.constant 0 : i32
      %dma_wait3A_78 = tpu.memref_slice %arg10[%dma_wait3A_75, %dma_wait3A_76, %dma_wait3A_77] : memref<20x1x125xi32, #tpu.memory_space<vmem>> -> memref<1x1x125xi32, #tpu.memory_space<vmem>>
      %dma_wait3A_79 = tpu.memref_squeeze %dma_wait3A_78 : memref<1x1x125xi32, #tpu.memory_space<vmem>> -> memref<125xi32, #tpu.memory_space<vmem>>
      %dma_wait3A_80 = arith.constant 0 : i32
      %dma_wait3A_81 = arith.constant 0 : i32
      %dma_wait3A_82 = tpu.memref_slice %arg8[%dma_wait3A_80, %dma_wait3A_81] : memref<10240x128xf32, #tpu.memory_space<vmem_shared>> -> memref<10240x128xf32, #tpu.memory_space<vmem_shared>>
      tpu.wait_indirect_dma semaphore(%arg16 : memref<!tpu.dma_semaphore, #tpu.memory_space<semaphore_mem>>) src(%arg12 : memref<125x128xf32, #tpu.memory_space<vmem>>) dst(%dma_wait3A_82 : memref<10240x128xf32, #tpu.memory_space<vmem_shared>>)
    }
    %scan3A_6 = arith.constant 4 : i32
    %barrier3A_7 = arith.constant 0 : index
    tpu.barrier barrier_id(%barrier3A_7)
    %mul3A_8 = arith.constant 640 : i32
    %mul3A_9 = arith.muli %arg1, %mul3A_8 : i32
    %mul3A_10 = arith.constant 640 : i32
    %mul3A_11 = arith.muli %arg1, %mul3A_10 : i32
    "tpu.region"() ({
      %run_scoped3A = tpu.sem_alloc : memref<!tpu.dma_semaphore, #tpu.memory_space<semaphore_mem>>
      %dma_start3A = arith.constant 0 : i32
      %dma_start3A_12 = tpu.memref_slice %arg7[%arg0, %mul3A_11, %dma_start3A] : memref<2x10240x128xf32, #tpu.memory_space<hbm>> -> memref<1x640x128xf32, #tpu.memory_space<hbm>>
      %dma_start3A_13 = tpu.memref_squeeze %dma_start3A_12 : memref<1x640x128xf32, #tpu.memory_space<hbm>> -> memref<640x128xf32, #tpu.memory_space<hbm>>
      %dma_start3A_14 = arith.constant 0 : i32
      %dma_start3A_15 = tpu.memref_slice %arg8[%mul3A_9, %dma_start3A_14] : memref<10240x128xf32, #tpu.memory_space<vmem_shared>> -> memref<640x128xf32, #tpu.memory_space<vmem_shared>>
      tpu.enqueue_dma source(%dma_start3A_15 : memref<640x128xf32, #tpu.memory_space<vmem_shared>>) target(%dma_start3A_13 : memref<640x128xf32, #tpu.memory_space<hbm>>) target_semaphore(%run_scoped3A : memref<!tpu.dma_semaphore, #tpu.memory_space<semaphore_mem>>)
      %dma_wait3A = arith.constant 0 : i32
      %dma_wait3A_16 = tpu.memref_slice %arg7[%arg0, %mul3A_11, %dma_wait3A] : memref<2x10240x128xf32, #tpu.memory_space<hbm>> -> memref<1x640x128xf32, #tpu.memory_space<hbm>>
      %dma_wait3A_17 = tpu.memref_squeeze %dma_wait3A_16 : memref<1x640x128xf32, #tpu.memory_space<hbm>> -> memref<640x128xf32, #tpu.memory_space<hbm>>
      %dma_wait3A_18 = arith.constant 0 : i32
      %dma_wait3A_19 = tpu.memref_slice %arg8[%mul3A_9, %dma_wait3A_18] : memref<10240x128xf32, #tpu.memory_space<vmem_shared>> -> memref<640x128xf32, #tpu.memory_space<vmem_shared>>
      tpu.wait_dma2 semaphore(%run_scoped3A : memref<!tpu.dma_semaphore, #tpu.memory_space<semaphore_mem>>) src(%dma_wait3A_19 : memref<640x128xf32, #tpu.memory_space<vmem_shared>>) dst(%dma_wait3A_17 : memref<640x128xf32, #tpu.memory_space<hbm>>)
      tpu.yield
    }) : () -> ()
    return
  }
}

#map = affine_map<(d0, d1) -> (0, 0)>
#map1 = affine_map<(d0, d1) -> (0, 0, 0, 0)>
#map2 = affine_map<(d0, d1) -> (0)>
#map3 = affine_map<(d0, d1) -> (0, 0, 0)>
module attributes {stable_mosaic.version = 14 : i64} {
  func.func @_sc_agg_body(%arg0: i32, %arg1: i32, %arg2: memref<10000x128xf32, #tpu.memory_space<hbm>>, %arg3: memref<128x20x1x125xi32, #tpu.memory_space<hbm>>, %arg4: memref<128x20x1x125xi32, #tpu.memory_space<hbm>>, %arg5: memref<640x128xf32, #tpu.memory_space<hbm>>, %arg6: memref<640xf32, #tpu.memory_space<hbm>>, %arg7: memref<2x10240x128xf32, #tpu.memory_space<hbm>>, %arg8: memref<20480xf32, #tpu.memory_space<hbm>>, %arg9: memref<10240x128xf32, #tpu.memory_space<vmem_shared>>, %arg10: memref<10240xf32, #tpu.memory_space<vmem_shared>>, %arg11: memref<20x1x125xi32, #tpu.memory_space<vmem>>, %arg12: memref<20x1x125xi32, #tpu.memory_space<vmem>>, %arg13: memref<125x128xf32, #tpu.memory_space<vmem>>, %arg14: memref<125x128xf32, #tpu.memory_space<vmem>>, %arg15: memref<125xf32, #tpu.memory_space<vmem>>, %arg16: memref<!tpu.dma_semaphore, #tpu.memory_space<semaphore_mem>>, %arg17: memref<!tpu.dma_semaphore, #tpu.memory_space<semaphore_mem>>, %arg18: memref<!tpu.dma_semaphore, #tpu.memory_space<semaphore_mem>>, %arg19: memref<!tpu.dma_semaphore, #tpu.memory_space<semaphore_mem>>, %arg20: memref<!tpu.dma_semaphore, #tpu.memory_space<semaphore_mem>>) attributes {dimension_semantics = [#tpu.dimension_semantics<core_parallel>, #tpu.dimension_semantics<subcore_parallel>], iteration_bounds = array<i64: 2, 16>, scalar_prefetch = 0 : i64, scratch_operands = 12 : i64, tpu.core_type = #tpu.core_type<sc_vector_subcore>, window_params = [{transform_indices = #map}, {transform_indices = #map1}, {transform_indices = #map1}, {transform_indices = #map}, {transform_indices = #map2}, {transform_indices = #map3}, {transform_indices = #map2}]} {
    %mul3A = arith.constant 2 : i32
    %mul3A_0 = arith.muli %arg1, %mul3A : i32
    %add3A = arith.addi %mul3A_0, %arg0 : i32
    %mul3A_1 = arith.constant 640 : i32
    %mul3A_2 = arith.muli %arg1, %mul3A_1 : i32
    "tpu.region"() ({
      %run_scoped3A = tpu.sem_alloc : memref<!tpu.dma_semaphore, #tpu.memory_space<semaphore_mem>>
      %dma_start3A = tpu.memref_slice %arg10[%mul3A_2] : memref<10240xf32, #tpu.memory_space<vmem_shared>> -> memref<640xf32, #tpu.memory_space<vmem_shared>>
      tpu.enqueue_dma source(%arg6 : memref<640xf32, #tpu.memory_space<hbm>>) target(%dma_start3A : memref<640xf32, #tpu.memory_space<vmem_shared>>) target_semaphore(%run_scoped3A : memref<!tpu.dma_semaphore, #tpu.memory_space<semaphore_mem>>)
      %dma_wait3A = tpu.memref_slice %arg10[%mul3A_2] : memref<10240xf32, #tpu.memory_space<vmem_shared>> -> memref<640xf32, #tpu.memory_space<vmem_shared>>
      tpu.wait_dma2 semaphore(%run_scoped3A : memref<!tpu.dma_semaphore, #tpu.memory_space<semaphore_mem>>) src(%arg6 : memref<640xf32, #tpu.memory_space<hbm>>) dst(%dma_wait3A : memref<640xf32, #tpu.memory_space<vmem_shared>>)
      tpu.yield
    }) : () -> ()
    %broadcast_in_dim3A = arith.constant 1.000000e+00 : f32
    %broadcast_in_dim3A_3 = vector.broadcast %broadcast_in_dim3A : f32 to vector<16xf32>
    %scan3A = arith.constant 0 : i32
    %scan3A_4 = arith.constant 7 : i32
    %scan3A_5 = arith.addi %scan3A, %scan3A_4 : i32
    %scan3A_6 = arith.constant 1 : i32
    scf.for %scan3A_30 = %scan3A to %scan3A_5 step %scan3A_6  : i32 {
      %mul3A_31 = arith.constant 16 : i32
      %mul3A_32 = arith.muli %scan3A_30, %mul3A_31 : i32
      %swap3A_33 = arith.index_cast %mul3A_32 : i32 to index
      %swap3A_34 = tpu.vector_load %arg15[%swap3A_33] {strides = array<i32>} : memref<125xf32, #tpu.memory_space<vmem>>, vector<16xf32>,
      %swap3A_35 = vector.shape_cast %swap3A_34 : vector<16xf32> to vector<16xf32>
      %swap3A_36 = vector.shape_cast %broadcast_in_dim3A_3 : vector<16xf32> to vector<16xf32>
      tpu.vector_store %arg15[%swap3A_33], %swap3A_36 {strides = array<i32>} : memref<125xf32, #tpu.memory_space<vmem>>, vector<16xf32>,
    }
    %scan3A_7 = arith.constant 7 : i32
    %swap3A = arith.constant 109 : index
    %swap3A_8 = tpu.vector_load %arg15[%swap3A] {strides = array<i32>} : memref<125xf32, #tpu.memory_space<vmem>>, vector<16xf32>,
    %swap3A_9 = vector.shape_cast %swap3A_8 : vector<16xf32> to vector<16xf32>
    %swap3A_10 = vector.shape_cast %broadcast_in_dim3A_3 : vector<16xf32> to vector<16xf32>
    tpu.vector_store %arg15[%swap3A], %swap3A_10 {strides = array<i32>} : memref<125xf32, #tpu.memory_space<vmem>>, vector<16xf32>,
    %mul3A_11 = arith.constant 640 : i32
    %mul3A_12 = arith.muli %arg1, %mul3A_11 : i32
    "tpu.region"() ({
      %run_scoped3A = tpu.sem_alloc : memref<!tpu.dma_semaphore, #tpu.memory_space<semaphore_mem>>
      %dma_start3A = arith.constant 0 : i32
      %dma_start3A_30 = tpu.memref_slice %arg9[%mul3A_12, %dma_start3A] : memref<10240x128xf32, #tpu.memory_space<vmem_shared>> -> memref<640x128xf32, #tpu.memory_space<vmem_shared>>
      tpu.enqueue_dma source(%arg5 : memref<640x128xf32, #tpu.memory_space<hbm>>) target(%dma_start3A_30 : memref<640x128xf32, #tpu.memory_space<vmem_shared>>) target_semaphore(%run_scoped3A : memref<!tpu.dma_semaphore, #tpu.memory_space<semaphore_mem>>)
      %dma_wait3A = arith.constant 0 : i32
      %dma_wait3A_31 = tpu.memref_slice %arg9[%mul3A_12, %dma_wait3A] : memref<10240x128xf32, #tpu.memory_space<vmem_shared>> -> memref<640x128xf32, #tpu.memory_space<vmem_shared>>
      tpu.wait_dma2 semaphore(%run_scoped3A : memref<!tpu.dma_semaphore, #tpu.memory_space<semaphore_mem>>) src(%arg5 : memref<640x128xf32, #tpu.memory_space<hbm>>) dst(%dma_wait3A_31 : memref<640x128xf32, #tpu.memory_space<vmem_shared>>)
      tpu.yield
    }) : () -> ()
    %barrier3A = arith.constant 0 : index
    tpu.barrier barrier_id(%barrier3A)
    %scan3A_13 = arith.constant 0 : i32
    %scan3A_14 = arith.constant 4 : i32
    %scan3A_15 = arith.addi %scan3A_13, %scan3A_14 : i32
    %scan3A_16 = arith.constant 1 : i32
    scf.for %scan3A_30 = %scan3A_13 to %scan3A_15 step %scan3A_16  : i32 {
      %mul3A_31 = arith.constant 4 : i32
      %mul3A_32 = arith.muli %add3A, %mul3A_31 : i32
      %add3A_33 = arith.addi %mul3A_32, %scan3A_30 : i32
      "tpu.region"() ({
        %run_scoped3A = tpu.sem_alloc : memref<!tpu.dma_semaphore, #tpu.memory_space<semaphore_mem>>
        %dma_start3A_120 = arith.constant 0 : i32
        %dma_start3A_121 = arith.constant 0 : i32
        %dma_start3A_122 = arith.constant 0 : i32
        %dma_start3A_123 = tpu.memref_slice %arg3[%add3A_33, %dma_start3A_120, %dma_start3A_121, %dma_start3A_122] : memref<128x20x1x125xi32, #tpu.memory_space<hbm>> -> memref<1x20x1x125xi32, #tpu.memory_space<hbm>>
        %dma_start3A_124 = tpu.memref_squeeze %dma_start3A_123 : memref<1x20x1x125xi32, #tpu.memory_space<hbm>> -> memref<20x1x125xi32, #tpu.memory_space<hbm>>
        %dma_start3A_125 = arith.constant 0 : i32
        %dma_start3A_126 = arith.constant 0 : i32
        %dma_start3A_127 = arith.constant 0 : i32
        %dma_start3A_128 = tpu.memref_slice %arg3[%add3A_33, %dma_start3A_125, %dma_start3A_126, %dma_start3A_127] : memref<128x20x1x125xi32, #tpu.memory_space<hbm>> -> memref<1x20x1x125xi32, #tpu.memory_space<hbm>>
        %dma_start3A_129 = tpu.memref_squeeze %dma_start3A_128 : memref<1x20x1x125xi32, #tpu.memory_space<hbm>> -> memref<20x1x125xi32, #tpu.memory_space<hbm>>
        tpu.enqueue_dma source(%dma_start3A_129 : memref<20x1x125xi32, #tpu.memory_space<hbm>>) target(%arg11 : memref<20x1x125xi32, #tpu.memory_space<vmem>>) target_semaphore(%run_scoped3A : memref<!tpu.dma_semaphore, #tpu.memory_space<semaphore_mem>>)
        %dma_wait3A_130 = arith.constant 0 : i32
        %dma_wait3A_131 = arith.constant 0 : i32
        %dma_wait3A_132 = arith.constant 0 : i32
        %dma_wait3A_133 = tpu.memref_slice %arg3[%add3A_33, %dma_wait3A_130, %dma_wait3A_131, %dma_wait3A_132] : memref<128x20x1x125xi32, #tpu.memory_space<hbm>> -> memref<1x20x1x125xi32, #tpu.memory_space<hbm>>
        %dma_wait3A_134 = tpu.memref_squeeze %dma_wait3A_133 : memref<1x20x1x125xi32, #tpu.memory_space<hbm>> -> memref<20x1x125xi32, #tpu.memory_space<hbm>>
        %dma_wait3A_135 = arith.constant 0 : i32
        %dma_wait3A_136 = arith.constant 0 : i32
        %dma_wait3A_137 = arith.constant 0 : i32
        %dma_wait3A_138 = tpu.memref_slice %arg3[%add3A_33, %dma_wait3A_135, %dma_wait3A_136, %dma_wait3A_137] : memref<128x20x1x125xi32, #tpu.memory_space<hbm>> -> memref<1x20x1x125xi32, #tpu.memory_space<hbm>>
        %dma_wait3A_139 = tpu.memref_squeeze %dma_wait3A_138 : memref<1x20x1x125xi32, #tpu.memory_space<hbm>> -> memref<20x1x125xi32, #tpu.memory_space<hbm>>
        tpu.wait_dma2 semaphore(%run_scoped3A : memref<!tpu.dma_semaphore, #tpu.memory_space<semaphore_mem>>) src(%dma_wait3A_139 : memref<20x1x125xi32, #tpu.memory_space<hbm>>) dst(%arg11 : memref<20x1x125xi32, #tpu.memory_space<vmem>>)
        tpu.yield
      }) : () -> ()
      "tpu.region"() ({
        %run_scoped3A = tpu.sem_alloc : memref<!tpu.dma_semaphore, #tpu.memory_space<semaphore_mem>>
        %dma_start3A_120 = arith.constant 0 : i32
        %dma_start3A_121 = arith.constant 0 : i32
        %dma_start3A_122 = arith.constant 0 : i32
        %dma_start3A_123 = tpu.memref_slice %arg4[%add3A_33, %dma_start3A_120, %dma_start3A_121, %dma_start3A_122] : memref<128x20x1x125xi32, #tpu.memory_space<hbm>> -> memref<1x20x1x125xi32, #tpu.memory_space<hbm>>
        %dma_start3A_124 = tpu.memref_squeeze %dma_start3A_123 : memref<1x20x1x125xi32, #tpu.memory_space<hbm>> -> memref<20x1x125xi32, #tpu.memory_space<hbm>>
        %dma_start3A_125 = arith.constant 0 : i32
        %dma_start3A_126 = arith.constant 0 : i32
        %dma_start3A_127 = arith.constant 0 : i32
        %dma_start3A_128 = tpu.memref_slice %arg4[%add3A_33, %dma_start3A_125, %dma_start3A_126, %dma_start3A_127] : memref<128x20x1x125xi32, #tpu.memory_space<hbm>> -> memref<1x20x1x125xi32, #tpu.memory_space<hbm>>
        %dma_start3A_129 = tpu.memref_squeeze %dma_start3A_128 : memref<1x20x1x125xi32, #tpu.memory_space<hbm>> -> memref<20x1x125xi32, #tpu.memory_space<hbm>>
        tpu.enqueue_dma source(%dma_start3A_129 : memref<20x1x125xi32, #tpu.memory_space<hbm>>) target(%arg12 : memref<20x1x125xi32, #tpu.memory_space<vmem>>) target_semaphore(%run_scoped3A : memref<!tpu.dma_semaphore, #tpu.memory_space<semaphore_mem>>)
        %dma_wait3A_130 = arith.constant 0 : i32
        %dma_wait3A_131 = arith.constant 0 : i32
        %dma_wait3A_132 = arith.constant 0 : i32
        %dma_wait3A_133 = tpu.memref_slice %arg4[%add3A_33, %dma_wait3A_130, %dma_wait3A_131, %dma_wait3A_132] : memref<128x20x1x125xi32, #tpu.memory_space<hbm>> -> memref<1x20x1x125xi32, #tpu.memory_space<hbm>>
        %dma_wait3A_134 = tpu.memref_squeeze %dma_wait3A_133 : memref<1x20x1x125xi32, #tpu.memory_space<hbm>> -> memref<20x1x125xi32, #tpu.memory_space<hbm>>
        %dma_wait3A_135 = arith.constant 0 : i32
        %dma_wait3A_136 = arith.constant 0 : i32
        %dma_wait3A_137 = arith.constant 0 : i32
        %dma_wait3A_138 = tpu.memref_slice %arg4[%add3A_33, %dma_wait3A_135, %dma_wait3A_136, %dma_wait3A_137] : memref<128x20x1x125xi32, #tpu.memory_space<hbm>> -> memref<1x20x1x125xi32, #tpu.memory_space<hbm>>
        %dma_wait3A_139 = tpu.memref_squeeze %dma_wait3A_138 : memref<1x20x1x125xi32, #tpu.memory_space<hbm>> -> memref<20x1x125xi32, #tpu.memory_space<hbm>>
        tpu.wait_dma2 semaphore(%run_scoped3A : memref<!tpu.dma_semaphore, #tpu.memory_space<semaphore_mem>>) src(%dma_wait3A_139 : memref<20x1x125xi32, #tpu.memory_space<hbm>>) dst(%arg12 : memref<20x1x125xi32, #tpu.memory_space<vmem>>)
        tpu.yield
      }) : () -> ()
      %dma_start3A = arith.constant 0 : i32
      %dma_start3A_34 = arith.constant 0 : i32
      %dma_start3A_35 = arith.constant 0 : i32
      %dma_start3A_36 = tpu.memref_slice %arg11[%dma_start3A, %dma_start3A_34, %dma_start3A_35] : memref<20x1x125xi32, #tpu.memory_space<vmem>> -> memref<1x1x125xi32, #tpu.memory_space<vmem>>
      %dma_start3A_37 = tpu.memref_squeeze %dma_start3A_36 : memref<1x1x125xi32, #tpu.memory_space<vmem>> -> memref<125xi32, #tpu.memory_space<vmem>>
      %dma_start3A_38 = arith.constant 0 : i32
      %dma_start3A_39 = arith.constant 0 : i32
      %dma_start3A_40 = tpu.memref_slice %arg2[%dma_start3A_38, %dma_start3A_39] : memref<10000x128xf32, #tpu.memory_space<hbm>> -> memref<10000x128xf32, #tpu.memory_space<hbm>>
      tpu.enqueue_indirect_dma source(%dma_start3A_40 : memref<10000x128xf32, #tpu.memory_space<hbm>>) target(%arg13 : memref<125x128xf32, #tpu.memory_space<vmem>>) offsets(%dma_start3A_37 : memref<125xi32, #tpu.memory_space<vmem>>) semaphore(%arg16 : memref<!tpu.dma_semaphore, #tpu.memory_space<semaphore_mem>>)
      %dma_start3A_41 = arith.constant 1 : i32
      %dma_start3A_42 = arith.constant 0 : i32
      %dma_start3A_43 = arith.constant 0 : i32
      %dma_start3A_44 = tpu.memref_slice %arg11[%dma_start3A_41, %dma_start3A_42, %dma_start3A_43] : memref<20x1x125xi32, #tpu.memory_space<vmem>> -> memref<1x1x125xi32, #tpu.memory_space<vmem>>
      %dma_start3A_45 = tpu.memref_squeeze %dma_start3A_44 : memref<1x1x125xi32, #tpu.memory_space<vmem>> -> memref<125xi32, #tpu.memory_space<vmem>>
      %dma_start3A_46 = arith.constant 0 : i32
      %dma_start3A_47 = arith.constant 0 : i32
      %dma_start3A_48 = tpu.memref_slice %arg2[%dma_start3A_46, %dma_start3A_47] : memref<10000x128xf32, #tpu.memory_space<hbm>> -> memref<10000x128xf32, #tpu.memory_space<hbm>>
      tpu.enqueue_indirect_dma source(%dma_start3A_48 : memref<10000x128xf32, #tpu.memory_space<hbm>>) target(%arg14 : memref<125x128xf32, #tpu.memory_space<vmem>>) offsets(%dma_start3A_45 : memref<125xi32, #tpu.memory_space<vmem>>) semaphore(%arg17 : memref<!tpu.dma_semaphore, #tpu.memory_space<semaphore_mem>>)
      %scan3A_49 = arith.constant 0 : i32
      %scan3A_50 = arith.constant 9 : i32
      %scan3A_51 = arith.addi %scan3A_49, %scan3A_50 : i32
      %scan3A_52 = arith.constant 1 : i32
      scf.for %scan3A_120 = %scan3A_49 to %scan3A_51 step %scan3A_52  : i32 {
        %mul3A_121 = arith.constant 2 : i32
        %mul3A_122 = arith.muli %mul3A_121, %scan3A_120 : i32
        %dma_wait3A_123 = arith.constant 0 : i32
        %dma_wait3A_124 = arith.constant 0 : i32
        %dma_wait3A_125 = tpu.memref_slice %arg11[%mul3A_122, %dma_wait3A_123, %dma_wait3A_124] : memref<20x1x125xi32, #tpu.memory_space<vmem>> -> memref<1x1x125xi32, #tpu.memory_space<vmem>>
        %dma_wait3A_126 = tpu.memref_squeeze %dma_wait3A_125 : memref<1x1x125xi32, #tpu.memory_space<vmem>> -> memref<125xi32, #tpu.memory_space<vmem>>
        %dma_wait3A_127 = arith.constant 0 : i32
        %dma_wait3A_128 = arith.constant 0 : i32
        %dma_wait3A_129 = tpu.memref_slice %arg2[%dma_wait3A_127, %dma_wait3A_128] : memref<10000x128xf32, #tpu.memory_space<hbm>> -> memref<10000x128xf32, #tpu.memory_space<hbm>>
        tpu.wait_indirect_dma semaphore(%arg16 : memref<!tpu.dma_semaphore, #tpu.memory_space<semaphore_mem>>) src(%dma_wait3A_129 : memref<10000x128xf32, #tpu.memory_space<hbm>>) dst(%arg13 : memref<125x128xf32, #tpu.memory_space<vmem>>)
        %dma_start3A_130 = arith.constant 0 : i32
        %dma_start3A_131 = arith.constant 0 : i32
        %dma_start3A_132 = tpu.memref_slice %arg12[%mul3A_122, %dma_start3A_130, %dma_start3A_131] : memref<20x1x125xi32, #tpu.memory_space<vmem>> -> memref<1x1x125xi32, #tpu.memory_space<vmem>>
        %dma_start3A_133 = tpu.memref_squeeze %dma_start3A_132 : memref<1x1x125xi32, #tpu.memory_space<vmem>> -> memref<125xi32, #tpu.memory_space<vmem>>
        %dma_start3A_134 = arith.constant 0 : i32
        %dma_start3A_135 = arith.constant 0 : i32
        %dma_start3A_136 = tpu.memref_slice %arg9[%dma_start3A_134, %dma_start3A_135] : memref<10240x128xf32, #tpu.memory_space<vmem_shared>> -> memref<10240x128xf32, #tpu.memory_space<vmem_shared>>
        tpu.enqueue_indirect_dma source(%arg13 : memref<125x128xf32, #tpu.memory_space<vmem>>) target(%dma_start3A_136 : memref<10240x128xf32, #tpu.memory_space<vmem_shared>>) offsets(%dma_start3A_133 : memref<125xi32, #tpu.memory_space<vmem>>) semaphore(%arg18 : memref<!tpu.dma_semaphore, #tpu.memory_space<semaphore_mem>>) {add = true}
        %dma_start3A_137 = arith.constant 0 : i32
        %dma_start3A_138 = arith.constant 0 : i32
        %dma_start3A_139 = tpu.memref_slice %arg12[%mul3A_122, %dma_start3A_137, %dma_start3A_138] : memref<20x1x125xi32, #tpu.memory_space<vmem>> -> memref<1x1x125xi32, #tpu.memory_space<vmem>>
        %dma_start3A_140 = tpu.memref_squeeze %dma_start3A_139 : memref<1x1x125xi32, #tpu.memory_space<vmem>> -> memref<125xi32, #tpu.memory_space<vmem>>
        %dma_start3A_141 = arith.constant 0 : i32
        %dma_start3A_142 = tpu.memref_slice %arg10[%dma_start3A_141] : memref<10240xf32, #tpu.memory_space<vmem_shared>> -> memref<10240xf32, #tpu.memory_space<vmem_shared>>
        tpu.enqueue_indirect_dma source(%arg15 : memref<125xf32, #tpu.memory_space<vmem>>) target(%dma_start3A_142 : memref<10240xf32, #tpu.memory_space<vmem_shared>>) offsets(%dma_start3A_140 : memref<125xi32, #tpu.memory_space<vmem>>) semaphore(%arg20 : memref<!tpu.dma_semaphore, #tpu.memory_space<semaphore_mem>>) {add = true}
        %add3A_143 = arith.constant 1 : i32
        %add3A_144 = arith.addi %mul3A_122, %add3A_143 : i32
        %dma_wait3A_145 = arith.constant 0 : i32
        %dma_wait3A_146 = arith.constant 0 : i32
        %dma_wait3A_147 = tpu.memref_slice %arg11[%add3A_144, %dma_wait3A_145, %dma_wait3A_146] : memref<20x1x125xi32, #tpu.memory_space<vmem>> -> memref<1x1x125xi32, #tpu.memory_space<vmem>>
        %dma_wait3A_148 = tpu.memref_squeeze %dma_wait3A_147 : memref<1x1x125xi32, #tpu.memory_space<vmem>> -> memref<125xi32, #tpu.memory_space<vmem>>
        %dma_wait3A_149 = arith.constant 0 : i32
        %dma_wait3A_150 = arith.constant 0 : i32
        %dma_wait3A_151 = tpu.memref_slice %arg2[%dma_wait3A_149, %dma_wait3A_150] : memref<10000x128xf32, #tpu.memory_space<hbm>> -> memref<10000x128xf32, #tpu.memory_space<hbm>>
        tpu.wait_indirect_dma semaphore(%arg17 : memref<!tpu.dma_semaphore, #tpu.memory_space<semaphore_mem>>) src(%dma_wait3A_151 : memref<10000x128xf32, #tpu.memory_space<hbm>>) dst(%arg14 : memref<125x128xf32, #tpu.memory_space<vmem>>)
        %add3A_152 = arith.constant 1 : i32
        %add3A_153 = arith.addi %mul3A_122, %add3A_152 : i32
        %dma_start3A_154 = arith.constant 0 : i32
        %dma_start3A_155 = arith.constant 0 : i32
        %dma_start3A_156 = tpu.memref_slice %arg12[%add3A_153, %dma_start3A_154, %dma_start3A_155] : memref<20x1x125xi32, #tpu.memory_space<vmem>> -> memref<1x1x125xi32, #tpu.memory_space<vmem>>
        %dma_start3A_157 = tpu.memref_squeeze %dma_start3A_156 : memref<1x1x125xi32, #tpu.memory_space<vmem>> -> memref<125xi32, #tpu.memory_space<vmem>>
        %dma_start3A_158 = arith.constant 0 : i32
        %dma_start3A_159 = arith.constant 0 : i32
        %dma_start3A_160 = tpu.memref_slice %arg9[%dma_start3A_158, %dma_start3A_159] : memref<10240x128xf32, #tpu.memory_space<vmem_shared>> -> memref<10240x128xf32, #tpu.memory_space<vmem_shared>>
        tpu.enqueue_indirect_dma source(%arg14 : memref<125x128xf32, #tpu.memory_space<vmem>>) target(%dma_start3A_160 : memref<10240x128xf32, #tpu.memory_space<vmem_shared>>) offsets(%dma_start3A_157 : memref<125xi32, #tpu.memory_space<vmem>>) semaphore(%arg19 : memref<!tpu.dma_semaphore, #tpu.memory_space<semaphore_mem>>) {add = true}
        %add3A_161 = arith.constant 1 : i32
        %add3A_162 = arith.addi %mul3A_122, %add3A_161 : i32
        %dma_start3A_163 = arith.constant 0 : i32
        %dma_start3A_164 = arith.constant 0 : i32
        %dma_start3A_165 = tpu.memref_slice %arg12[%add3A_162, %dma_start3A_163, %dma_start3A_164] : memref<20x1x125xi32, #tpu.memory_space<vmem>> -> memref<1x1x125xi32, #tpu.memory_space<vmem>>
        %dma_start3A_166 = tpu.memref_squeeze %dma_start3A_165 : memref<1x1x125xi32, #tpu.memory_space<vmem>> -> memref<125xi32, #tpu.memory_space<vmem>>
        %dma_start3A_167 = arith.constant 0 : i32
        %dma_start3A_168 = tpu.memref_slice %arg10[%dma_start3A_167] : memref<10240xf32, #tpu.memory_space<vmem_shared>> -> memref<10240xf32, #tpu.memory_space<vmem_shared>>
        tpu.enqueue_indirect_dma source(%arg15 : memref<125xf32, #tpu.memory_space<vmem>>) target(%dma_start3A_168 : memref<10240xf32, #tpu.memory_space<vmem_shared>>) offsets(%dma_start3A_166 : memref<125xi32, #tpu.memory_space<vmem>>) semaphore(%arg20 : memref<!tpu.dma_semaphore, #tpu.memory_space<semaphore_mem>>) {add = true}
        %dma_wait3A_169 = arith.constant 0 : i32
        %dma_wait3A_170 = arith.constant 0 : i32
        %dma_wait3A_171 = arith.constant 0 : i32
        %dma_wait3A_172 = tpu.memref_slice %arg12[%dma_wait3A_169, %dma_wait3A_170, %dma_wait3A_171] : memref<20x1x125xi32, #tpu.memory_space<vmem>> -> memref<1x1x125xi32, #tpu.memory_space<vmem>>
        %dma_wait3A_173 = tpu.memref_squeeze %dma_wait3A_172 : memref<1x1x125xi32, #tpu.memory_space<vmem>> -> memref<125xi32, #tpu.memory_space<vmem>>
        %dma_wait3A_174 = arith.constant 0 : i32
        %dma_wait3A_175 = arith.constant 0 : i32
        %dma_wait3A_176 = tpu.memref_slice %arg9[%dma_wait3A_174, %dma_wait3A_175] : memref<10240x128xf32, #tpu.memory_space<vmem_shared>> -> memref<10240x128xf32, #tpu.memory_space<vmem_shared>>
        tpu.wait_indirect_dma semaphore(%arg18 : memref<!tpu.dma_semaphore, #tpu.memory_space<semaphore_mem>>) src(%arg13 : memref<125x128xf32, #tpu.memory_space<vmem>>) dst(%dma_wait3A_176 : memref<10240x128xf32, #tpu.memory_space<vmem_shared>>)
        %add3A_177 = arith.constant 2 : i32
        %add3A_178 = arith.addi %mul3A_122, %add3A_177 : i32
        %dma_start3A_179 = arith.constant 0 : i32
        %dma_start3A_180 = arith.constant 0 : i32
        %dma_start3A_181 = tpu.memref_slice %arg11[%add3A_178, %dma_start3A_179, %dma_start3A_180] : memref<20x1x125xi32, #tpu.memory_space<vmem>> -> memref<1x1x125xi32, #tpu.memory_space<vmem>>
        %dma_start3A_182 = tpu.memref_squeeze %dma_start3A_181 : memref<1x1x125xi32, #tpu.memory_space<vmem>> -> memref<125xi32, #tpu.memory_space<vmem>>
        %dma_start3A_183 = arith.constant 0 : i32
        %dma_start3A_184 = arith.constant 0 : i32
        %dma_start3A_185 = tpu.memref_slice %arg2[%dma_start3A_183, %dma_start3A_184] : memref<10000x128xf32, #tpu.memory_space<hbm>> -> memref<10000x128xf32, #tpu.memory_space<hbm>>
        tpu.enqueue_indirect_dma source(%dma_start3A_185 : memref<10000x128xf32, #tpu.memory_space<hbm>>) target(%arg13 : memref<125x128xf32, #tpu.memory_space<vmem>>) offsets(%dma_start3A_182 : memref<125xi32, #tpu.memory_space<vmem>>) semaphore(%arg16 : memref<!tpu.dma_semaphore, #tpu.memory_space<semaphore_mem>>)
        %dma_wait3A_186 = arith.constant 0 : i32
        %dma_wait3A_187 = arith.constant 0 : i32
        %dma_wait3A_188 = arith.constant 0 : i32
        %dma_wait3A_189 = tpu.memref_slice %arg12[%dma_wait3A_186, %dma_wait3A_187, %dma_wait3A_188] : memref<20x1x125xi32, #tpu.memory_space<vmem>> -> memref<1x1x125xi32, #tpu.memory_space<vmem>>
        %dma_wait3A_190 = tpu.memref_squeeze %dma_wait3A_189 : memref<1x1x125xi32, #tpu.memory_space<vmem>> -> memref<125xi32, #tpu.memory_space<vmem>>
        %dma_wait3A_191 = arith.constant 0 : i32
        %dma_wait3A_192 = arith.constant 0 : i32
        %dma_wait3A_193 = tpu.memref_slice %arg9[%dma_wait3A_191, %dma_wait3A_192] : memref<10240x128xf32, #tpu.memory_space<vmem_shared>> -> memref<10240x128xf32, #tpu.memory_space<vmem_shared>>
        tpu.wait_indirect_dma semaphore(%arg19 : memref<!tpu.dma_semaphore, #tpu.memory_space<semaphore_mem>>) src(%arg14 : memref<125x128xf32, #tpu.memory_space<vmem>>) dst(%dma_wait3A_193 : memref<10240x128xf32, #tpu.memory_space<vmem_shared>>)
        %add3A_194 = arith.constant 3 : i32
        %add3A_195 = arith.addi %mul3A_122, %add3A_194 : i32
        %dma_start3A_196 = arith.constant 0 : i32
        %dma_start3A_197 = arith.constant 0 : i32
        %dma_start3A_198 = tpu.memref_slice %arg11[%add3A_195, %dma_start3A_196, %dma_start3A_197] : memref<20x1x125xi32, #tpu.memory_space<vmem>> -> memref<1x1x125xi32, #tpu.memory_space<vmem>>
        %dma_start3A_199 = tpu.memref_squeeze %dma_start3A_198 : memref<1x1x125xi32, #tpu.memory_space<vmem>> -> memref<125xi32, #tpu.memory_space<vmem>>
        %dma_start3A_200 = arith.constant 0 : i32
        %dma_start3A_201 = arith.constant 0 : i32
        %dma_start3A_202 = tpu.memref_slice %arg2[%dma_start3A_200, %dma_start3A_201] : memref<10000x128xf32, #tpu.memory_space<hbm>> -> memref<10000x128xf32, #tpu.memory_space<hbm>>
        tpu.enqueue_indirect_dma source(%dma_start3A_202 : memref<10000x128xf32, #tpu.memory_space<hbm>>) target(%arg14 : memref<125x128xf32, #tpu.memory_space<vmem>>) offsets(%dma_start3A_199 : memref<125xi32, #tpu.memory_space<vmem>>) semaphore(%arg17 : memref<!tpu.dma_semaphore, #tpu.memory_space<semaphore_mem>>)
      }
      %scan3A_53 = arith.constant 9 : i32
      %dma_wait3A = arith.constant 18 : i32
      %dma_wait3A_54 = arith.constant 0 : i32
      %dma_wait3A_55 = arith.constant 0 : i32
      %dma_wait3A_56 = tpu.memref_slice %arg11[%dma_wait3A, %dma_wait3A_54, %dma_wait3A_55] : memref<20x1x125xi32, #tpu.memory_space<vmem>> -> memref<1x1x125xi32, #tpu.memory_space<vmem>>
      %dma_wait3A_57 = tpu.memref_squeeze %dma_wait3A_56 : memref<1x1x125xi32, #tpu.memory_space<vmem>> -> memref<125xi32, #tpu.memory_space<vmem>>
      %dma_wait3A_58 = arith.constant 0 : i32
      %dma_wait3A_59 = arith.constant 0 : i32
      %dma_wait3A_60 = tpu.memref_slice %arg2[%dma_wait3A_58, %dma_wait3A_59] : memref<10000x128xf32, #tpu.memory_space<hbm>> -> memref<10000x128xf32, #tpu.memory_space<hbm>>
      tpu.wait_indirect_dma semaphore(%arg16 : memref<!tpu.dma_semaphore, #tpu.memory_space<semaphore_mem>>) src(%dma_wait3A_60 : memref<10000x128xf32, #tpu.memory_space<hbm>>) dst(%arg13 : memref<125x128xf32, #tpu.memory_space<vmem>>)
      %dma_start3A_61 = arith.constant 18 : i32
      %dma_start3A_62 = arith.constant 0 : i32
      %dma_start3A_63 = arith.constant 0 : i32
      %dma_start3A_64 = tpu.memref_slice %arg12[%dma_start3A_61, %dma_start3A_62, %dma_start3A_63] : memref<20x1x125xi32, #tpu.memory_space<vmem>> -> memref<1x1x125xi32, #tpu.memory_space<vmem>>
      %dma_start3A_65 = tpu.memref_squeeze %dma_start3A_64 : memref<1x1x125xi32, #tpu.memory_space<vmem>> -> memref<125xi32, #tpu.memory_space<vmem>>
      %dma_start3A_66 = arith.constant 0 : i32
      %dma_start3A_67 = arith.constant 0 : i32
      %dma_start3A_68 = tpu.memref_slice %arg9[%dma_start3A_66, %dma_start3A_67] : memref<10240x128xf32, #tpu.memory_space<vmem_shared>> -> memref<10240x128xf32, #tpu.memory_space<vmem_shared>>
      tpu.enqueue_indirect_dma source(%arg13 : memref<125x128xf32, #tpu.memory_space<vmem>>) target(%dma_start3A_68 : memref<10240x128xf32, #tpu.memory_space<vmem_shared>>) offsets(%dma_start3A_65 : memref<125xi32, #tpu.memory_space<vmem>>) semaphore(%arg18 : memref<!tpu.dma_semaphore, #tpu.memory_space<semaphore_mem>>) {add = true}
      %dma_start3A_69 = arith.constant 18 : i32
      %dma_start3A_70 = arith.constant 0 : i32
      %dma_start3A_71 = arith.constant 0 : i32
      %dma_start3A_72 = tpu.memref_slice %arg12[%dma_start3A_69, %dma_start3A_70, %dma_start3A_71] : memref<20x1x125xi32, #tpu.memory_space<vmem>> -> memref<1x1x125xi32, #tpu.memory_space<vmem>>
      %dma_start3A_73 = tpu.memref_squeeze %dma_start3A_72 : memref<1x1x125xi32, #tpu.memory_space<vmem>> -> memref<125xi32, #tpu.memory_space<vmem>>
      %dma_start3A_74 = arith.constant 0 : i32
      %dma_start3A_75 = tpu.memref_slice %arg10[%dma_start3A_74] : memref<10240xf32, #tpu.memory_space<vmem_shared>> -> memref<10240xf32, #tpu.memory_space<vmem_shared>>
      tpu.enqueue_indirect_dma source(%arg15 : memref<125xf32, #tpu.memory_space<vmem>>) target(%dma_start3A_75 : memref<10240xf32, #tpu.memory_space<vmem_shared>>) offsets(%dma_start3A_73 : memref<125xi32, #tpu.memory_space<vmem>>) semaphore(%arg20 : memref<!tpu.dma_semaphore, #tpu.memory_space<semaphore_mem>>) {add = true}
      %dma_wait3A_76 = arith.constant 19 : i32
      %dma_wait3A_77 = arith.constant 0 : i32
      %dma_wait3A_78 = arith.constant 0 : i32
      %dma_wait3A_79 = tpu.memref_slice %arg11[%dma_wait3A_76, %dma_wait3A_77, %dma_wait3A_78] : memref<20x1x125xi32, #tpu.memory_space<vmem>> -> memref<1x1x125xi32, #tpu.memory_space<vmem>>
      %dma_wait3A_80 = tpu.memref_squeeze %dma_wait3A_79 : memref<1x1x125xi32, #tpu.memory_space<vmem>> -> memref<125xi32, #tpu.memory_space<vmem>>
      %dma_wait3A_81 = arith.constant 0 : i32
      %dma_wait3A_82 = arith.constant 0 : i32
      %dma_wait3A_83 = tpu.memref_slice %arg2[%dma_wait3A_81, %dma_wait3A_82] : memref<10000x128xf32, #tpu.memory_space<hbm>> -> memref<10000x128xf32, #tpu.memory_space<hbm>>
      tpu.wait_indirect_dma semaphore(%arg17 : memref<!tpu.dma_semaphore, #tpu.memory_space<semaphore_mem>>) src(%dma_wait3A_83 : memref<10000x128xf32, #tpu.memory_space<hbm>>) dst(%arg14 : memref<125x128xf32, #tpu.memory_space<vmem>>)
      %dma_start3A_84 = arith.constant 19 : i32
      %dma_start3A_85 = arith.constant 0 : i32
      %dma_start3A_86 = arith.constant 0 : i32
      %dma_start3A_87 = tpu.memref_slice %arg12[%dma_start3A_84, %dma_start3A_85, %dma_start3A_86] : memref<20x1x125xi32, #tpu.memory_space<vmem>> -> memref<1x1x125xi32, #tpu.memory_space<vmem>>
      %dma_start3A_88 = tpu.memref_squeeze %dma_start3A_87 : memref<1x1x125xi32, #tpu.memory_space<vmem>> -> memref<125xi32, #tpu.memory_space<vmem>>
      %dma_start3A_89 = arith.constant 0 : i32
      %dma_start3A_90 = arith.constant 0 : i32
      %dma_start3A_91 = tpu.memref_slice %arg9[%dma_start3A_89, %dma_start3A_90] : memref<10240x128xf32, #tpu.memory_space<vmem_shared>> -> memref<10240x128xf32, #tpu.memory_space<vmem_shared>>
      tpu.enqueue_indirect_dma source(%arg14 : memref<125x128xf32, #tpu.memory_space<vmem>>) target(%dma_start3A_91 : memref<10240x128xf32, #tpu.memory_space<vmem_shared>>) offsets(%dma_start3A_88 : memref<125xi32, #tpu.memory_space<vmem>>) semaphore(%arg19 : memref<!tpu.dma_semaphore, #tpu.memory_space<semaphore_mem>>) {add = true}
      %dma_start3A_92 = arith.constant 19 : i32
      %dma_start3A_93 = arith.constant 0 : i32
      %dma_start3A_94 = arith.constant 0 : i32
      %dma_start3A_95 = tpu.memref_slice %arg12[%dma_start3A_92, %dma_start3A_93, %dma_start3A_94] : memref<20x1x125xi32, #tpu.memory_space<vmem>> -> memref<1x1x125xi32, #tpu.memory_space<vmem>>
      %dma_start3A_96 = tpu.memref_squeeze %dma_start3A_95 : memref<1x1x125xi32, #tpu.memory_space<vmem>> -> memref<125xi32, #tpu.memory_space<vmem>>
      %dma_start3A_97 = arith.constant 0 : i32
      %dma_start3A_98 = tpu.memref_slice %arg10[%dma_start3A_97] : memref<10240xf32, #tpu.memory_space<vmem_shared>> -> memref<10240xf32, #tpu.memory_space<vmem_shared>>
      tpu.enqueue_indirect_dma source(%arg15 : memref<125xf32, #tpu.memory_space<vmem>>) target(%dma_start3A_98 : memref<10240xf32, #tpu.memory_space<vmem_shared>>) offsets(%dma_start3A_96 : memref<125xi32, #tpu.memory_space<vmem>>) semaphore(%arg20 : memref<!tpu.dma_semaphore, #tpu.memory_space<semaphore_mem>>) {add = true}
      %dma_wait3A_99 = arith.constant 0 : i32
      %dma_wait3A_100 = arith.constant 0 : i32
      %dma_wait3A_101 = arith.constant 0 : i32
      %dma_wait3A_102 = tpu.memref_slice %arg12[%dma_wait3A_99, %dma_wait3A_100, %dma_wait3A_101] : memref<20x1x125xi32, #tpu.memory_space<vmem>> -> memref<1x1x125xi32, #tpu.memory_space<vmem>>
      %dma_wait3A_103 = tpu.memref_squeeze %dma_wait3A_102 : memref<1x1x125xi32, #tpu.memory_space<vmem>> -> memref<125xi32, #tpu.memory_space<vmem>>
      %dma_wait3A_104 = arith.constant 0 : i32
      %dma_wait3A_105 = arith.constant 0 : i32
      %dma_wait3A_106 = tpu.memref_slice %arg9[%dma_wait3A_104, %dma_wait3A_105] : memref<10240x128xf32, #tpu.memory_space<vmem_shared>> -> memref<10240x128xf32, #tpu.memory_space<vmem_shared>>
      tpu.wait_indirect_dma semaphore(%arg18 : memref<!tpu.dma_semaphore, #tpu.memory_space<semaphore_mem>>) src(%arg13 : memref<125x128xf32, #tpu.memory_space<vmem>>) dst(%dma_wait3A_106 : memref<10240x128xf32, #tpu.memory_space<vmem_shared>>)
      %dma_wait3A_107 = arith.constant 0 : i32
      %dma_wait3A_108 = arith.constant 0 : i32
      %dma_wait3A_109 = arith.constant 0 : i32
      %dma_wait3A_110 = tpu.memref_slice %arg12[%dma_wait3A_107, %dma_wait3A_108, %dma_wait3A_109] : memref<20x1x125xi32, #tpu.memory_space<vmem>> -> memref<1x1x125xi32, #tpu.memory_space<vmem>>
      %dma_wait3A_111 = tpu.memref_squeeze %dma_wait3A_110 : memref<1x1x125xi32, #tpu.memory_space<vmem>> -> memref<125xi32, #tpu.memory_space<vmem>>
      %dma_wait3A_112 = arith.constant 0 : i32
      %dma_wait3A_113 = arith.constant 0 : i32
      %dma_wait3A_114 = tpu.memref_slice %arg9[%dma_wait3A_112, %dma_wait3A_113] : memref<10240x128xf32, #tpu.memory_space<vmem_shared>> -> memref<10240x128xf32, #tpu.memory_space<vmem_shared>>
      tpu.wait_indirect_dma semaphore(%arg19 : memref<!tpu.dma_semaphore, #tpu.memory_space<semaphore_mem>>) src(%arg14 : memref<125x128xf32, #tpu.memory_space<vmem>>) dst(%dma_wait3A_114 : memref<10240x128xf32, #tpu.memory_space<vmem_shared>>)
      %scan3A_115 = arith.constant 0 : i32
      %scan3A_116 = arith.constant 20 : i32
      %scan3A_117 = arith.addi %scan3A_115, %scan3A_116 : i32
      %scan3A_118 = arith.constant 1 : i32
      scf.for %scan3A_120 = %scan3A_115 to %scan3A_117 step %scan3A_118  : i32 {
        %dma_wait3A_121 = arith.constant 0 : i32
        %dma_wait3A_122 = arith.constant 0 : i32
        %dma_wait3A_123 = arith.constant 0 : i32
        %dma_wait3A_124 = tpu.memref_slice %arg12[%dma_wait3A_121, %dma_wait3A_122, %dma_wait3A_123] : memref<20x1x125xi32, #tpu.memory_space<vmem>> -> memref<1x1x125xi32, #tpu.memory_space<vmem>>
        %dma_wait3A_125 = tpu.memref_squeeze %dma_wait3A_124 : memref<1x1x125xi32, #tpu.memory_space<vmem>> -> memref<125xi32, #tpu.memory_space<vmem>>
        %dma_wait3A_126 = arith.constant 0 : i32
        %dma_wait3A_127 = tpu.memref_slice %arg10[%dma_wait3A_126] : memref<10240xf32, #tpu.memory_space<vmem_shared>> -> memref<10240xf32, #tpu.memory_space<vmem_shared>>
        tpu.wait_indirect_dma semaphore(%arg20 : memref<!tpu.dma_semaphore, #tpu.memory_space<semaphore_mem>>) src(%arg15 : memref<125xf32, #tpu.memory_space<vmem>>) dst(%dma_wait3A_127 : memref<10240xf32, #tpu.memory_space<vmem_shared>>)
      }
      %scan3A_119 = arith.constant 20 : i32
    }
    %scan3A_17 = arith.constant 4 : i32
    %barrier3A_18 = arith.constant 0 : index
    tpu.barrier barrier_id(%barrier3A_18)
    %mul3A_19 = arith.constant 640 : i32
    %mul3A_20 = arith.muli %arg1, %mul3A_19 : i32
    %mul3A_21 = arith.constant 640 : i32
    %mul3A_22 = arith.muli %arg1, %mul3A_21 : i32
    "tpu.region"() ({
      %run_scoped3A = tpu.sem_alloc : memref<!tpu.dma_semaphore, #tpu.memory_space<semaphore_mem>>
      %dma_start3A = arith.constant 0 : i32
      %dma_start3A_30 = tpu.memref_slice %arg7[%arg0, %mul3A_22, %dma_start3A] : memref<2x10240x128xf32, #tpu.memory_space<hbm>> -> memref<1x640x128xf32, #tpu.memory_space<hbm>>
      %dma_start3A_31 = tpu.memref_squeeze %dma_start3A_30 : memref<1x640x128xf32, #tpu.memory_space<hbm>> -> memref<640x128xf32, #tpu.memory_space<hbm>>
      %dma_start3A_32 = arith.constant 0 : i32
      %dma_start3A_33 = tpu.memref_slice %arg9[%mul3A_20, %dma_start3A_32] : memref<10240x128xf32, #tpu.memory_space<vmem_shared>> -> memref<640x128xf32, #tpu.memory_space<vmem_shared>>
      tpu.enqueue_dma source(%dma_start3A_33 : memref<640x128xf32, #tpu.memory_space<vmem_shared>>) target(%dma_start3A_31 : memref<640x128xf32, #tpu.memory_space<hbm>>) target_semaphore(%run_scoped3A : memref<!tpu.dma_semaphore, #tpu.memory_space<semaphore_mem>>)
      %dma_wait3A = arith.constant 0 : i32
      %dma_wait3A_34 = tpu.memref_slice %arg7[%arg0, %mul3A_22, %dma_wait3A] : memref<2x10240x128xf32, #tpu.memory_space<hbm>> -> memref<1x640x128xf32, #tpu.memory_space<hbm>>
      %dma_wait3A_35 = tpu.memref_squeeze %dma_wait3A_34 : memref<1x640x128xf32, #tpu.memory_space<hbm>> -> memref<640x128xf32, #tpu.memory_space<hbm>>
      %dma_wait3A_36 = arith.constant 0 : i32
      %dma_wait3A_37 = tpu.memref_slice %arg9[%mul3A_20, %dma_wait3A_36] : memref<10240x128xf32, #tpu.memory_space<vmem_shared>> -> memref<640x128xf32, #tpu.memory_space<vmem_shared>>
      tpu.wait_dma2 semaphore(%run_scoped3A : memref<!tpu.dma_semaphore, #tpu.memory_space<semaphore_mem>>) src(%dma_wait3A_37 : memref<640x128xf32, #tpu.memory_space<vmem_shared>>) dst(%dma_wait3A_35 : memref<640x128xf32, #tpu.memory_space<hbm>>)
      tpu.yield
    }) : () -> ()
    %mul3A_23 = arith.constant 640 : i32
    %mul3A_24 = arith.muli %arg1, %mul3A_23 : i32
    %mul3A_25 = arith.constant 10240 : i32
    %mul3A_26 = arith.muli %arg0, %mul3A_25 : i32
    %mul3A_27 = arith.constant 640 : i32
    %mul3A_28 = arith.muli %arg1, %mul3A_27 : i32
    %add3A_29 = arith.addi %mul3A_26, %mul3A_28 : i32
    "tpu.region"() ({
      %run_scoped3A = tpu.sem_alloc : memref<!tpu.dma_semaphore, #tpu.memory_space<semaphore_mem>>
      %dma_start3A = tpu.memref_slice %arg8[%add3A_29] : memref<20480xf32, #tpu.memory_space<hbm>> -> memref<640xf32, #tpu.memory_space<hbm>>
      %dma_start3A_30 = tpu.memref_slice %arg10[%mul3A_24] : memref<10240xf32, #tpu.memory_space<vmem_shared>> -> memref<640xf32, #tpu.memory_space<vmem_shared>>
      tpu.enqueue_dma source(%dma_start3A_30 : memref<640xf32, #tpu.memory_space<vmem_shared>>) target(%dma_start3A : memref<640xf32, #tpu.memory_space<hbm>>) target_semaphore(%run_scoped3A : memref<!tpu.dma_semaphore, #tpu.memory_space<semaphore_mem>>)
      %dma_wait3A = tpu.memref_slice %arg8[%add3A_29] : memref<20480xf32, #tpu.memory_space<hbm>> -> memref<640xf32, #tpu.memory_space<hbm>>
      %dma_wait3A_31 = tpu.memref_slice %arg10[%mul3A_24] : memref<10240xf32, #tpu.memory_space<vmem_shared>> -> memref<640xf32, #tpu.memory_space<vmem_shared>>
      tpu.wait_dma2 semaphore(%run_scoped3A : memref<!tpu.dma_semaphore, #tpu.memory_space<semaphore_mem>>) src(%dma_wait3A_31 : memref<640xf32, #tpu.memory_space<vmem_shared>>) dst(%dma_wait3A : memref<640xf32, #tpu.memory_space<hbm>>)
      tpu.yield
    }) : () -> ()
    return
  }
}

module attributes {stable_mosaic.version = 14 : i64} {
  func.func @_pre_body(%arg0: i32, %arg1: memref<2000x128xf32, #tpu.memory_space<vmem>>, %arg2: memref<128x128xf32, #tpu.memory_space<vmem>>, %arg3: memref<8x128xf32, #tpu.memory_space<vmem>>, %arg4: memref<128x128xf32, #tpu.memory_space<vmem>>, %arg5: memref<8x128xf32, #tpu.memory_space<vmem>>, %arg6: memref<2000x128xf32, #tpu.memory_space<vmem>>) attributes {dimension_semantics = [#tpu.dimension_semantics<arbitrary>], iteration_bounds = array<i64: 5>, scalar_prefetch = 0 : i64, scratch_operands = 0 : i64, tpu.core_type = #tpu.core_type<tc>, window_params = [{transform_indices = @transform_0, window_bounds = array<i64: 2000, 128>}, {pipeline_mode = #tpu.pipeline_mode<synchronous>, transform_indices = @transform_1, window_bounds = array<i64: 128, 128>}, {pipeline_mode = #tpu.pipeline_mode<synchronous>, transform_indices = @transform_2, window_bounds = array<i64: 8, 128>}, {pipeline_mode = #tpu.pipeline_mode<synchronous>, transform_indices = @transform_3, window_bounds = array<i64: 128, 128>}, {pipeline_mode = #tpu.pipeline_mode<synchronous>, transform_indices = @transform_4, window_bounds = array<i64: 8, 128>}, {transform_indices = @transform_5, window_bounds = array<i64: 2000, 128>}]} {
    %get3A = arith.constant 0 : index
    %get3A_0 = arith.constant 0 : index
    %get3A_1 = vector.load %arg1[%get3A, %get3A_0] : memref<2000x128xf32, #tpu.memory_space<vmem>>, vector<2000x128xf32>
    %get3A_2 = arith.constant 0 : index
    %get3A_3 = arith.constant 0 : index
    %get3A_4 = vector.load %arg2[%get3A_2, %get3A_3] : memref<128x128xf32, #tpu.memory_space<vmem>>, vector<128x128xf32>
    %dot_general3A = arith.constant dense<0.000000e+00> : vector<2000x128xf32>
    %dot_general3A_5 = tpu.matmul %get3A_1, %get3A_4, %dot_general3A {dimension_numbers = #tpu.dot_dimension_numbers<[1], [1], [0], [0], [0, 0, 1, 0], [], []>, transpose_lhs_hint = false} : vector<2000x128xf32>, vector<128x128xf32>, vector<2000x128xf32> -> vector<2000x128xf32>
    %get3A_6 = arith.constant 0 : index
    %get3A_7 = arith.constant 0 : index
    %get3A_8 = vector.load %arg3[%get3A_6, %get3A_7] : memref<8x128xf32, #tpu.memory_space<vmem>>, vector<1x128xf32>
    %add3A = vector.broadcast %get3A_8 : vector<1x128xf32> to vector<2000x128xf32>
    %add3A_9 = arith.addf %dot_general3A_5, %add3A : vector<2000x128xf32>
    %get3A_10 = arith.constant 0 : index
    %get3A_11 = arith.constant 0 : index
    %get3A_12 = vector.load %arg4[%get3A_10, %get3A_11] : memref<128x128xf32, #tpu.memory_space<vmem>>, vector<128x128xf32>
    %dot_general3A_13 = arith.constant dense<0.000000e+00> : vector<2000x128xf32>
    %dot_general3A_14 = tpu.matmul %add3A_9, %get3A_12, %dot_general3A_13 {dimension_numbers = #tpu.dot_dimension_numbers<[1], [1], [0], [0], [0, 0, 1, 0], [], []>, transpose_lhs_hint = false} : vector<2000x128xf32>, vector<128x128xf32>, vector<2000x128xf32> -> vector<2000x128xf32>
    %get3A_15 = arith.constant 0 : index
    %get3A_16 = arith.constant 0 : index
    %get3A_17 = vector.load %arg5[%get3A_15, %get3A_16] : memref<8x128xf32, #tpu.memory_space<vmem>>, vector<1x128xf32>
    %add3A_18 = vector.broadcast %get3A_17 : vector<1x128xf32> to vector<2000x128xf32>
    %add3A_19 = arith.addf %dot_general3A_14, %add3A_18 : vector<2000x128xf32>
    %swap3A = arith.constant 0 : index
    %swap3A_20 = arith.constant 0 : index
    %swap3A_21 = vector.load %arg6[%swap3A, %swap3A_20] : memref<2000x128xf32, #tpu.memory_space<vmem>>, vector<2000x128xf32>
    tpu.vector_store %arg6[%swap3A, %swap3A_20], %add3A_19 {strides = array<i32>} : memref<2000x128xf32, #tpu.memory_space<vmem>>, vector<2000x128xf32>,
    return
  }
  func.func @transform_0(%arg0: i32) -> (i32, i32) {
    %c0_i32 = arith.constant 0 : i32
    %c0_i32_0 = arith.constant 0 : i32
    return %arg0, %c0_i32 : i32, i32
  }
  func.func @transform_1(%arg0: i32) -> (i32, i32) {
    %c0_i32 = arith.constant 0 : i32
    %c0_i32_0 = arith.constant 0 : i32
    %c0_i32_1 = arith.constant 0 : i32
    return %c0_i32, %c0_i32_0 : i32, i32
  }
  func.func @transform_2(%arg0: i32) -> (i32, i32) {
    %c0_i32 = arith.constant 0 : i32
    %c0_i32_0 = arith.constant 0 : i32
    %c0_i32_1 = arith.constant 0 : i32
    return %c0_i32, %c0_i32_0 : i32, i32
  }
  func.func @transform_3(%arg0: i32) -> (i32, i32) {
    %c0_i32 = arith.constant 0 : i32
    %c0_i32_0 = arith.constant 0 : i32
    %c0_i32_1 = arith.constant 0 : i32
    return %c0_i32, %c0_i32_0 : i32, i32
  }
  func.func @transform_4(%arg0: i32) -> (i32, i32) {
    %c0_i32 = arith.constant 0 : i32
    %c0_i32_0 = arith.constant 0 : i32
    %c0_i32_1 = arith.constant 0 : i32
    return %c0_i32, %c0_i32_0 : i32, i32
  }
  func.func @transform_5(%arg0: i32) -> (i32, i32) {
    %c0_i32 = arith.constant 0 : i32
    %c0_i32_0 = arith.constant 0 : i32
    return %arg0, %c0_i32 : i32, i32
  }
}

module attributes {stable_mosaic.version = 14 : i64} {
  func.func @_combine_body(%arg0: i32, %arg1: memref<2000x128xf32, #tpu.memory_space<vmem>>, %arg2: memref<2000x128xf32, #tpu.memory_space<vmem>>, %arg3: memref<2000x1xf32, #tpu.memory_space<vmem>>, %arg4: memref<2000x1xf32, #tpu.memory_space<vmem>>, %arg5: memref<2000x128xf32, #tpu.memory_space<vmem>>, %arg6: memref<128x128xf32, #tpu.memory_space<vmem>>, %arg7: memref<8x128xf32, #tpu.memory_space<vmem>>, %arg8: memref<128x128xf32, #tpu.memory_space<vmem>>, %arg9: memref<2000x128xf32, #tpu.memory_space<vmem>>) attributes {dimension_semantics = [#tpu.dimension_semantics<arbitrary>], iteration_bounds = array<i64: 5>, scalar_prefetch = 0 : i64, scratch_operands = 0 : i64, tpu.core_type = #tpu.core_type<tc>, window_params = [{transform_indices = @transform_0, window_bounds = array<i64: 2000, 128>}, {transform_indices = @transform_1, window_bounds = array<i64: 2000, 128>}, {transform_indices = @transform_2, window_bounds = array<i64: 2000, 1>}, {transform_indices = @transform_3, window_bounds = array<i64: 2000, 1>}, {transform_indices = @transform_4, window_bounds = array<i64: 2000, 128>}, {pipeline_mode = #tpu.pipeline_mode<synchronous>, transform_indices = @transform_5, window_bounds = array<i64: 128, 128>}, {pipeline_mode = #tpu.pipeline_mode<synchronous>, transform_indices = @transform_6, window_bounds = array<i64: 8, 128>}, {pipeline_mode = #tpu.pipeline_mode<synchronous>, transform_indices = @transform_7, window_bounds = array<i64: 128, 128>}, {transform_indices = @transform_8, window_bounds = array<i64: 2000, 128>}]} {
    %get3A = arith.constant 0 : index
    %get3A_0 = arith.constant 0 : index
    %get3A_1 = vector.load %arg1[%get3A, %get3A_0] : memref<2000x128xf32, #tpu.memory_space<vmem>>, vector<2000x128xf32>
    %get3A_2 = arith.constant 0 : index
    %get3A_3 = arith.constant 0 : index
    %get3A_4 = vector.load %arg2[%get3A_2, %get3A_3] : memref<2000x128xf32, #tpu.memory_space<vmem>>, vector<2000x128xf32>
    %add3A = arith.addf %get3A_1, %get3A_4 : vector<2000x128xf32>
    %get3A_5 = arith.constant 0 : index
    %get3A_6 = arith.constant 0 : index
    %get3A_7 = vector.load %arg3[%get3A_5, %get3A_6] : memref<2000x1xf32, #tpu.memory_space<vmem>>, vector<2000x1xf32>
    %get3A_8 = arith.constant 0 : index
    %get3A_9 = arith.constant 0 : index
    %get3A_10 = vector.load %arg4[%get3A_8, %get3A_9] : memref<2000x1xf32, #tpu.memory_space<vmem>>, vector<2000x1xf32>
    %add3A_11 = arith.addf %get3A_7, %get3A_10 : vector<2000x1xf32>
    %max3A = arith.constant 1.000000e+00 : f32
    %max3A_12 = vector.broadcast %max3A : f32 to vector<2000x1xf32>
    %max3A_13 = arith.maximumf %add3A_11, %max3A_12 : vector<2000x1xf32>
    %div3A = vector.broadcast %max3A_13 : vector<2000x1xf32> to vector<2000x128xf32>
    %div3A_14 = arith.divf %add3A, %div3A : vector<2000x128xf32>
    %get3A_15 = arith.constant 0 : index
    %get3A_16 = arith.constant 0 : index
    %get3A_17 = vector.load %arg6[%get3A_15, %get3A_16] : memref<128x128xf32, #tpu.memory_space<vmem>>, vector<128x128xf32>
    %dot_general3A = arith.constant dense<0.000000e+00> : vector<2000x128xf32>
    %dot_general3A_18 = tpu.matmul %div3A_14, %get3A_17, %dot_general3A {dimension_numbers = #tpu.dot_dimension_numbers<[1], [1], [0], [0], [0, 0, 1, 0], [], []>, transpose_lhs_hint = false} : vector<2000x128xf32>, vector<128x128xf32>, vector<2000x128xf32> -> vector<2000x128xf32>
    %get3A_19 = arith.constant 0 : index
    %get3A_20 = arith.constant 0 : index
    %get3A_21 = vector.load %arg7[%get3A_19, %get3A_20] : memref<8x128xf32, #tpu.memory_space<vmem>>, vector<1x128xf32>
    %add3A_22 = vector.broadcast %get3A_21 : vector<1x128xf32> to vector<2000x128xf32>
    %add3A_23 = arith.addf %dot_general3A_18, %add3A_22 : vector<2000x128xf32>
    %get3A_24 = arith.constant 0 : index
    %get3A_25 = arith.constant 0 : index
    %get3A_26 = vector.load %arg5[%get3A_24, %get3A_25] : memref<2000x128xf32, #tpu.memory_space<vmem>>, vector<2000x128xf32>
    %get3A_27 = arith.constant 0 : index
    %get3A_28 = arith.constant 0 : index
    %get3A_29 = vector.load %arg8[%get3A_27, %get3A_28] : memref<128x128xf32, #tpu.memory_space<vmem>>, vector<128x128xf32>
    %dot_general3A_30 = arith.constant dense<0.000000e+00> : vector<2000x128xf32>
    %dot_general3A_31 = tpu.matmul %get3A_26, %get3A_29, %dot_general3A_30 {dimension_numbers = #tpu.dot_dimension_numbers<[1], [1], [0], [0], [0, 0, 1, 0], [], []>, transpose_lhs_hint = false} : vector<2000x128xf32>, vector<128x128xf32>, vector<2000x128xf32> -> vector<2000x128xf32>
    %add3A_32 = arith.addf %add3A_23, %dot_general3A_31 : vector<2000x128xf32>
    %max3A_33 = arith.constant 0.000000e+00 : f32
    %max3A_34 = vector.broadcast %max3A_33 : f32 to vector<2000x128xf32>
    %max3A_35 = arith.maximumf %add3A_32, %max3A_34 : vector<2000x128xf32>
    %swap3A = arith.constant 0 : index
    %swap3A_36 = arith.constant 0 : index
    %swap3A_37 = vector.load %arg9[%swap3A, %swap3A_36] : memref<2000x128xf32, #tpu.memory_space<vmem>>, vector<2000x128xf32>
    tpu.vector_store %arg9[%swap3A, %swap3A_36], %max3A_35 {strides = array<i32>} : memref<2000x128xf32, #tpu.memory_space<vmem>>, vector<2000x128xf32>,
    return
  }
  func.func @transform_0(%arg0: i32) -> (i32, i32) {
    %c0_i32 = arith.constant 0 : i32
    %c0_i32_0 = arith.constant 0 : i32
    return %arg0, %c0_i32 : i32, i32
  }
  func.func @transform_1(%arg0: i32) -> (i32, i32) {
    %c0_i32 = arith.constant 0 : i32
    %c0_i32_0 = arith.constant 0 : i32
    return %arg0, %c0_i32 : i32, i32
  }
  func.func @transform_2(%arg0: i32) -> (i32, i32) {
    %c0_i32 = arith.constant 0 : i32
    %c0_i32_0 = arith.constant 0 : i32
    return %arg0, %c0_i32 : i32, i32
  }
  func.func @transform_3(%arg0: i32) -> (i32, i32) {
    %c0_i32 = arith.constant 0 : i32
    %c0_i32_0 = arith.constant 0 : i32
    return %arg0, %c0_i32 : i32, i32
  }
  func.func @transform_4(%arg0: i32) -> (i32, i32) {
    %c0_i32 = arith.constant 0 : i32
    %c0_i32_0 = arith.constant 0 : i32
    return %arg0, %c0_i32 : i32, i32
  }
  func.func @transform_5(%arg0: i32) -> (i32, i32) {
    %c0_i32 = arith.constant 0 : i32
    %c0_i32_0 = arith.constant 0 : i32
    %c0_i32_1 = arith.constant 0 : i32
    return %c0_i32, %c0_i32_0 : i32, i32
  }
  func.func @transform_6(%arg0: i32) -> (i32, i32) {
    %c0_i32 = arith.constant 0 : i32
    %c0_i32_0 = arith.constant 0 : i32
    %c0_i32_1 = arith.constant 0 : i32
    return %c0_i32, %c0_i32_0 : i32, i32
  }
  func.func @transform_7(%arg0: i32) -> (i32, i32) {
    %c0_i32 = arith.constant 0 : i32
    %c0_i32_0 = arith.constant 0 : i32
    %c0_i32_1 = arith.constant 0 : i32
    return %c0_i32, %c0_i32_0 : i32, i32
  }
  func.func @transform_8(%arg0: i32) -> (i32, i32) {
    %c0_i32 = arith.constant 0 : i32
    %c0_i32_0 = arith.constant 0 : i32
    return %arg0, %c0_i32 : i32, i32
  }
}

module attributes {stable_mosaic.version = 14 : i64} {
  func.func @_combine_body(%arg0: i32, %arg1: memref<2000x128xf32, #tpu.memory_space<vmem>>, %arg2: memref<2000x128xf32, #tpu.memory_space<vmem>>, %arg3: memref<2000x1xf32, #tpu.memory_space<vmem>>, %arg4: memref<2000x1xf32, #tpu.memory_space<vmem>>, %arg5: memref<2000x128xf32, #tpu.memory_space<vmem>>, %arg6: memref<128x128xf32, #tpu.memory_space<vmem>>, %arg7: memref<8x128xf32, #tpu.memory_space<vmem>>, %arg8: memref<128x128xf32, #tpu.memory_space<vmem>>, %arg9: memref<2000x128xf32, #tpu.memory_space<vmem>>) attributes {dimension_semantics = [#tpu.dimension_semantics<arbitrary>], iteration_bounds = array<i64: 5>, scalar_prefetch = 0 : i64, scratch_operands = 0 : i64, tpu.core_type = #tpu.core_type<tc>, window_params = [{transform_indices = @transform_0, window_bounds = array<i64: 2000, 128>}, {transform_indices = @transform_1, window_bounds = array<i64: 2000, 128>}, {transform_indices = @transform_2, window_bounds = array<i64: 2000, 1>}, {transform_indices = @transform_3, window_bounds = array<i64: 2000, 1>}, {transform_indices = @transform_4, window_bounds = array<i64: 2000, 128>}, {pipeline_mode = #tpu.pipeline_mode<synchronous>, transform_indices = @transform_5, window_bounds = array<i64: 128, 128>}, {pipeline_mode = #tpu.pipeline_mode<synchronous>, transform_indices = @transform_6, window_bounds = array<i64: 8, 128>}, {pipeline_mode = #tpu.pipeline_mode<synchronous>, transform_indices = @transform_7, window_bounds = array<i64: 128, 128>}, {transform_indices = @transform_8, window_bounds = array<i64: 2000, 128>}]} {
    %get3A = arith.constant 0 : index
    %get3A_0 = arith.constant 0 : index
    %get3A_1 = vector.load %arg1[%get3A, %get3A_0] : memref<2000x128xf32, #tpu.memory_space<vmem>>, vector<2000x128xf32>
    %get3A_2 = arith.constant 0 : index
    %get3A_3 = arith.constant 0 : index
    %get3A_4 = vector.load %arg2[%get3A_2, %get3A_3] : memref<2000x128xf32, #tpu.memory_space<vmem>>, vector<2000x128xf32>
    %add3A = arith.addf %get3A_1, %get3A_4 : vector<2000x128xf32>
    %get3A_5 = arith.constant 0 : index
    %get3A_6 = arith.constant 0 : index
    %get3A_7 = vector.load %arg3[%get3A_5, %get3A_6] : memref<2000x1xf32, #tpu.memory_space<vmem>>, vector<2000x1xf32>
    %get3A_8 = arith.constant 0 : index
    %get3A_9 = arith.constant 0 : index
    %get3A_10 = vector.load %arg4[%get3A_8, %get3A_9] : memref<2000x1xf32, #tpu.memory_space<vmem>>, vector<2000x1xf32>
    %add3A_11 = arith.addf %get3A_7, %get3A_10 : vector<2000x1xf32>
    %max3A = arith.constant 1.000000e+00 : f32
    %max3A_12 = vector.broadcast %max3A : f32 to vector<2000x1xf32>
    %max3A_13 = arith.maximumf %add3A_11, %max3A_12 : vector<2000x1xf32>
    %div3A = vector.broadcast %max3A_13 : vector<2000x1xf32> to vector<2000x128xf32>
    %div3A_14 = arith.divf %add3A, %div3A : vector<2000x128xf32>
    %get3A_15 = arith.constant 0 : index
    %get3A_16 = arith.constant 0 : index
    %get3A_17 = vector.load %arg6[%get3A_15, %get3A_16] : memref<128x128xf32, #tpu.memory_space<vmem>>, vector<128x128xf32>
    %dot_general3A = arith.constant dense<0.000000e+00> : vector<2000x128xf32>
    %dot_general3A_18 = tpu.matmul %div3A_14, %get3A_17, %dot_general3A {dimension_numbers = #tpu.dot_dimension_numbers<[1], [1], [0], [0], [0, 0, 1, 0], [], []>, transpose_lhs_hint = false} : vector<2000x128xf32>, vector<128x128xf32>, vector<2000x128xf32> -> vector<2000x128xf32>
    %get3A_19 = arith.constant 0 : index
    %get3A_20 = arith.constant 0 : index
    %get3A_21 = vector.load %arg7[%get3A_19, %get3A_20] : memref<8x128xf32, #tpu.memory_space<vmem>>, vector<1x128xf32>
    %add3A_22 = vector.broadcast %get3A_21 : vector<1x128xf32> to vector<2000x128xf32>
    %add3A_23 = arith.addf %dot_general3A_18, %add3A_22 : vector<2000x128xf32>
    %get3A_24 = arith.constant 0 : index
    %get3A_25 = arith.constant 0 : index
    %get3A_26 = vector.load %arg5[%get3A_24, %get3A_25] : memref<2000x128xf32, #tpu.memory_space<vmem>>, vector<2000x128xf32>
    %get3A_27 = arith.constant 0 : index
    %get3A_28 = arith.constant 0 : index
    %get3A_29 = vector.load %arg8[%get3A_27, %get3A_28] : memref<128x128xf32, #tpu.memory_space<vmem>>, vector<128x128xf32>
    %dot_general3A_30 = arith.constant dense<0.000000e+00> : vector<2000x128xf32>
    %dot_general3A_31 = tpu.matmul %get3A_26, %get3A_29, %dot_general3A_30 {dimension_numbers = #tpu.dot_dimension_numbers<[1], [1], [0], [0], [0, 0, 1, 0], [], []>, transpose_lhs_hint = false} : vector<2000x128xf32>, vector<128x128xf32>, vector<2000x128xf32> -> vector<2000x128xf32>
    %add3A_32 = arith.addf %add3A_23, %dot_general3A_31 : vector<2000x128xf32>
    %mul3A = arith.mulf %add3A_32, %add3A_32 : vector<2000x128xf32>
    %reduce_sum3A = arith.constant dense<0.000000e+00> : vector<2000xf32>
    %reduce_sum3A_33 = vector.multi_reduction <add>, %mul3A, %reduce_sum3A [1] : vector<2000x128xf32> to vector<2000xf32>
    %broadcast_in_dim3A = vector.shape_cast %reduce_sum3A_33 : vector<2000xf32> to vector<2000x1xf32>
    %sqrt3A = math.sqrt %broadcast_in_dim3A : vector<2000x1xf32>
    %max3A_34 = arith.constant 9.99999996E-13 : f32
    %max3A_35 = vector.broadcast %max3A_34 : f32 to vector<2000x1xf32>
    %max3A_36 = arith.maximumf %sqrt3A, %max3A_35 : vector<2000x1xf32>
    %div3A_37 = vector.broadcast %max3A_36 : vector<2000x1xf32> to vector<2000x128xf32>
    %div3A_38 = arith.divf %add3A_32, %div3A_37 : vector<2000x128xf32>
    %swap3A = arith.constant 0 : index
    %swap3A_39 = arith.constant 0 : index
    %swap3A_40 = vector.load %arg9[%swap3A, %swap3A_39] : memref<2000x128xf32, #tpu.memory_space<vmem>>, vector<2000x128xf32>
    tpu.vector_store %arg9[%swap3A, %swap3A_39], %div3A_38 {strides = array<i32>} : memref<2000x128xf32, #tpu.memory_space<vmem>>, vector<2000x128xf32>,
    return
  }
  func.func @transform_0(%arg0: i32) -> (i32, i32) {
    %c0_i32 = arith.constant 0 : i32
    %c0_i32_0 = arith.constant 0 : i32
    return %arg0, %c0_i32 : i32, i32
  }
  func.func @transform_1(%arg0: i32) -> (i32, i32) {
    %c0_i32 = arith.constant 0 : i32
    %c0_i32_0 = arith.constant 0 : i32
    return %arg0, %c0_i32 : i32, i32
  }
  func.func @transform_2(%arg0: i32) -> (i32, i32) {
    %c0_i32 = arith.constant 0 : i32
    %c0_i32_0 = arith.constant 0 : i32
    return %arg0, %c0_i32 : i32, i32
  }
  func.func @transform_3(%arg0: i32) -> (i32, i32) {
    %c0_i32 = arith.constant 0 : i32
    %c0_i32_0 = arith.constant 0 : i32
    return %arg0, %c0_i32 : i32, i32
  }
  func.func @transform_4(%arg0: i32) -> (i32, i32) {
    %c0_i32 = arith.constant 0 : i32
    %c0_i32_0 = arith.constant 0 : i32
    return %arg0, %c0_i32 : i32, i32
  }
  func.func @transform_5(%arg0: i32) -> (i32, i32) {
    %c0_i32 = arith.constant 0 : i32
    %c0_i32_0 = arith.constant 0 : i32
    %c0_i32_1 = arith.constant 0 : i32
    return %c0_i32, %c0_i32_0 : i32, i32
  }
  func.func @transform_6(%arg0: i32) -> (i32, i32) {
    %c0_i32 = arith.constant 0 : i32
    %c0_i32_0 = arith.constant 0 : i32
    %c0_i32_1 = arith.constant 0 : i32
    return %c0_i32, %c0_i32_0 : i32, i32
  }
  func.func @transform_7(%arg0: i32) -> (i32, i32) {
    %c0_i32 = arith.constant 0 : i32
    %c0_i32_0 = arith.constant 0 : i32
    %c0_i32_1 = arith.constant 0 : i32
    return %c0_i32, %c0_i32_0 : i32, i32
  }
  func.func @transform_8(%arg0: i32) -> (i32, i32) {
    %c0_i32 = arith.constant 0 : i32
    %c0_i32_0 = arith.constant 0 : i32
    return %arg0, %c0_i32 : i32, i32
  }
}

</mosaic_0001>

<sc_bundles>
// kernel: kernel.10.cloned.1.call-start
scs
__scs_entry_jumppad:
0x0: {  	(pc) =	sbr.rel $0x88, $3  }
0x1: {  	(tag) =	ssettag $0x0;
	lr =	simm.s32 $0x1  }
0x2: {  	[smem:$0x3F95] =	sst lr;
	_ =	strace $0xD0000000  }
0x3: {  	_ = 	snop  }
0x4: {  	_ = 	snop  }
0x5: {  	_ = 	snop  }
0x6: {  	_ = 	snop  }
0x7: {  	_ = 	snop  }
__scs_overlays_trampoline_lowered:
0x8: {  	[smem:$0x3FA4] =	sst s0  }
0x9: {  	[smem:$0x3FA5] =	sst s1  }
0xa: {  	[smem:$0x3FA6] =	sst s2  }
0xb: {  	[smem:$0x3FA7] =	sst s3  }
0xc: {  	[smem:$0x3FA8] =	sst s4  }
0xd: {  	[smem:$0x3FA9] =	sst s5  }
0xe: {  	[smem:$0x3FAA] =	sst s6  }
0xf: {  	[smem:$0x3FAB] =	sst s7  }
0x10: {  	[smem:$0x3FAC] =	sst s8  }
0x11: {  	[smem:$0x3FAD] =	sst s9;
	s0 =	simm.s32 @!p0 $0x0  }
0x12: {  	s1 =	sld [smem:$0x3F93];
	s0 =	simm.s32 @p0 $0x1  }
0x13: {  	[smem:$0x3FAE] =	sst s0;
	s0 =	simm.s32 @!p1 $0x0  }
0x14: {  	s2 =	sld [smem:$0x3F92];
	s0 =	simm.s32 @p1 $0x1  }
0x15: {  	[smem:$0x3FAF] =	sst s0;
	s0 =	simm.s32 @!p2 $0x0  }
0x16: {  	s3 =	sld [smem:$0x3FDB];
	s0 =	simm.s32 @p2 $0x1  }
0x17: {  	s4 =	simm.s32 $0x1BF5;
	[smem:$0x3FB1] =	sst s0  }
0x18: {  	s0 =	sld [smem:$0x3F94];
	_ =	swait.ge [sflag:s4], $0x0  }
0x19: {  	s7 =	sld [smem:$0x3F95]  }
0x1a: {  	s8 =	sadd.s32 $0xFFFFE003, lr  }
0x1b: {  	s9 =	sadd.s32 $0xFFFFFEF7, lr;
	s5 =	simm.s32 $0xFFFFFFFF;
	p2 =	slt.u32 s8, $0xFFFFF086  }
0x1c: {  	p1 =	slt.u32 s9, $0xF7A;
	s5 =	simm.s32 @!p2 $0x0  }
0x1d: {  	s5 =	simm.s32 @p1 $0x1;
	p0 =	seq.s32 s7, s2  }
0x1e: {  	s7 =	smul.u32 @!p0 $0xF7A, s2;
	p2 =	seq.s32 @!p0 s5, $0x0  }
0x1f: {  	s9 =	smul.u32 $0xF7A, s1;
	s8 =	simm.s32 @!p0 $0x1BF5;
	p2 =	por !p2, p0  }
0x20: {  	[sflag:s8] =	ssyncset.s32 @!p0 $0xFFFFF086;
	s6 =	sadd.s32 @!p0 s3, s7;
	s7 =	simm.s32 @!p0 $0x108  }
0x21: {  	s3 =	sadd.s32 s3, s9;
	s6 =	sadd.s32 @!p0 $0x88, s6;
	s7 =	simm.s32 @p2 $0x1082  }
0x22: {  	[simem:s7], [sflag:s8] =	dma.local @!p0 [hbm:s6], $0xF7A  }
0x23: {  	s9 =	sor.u32 $0xD0000000, s2;
	s6 =	simm.s32 $0x108;
	_ =	swait.ge @!p0 [sflag:s8], $0x0  }
0x24: {  	s3 =	sadd.s32 $0x88, s3;
	s6 =	simm.s32 @!p1 $0x1082;
	[sflag:s4] =	ssyncset.s32 $0xFFFFF086  }
0x25: {  	[simem:s6], [sflag:s4] =	dma.local [hbm:s3], $0xF7A  }
0x26: {  	[smem:$0x3F95] =	sst s1;
	(tag) =	ssettag s2;
	_ =	strace s9  }
0x27: {  	s1 =	sld [smem:$0x3FA5]  }
0x28: {  	s2 =	sld [smem:$0x3FA6]  }
0x29: {  	s4 =	sld [smem:$0x3FA8]  }
0x2a: {  	p0 =	seq.s32 s5, $0x0;
	s5 =	sld [smem:$0x3FA9]  }
0x2b: {  	s6 =	sld [smem:$0x3FAA]  }
0x2c: {  	s7 =	sld [smem:$0x3FAB]  }
0x2d: {  	s3 =	simm.s32 $0x108;
	s8 =	sld [smem:$0x3FAC]  }
0x2e: {  	s3 =	simm.s32 @!p0 $0x1082;
	s9 =	sld [smem:$0x3FAD]  }
0x2f: {  	lr =	sadd.s32 s0, s3;
	s0 =	sld [smem:$0x3FA4]  }
0x30: {  	s3 =	sld [smem:$0x3FA7]  }
0x31: {  	[smem:$0x3FB0] =	sst s10  }
0x32: {  	s10 =	sld [smem:$0x3FAE];
	_ =	sdelay $0x3  }
0x33: {  	p0 =	seq.s32 s10, $0x1;
	s10 =	sld [smem:$0x3FB0];
	_ =	sdelay $0x3  }
0x34: {  	[smem:$0x3FB0] =	sst s10  }
0x35: {  	s10 =	sld [smem:$0x3FAF];
	_ =	sdelay $0x3  }
0x36: {  	p1 =	seq.s32 s10, $0x1;
	s10 =	sld [smem:$0x3FB0];
	_ =	sdelay $0x3  }
0x37: {  	[smem:$0x3FB0] =	sst s10  }
0x38: {  	s10 =	sld [smem:$0x3FB1]  }
0x39: {  	_ = 	snop;
	(pc) =	sbr.ind lr, $3  }
0x3a: {  	_ = 	snop  }
0x3b: {  	_ = 	snop  }
0x3c: {  	p2 =	seq.s32 s10, $0x1;
	s10 =	sld [smem:$0x3FB0]  }
0x3d: {  	_ =	shalt  }
0x3e: {  	_ =	shalt  }
0x3f: {  	_ =	shalt  }
0x40: {  	_ =	shalt  }
0x41: {  	_ =	shalt  }
0x42: {  	_ =	shalt  }
0x43: {  	_ =	shalt  }
0x44: {  	_ =	shalt  }
0x45: {  	_ =	shalt  }
0x46: {  	_ =	shalt  }
0x47: {  	_ =	shalt  }
0x48: {  	_ =	shalt  }
0x49: {  	_ =	shalt  }
0x4a: {  	_ =	shalt  }
0x4b: {  	_ =	shalt  }
0x4c: {  	_ =	shalt  }
0x4d: {  	_ =	shalt  }
0x4e: {  	_ =	shalt  }
0x4f: {  	_ =	shalt  }
0x50: {  	_ =	shalt  }
0x51: {  	_ =	shalt  }
0x52: {  	_ =	shalt  }
0x53: {  	_ =	shalt  }
0x54: {  	_ =	shalt  }
0x55: {  	_ =	shalt  }
0x56: {  	_ =	shalt  }
0x57: {  	_ =	shalt  }
0x58: {  	_ =	shalt  }
0x59: {  	_ =	shalt  }
0x5a: {  	_ =	shalt  }
0x5b: {  	_ =	shalt  }
0x5c: {  	_ =	shalt  }
0x5d: {  	_ =	shalt  }
0x5e: {  	_ =	shalt  }
0x5f: {  	_ =	shalt  }
0x60: {  	_ =	shalt  }
0x61: {  	_ =	shalt  }
0x62: {  	_ =	shalt  }
0x63: {  	_ =	shalt  }
0x64: {  	_ =	shalt  }
0x65: {  	_ =	shalt  }
0x66: {  	_ =	shalt  }
0x67: {  	_ =	shalt  }
0x68: {  	_ =	shalt  }
0x69: {  	_ =	shalt  }
0x6a: {  	_ =	shalt  }
0x6b: {  	_ =	shalt  }
0x6c: {  	_ =	shalt  }
0x6d: {  	_ =	shalt  }
0x6e: {  	_ =	shalt  }
0x6f: {  	_ =	shalt  }
0x70: {  	_ =	shalt  }
0x71: {  	_ =	shalt  }
0x72: {  	_ =	shalt  }
0x73: {  	_ =	shalt  }
0x74: {  	_ =	shalt  }
0x75: {  	_ =	shalt  }
0x76: {  	_ =	shalt  }
0x77: {  	_ =	shalt  }
0x78: {  	_ =	shalt  }
0x79: {  	_ =	shalt  }
0x7a: {  	_ =	shalt  }
0x7b: {  	_ =	shalt  }
0x7c: {  	_ =	shalt  }
0x7d: {  	_ =	shalt  }
0x7e: {  	_ =	shalt  }
0x7f: {  	_ =	shalt  }
0x80: {  	_ =	shalt  }
0x81: {  	_ =	shalt  }
0x82: {  	_ =	shalt  }
0x83: {  	_ =	shalt  }
0x84: {  	_ =	shalt  }
0x85: {  	_ =	shalt  }
0x86: {  	_ =	shalt  }
0x87: {  	_ =	shalt  }
.Lfunc_end0:
.L_simem_size_0:
called_computation.1_lowered:
.L_overlay_start_0:
0x88: {  	s2 =	sld [smem:$0x3FD9]  }
0x89: {  	s3 =	sld [smem:$0x3FFE];
	_ =	sdelay $0x1  }
0x8a: {  	s1 =	srdreg.scid  }
0x8b: {  	s0 =	sand.u32 $0x1, s1  }
0x8c: {  	s16 =	sshll.u32 s0, $0xA;
	s2 =	sadd.s32 s3, s2  }
0x8d: {  	s2 =	sadd.s32 s2, s16  }
0x8e: {  	[smem:$0x3FBC] =	sst s2  }
0x8f: {  	_ = 	snop  }
0x90: {  	(tm) =	ssettm $0x1  }
0x91: {  	s17 =	sld [smem:$0x3FFB];
	_ =	sdelay $0x3  }
0x92: {  	_ =	strace s17  }
0x93: {  	s2 =	sld [smem:$0x3FFC];
	_ =	sdelay $0x3  }
0x94: {  	_ =	strace s2  }
0x95: {  	s2 =	sld [smem:$0x3FFD];
	_ =	sdelay $0x3  }
0x96: {  	_ =	strace s2  }
0x97: {  	_ =	strace $0x8FFFFFFF  }
0x98: {  	s18 =	sld [smem:$0x3FDB];
	_ =	sdelay $0x1  }
0x99: {  	s19 =	simm.s32 $_scs_section_size  }
0x9a: {  	s4 =	simm.s32 $_size__tile_overlayer_lowered;
	s5 =	simm.s32 $_tile_overlayer_lowered  }
0x9b: {  	s22 =	simm.s32 $0x1BFF;
	s21 =	sshll.u32 s5, $0x1;
	s2 =	sadd.s32 s19, s18  }
0x9c: {  	s6 =	simm.s32 $0x0;
	s20 =	sshll.u32 s4, $0x1;
	s4 =	sadd.s32 s21, s2  }
0x9d: {  	[timem:s6], [sflag:s22] =	dma.local [hbm:s4], s20  }
0x9e: {  	_ =	swait.ge [sflag:s22], s20  }
0x9f: {  	s3 =	ssub.s32 $0x0, s20;
	[sflag:s22] =	ssyncset.done $0x0  }
0xa0: {  	[sflag:s22] =	ssyncadd.s32 s3;
	_ =	sdelay $0x1  }
0xa1: {  	s23 =	simm.s32 $0x1B8B  }
0xa2: {  	_ =	swait.ge [sflag:s23], $0x1  }
0xa3: {  	[sflag:s23] =	ssyncset.done $0x0  }
0xa4: {  	s25 =	simm.s32 $0x1B8E;
	s24 =	sld [smem:$0x3FFE];
	[sflag:s23] =	ssyncadd.s32 $0xFFFFFFFF  }
0xa5: {  	s26 =	simm.s32 $execute0_lowered;
	[smem:$0x3FD2] =	sst s25  }
0xa6: {  	s4 =	sshll.u32 s26, $0x1;
	_ =	strace $0x80000049;
	[dreg:$0x1] =	wrdreg $0xFFFFFFFF  }
0xa7: {  	s28 =	simm.s32 $_size_execute0_lowered;
	s2 =	sadd.s32 s2, s4;
	[dreg:$0x0] =	wrdreg $0x0  }
0xa8: {  	s4 =	sshll.u32 s28, $0x1;
	[dreg:$0x2] =	wrdreg s2  }
0xa9: {  	[dreg:$0x3] =	wrdreg s4  }
0xaa: {  	[dreg:$0x4] =	wrdreg $0xC0  }
0xab: {  	_ =	task [dreg:s6], $0x5FFFF  }
0xac: {  	[dreg:$0x1] =	wrdreg $0xFFFFFFFF  }
0xad: {  	[dreg:$0x0] =	wrdreg $0x60  }
0xae: {  	[dreg:$0x2] =	wrdreg s24  }
0xaf: {  	[dreg:$0x3] =	wrdreg $0x0  }
0xb0: {  	[dreg:$0x4] =	wrdreg $0x9  }
0xb1: {  	_ =	task.clear_ibuf [dreg:s6], $0x5FFFF;
	_ =	strace $0x90000049  }
0xb2: {  	s29 =	simm.s32 $0x9;
	_ =	strace $0x8000004B  }
0xb3: {  	_ =	swait.ge [sflag:s29], $0x1  }
0xb4: {  	[sflag:s29] =	ssyncadd.s32 $0xFFFFFFFF  }
0xb5: {  	_ =	strace $0x9000004B  }
0xb6: {  	_ =	sfence  }
0xb7: {  	s30 =	sld [smem:$0x0];
	_ =	sdelay $0x2  }
0xb8: {  	s31 =	sshll.u32 s1, $0xD;
	s1 =	sshrl.u32 s1, $0x2  }
0xb9: {  	s3 =	sand.u32 $0x4000, s31;
	s1 =	sadd.s32 s1, s30  }
0xba: {  	s0 =	sor.u32 s3, s0;
	s1 =	sshll.u32 s1, $0x11  }
0xbb: {  	s0 =	sor.u32 s1, s0  }
0xbc: {  	s0 =	sadd.s32 $0x8F2B, s0  }
0xbd: {  	[sflag:s0] =	ssyncadd.remote.s32 $0x1  }
0xbe: {  	_ =	sfence.sel $0xFFFF  }
0xbf: {  	[dreg:$0x0] =	wrdreg $0xFFFFFFFF;
	(pc) =	sbr.abs _section_cstart, $3  }
0xc0: {  	[dreg:$0x1] =	wrdreg $0xFFFFFFFF  }
0xc1: {  	_ =	task.clear_ibuf [dreg:s6], $0x2FFFF;
	_ =	strace $0x9FFFFFFF  }
0xc2: {  	(tm) =	ssettm $0x7FFFFFFF  }
0xc3: {  	_ =	shalt  }
tec
execute0_lowered:
.L_overlay_start_1:
0x0: {  	(tag) =	ssettag $0x1  }
0x1: {  	s1 =	rddreg [dreg:$0x0]  }
0x2: {  	s8 =	stileid.u32;
	s2 =	rddreg [dreg:$0x1];
	s3 =	simm.s32 $0x0  }
0x3: {  	s0 =	srdreg.scid;
	[smem:$0x7FF] =	sst s3;
	s9 =	sadd.s32 $0x16E00, s1  }
0x4: {  	s17 =	simm.s32 $0x14080;
	_ =	strace $0x8000004A;
	[dreg:$0x1d] =	wrdreg s9  }
0x5: {  	s18 =	simm.s32 $0x14A80;
	s19 =	simm.s32 $0x14100;
	[dreg:$0x5] =	wrdreg s17  }
0x6: {  	s20 =	simm.s32 $0x14180;
	s21 =	simm.s32 $0x14B00;
	[dreg:$0x6] =	wrdreg s18  }
0x7: {  	s22 =	simm.s32 $0x14B80;
	s24 =	simm.s32 $0x14200;
	[dreg:$0x7] =	wrdreg s19  }
0x8: {  	s26 =	simm.s32 $0x14280;
	s11 =	simm.s32 $0x14C80;
	[dreg:$0x8] =	wrdreg s20  }
0x9: {  	s12 =	simm.s32 $0x14300;
	s14 =	simm.s32 $0x14380;
	[dreg:$0x9] =	wrdreg s21  }
0xa: {  	s15 =	simm.s32 $0x14D00;
	s28 =	simm.s32 $0x14880;
	[dreg:$0xa] =	wrdreg s22  }
0xb: {  	s29 =	simm.s32 $0x15200;
	s4 =	smul.u32 $0xA00, s8;
	[dreg:$0xb] =	wrdreg s24  }
0xc: {  	s30 =	simm.s32 $0x15280;
	s16 =	smul.u32 $0x14000, s8;
	[dreg:$0xc] =	wrdreg s26  }
0xd: {  	s0 =	sand.u32 $0x1, s0;
	s25 =	smul.u32 $0x50000, s8;
	[dreg:$0xe] =	wrdreg s11  }
0xe: {  	s31 =	simm.s32 $0x14900;
	s5 =	smul.u32 $0x500, s0;
	[dreg:$0xf] =	wrdreg s12  }
0xf: {  	s13 =	sshll.u32 s8, $0x6;
	s7 =	smul.u32 $0x140000, s0;
	[dreg:$0x10] =	wrdreg s14  }
0x10: {  	s0 =	ssub.s32 $0x2, s0;
	s9 =	simm.s32 $0x14C00;
	[dreg:$0x11] =	wrdreg s15  }
0x11: {  	s17 =	simm.s32 $0x14400;
	s18 =	simm.s32 $0x14480;
	[dreg:$0xd] =	wrdreg s9  }
0x12: {  	s19 =	simm.s32 $0x14E00;
	s11 =	simm.s32 $0x14000;
	[dreg:$0x13] =	wrdreg s17  }
0x13: {  	s20 =	simm.s32 $0x14E80;
	s12 =	simm.s32 $0x14A00;
	[dreg:$0x14] =	wrdreg s18  }
0x14: {  	s21 =	simm.s32 $0x14500;
	s22 =	simm.s32 $0x14580;
	[dreg:$0x15] =	wrdreg s19  }
0x15: {  	s14 =	simm.s32 $0x15400;
	s15 =	simm.s32 $0x19400;
	[dreg:$0x16] =	wrdreg s20  }
0x16: {  	s24 =	simm.s32 $0x14F80;
	s26 =	simm.s32 $0x14680;
	[dreg:$0x17] =	wrdreg s21  }
0x17: {  	s4 =	sadd.s32 s4, s1;
	s23 =	sshrl.u32 s0, $0x1;
	[dreg:$0x18] =	wrdreg s22  }
0x18: {  	s10 =	sshrl.u32 s25, $0x2;
	[dreg:$0x1a] =	wrdreg s24;
	s25 =	simm.s32 $0x14600  }
0x19: {  	s17 =	simm.s32 $0x2;
	s18 =	simm.s32 $0x3;
	s19 =	simm.s32 $0x4  }
0x1a: {  	[dreg:$0x1c] =	wrdreg s26;
	s20 =	simm.s32 $0x15000;
	s21 =	simm.s32 $0x15080  }
0x1b: {  	s22 =	simm.s32 $0x14700;
	s24 =	simm.s32 $0x15100;
	s26 =	simm.s32 $0x14800  }
0x1c: {  	s9 =	simm.s32 $0x0;
	s5 =	sadd.s32 s5, s4;
	s4 =	sadd.s32 $0x40A00, s1  }
0x1d: {  	s0 =	ssub.s32 s0, s23;
	s23 =	simm.s32 $0x14F00;
	[dreg:$0x1b] =	wrdreg s25  }
0x1e: {  	s25 =	simm.s32 $0x15180;
	s6 =	sadd.s32 $0x2E00, s5;
	[dreg:$0x19] =	wrdreg s23  }
0x1f: {  	s5 =	sadd.s32 $0xCE00, s5;
	s0 =	smax.u32 s0, $0x1;
	[dreg:$0x3] =	wrdreg s6  }
0x20: {  	s23 =	simm.s32 $0x14780;
	[dreg:$0x4] =	wrdreg s5;
	s6 =	sadd.s32 s16, s7  }
0x21: {  	s7 =	sor.u32 $0x1C05, s13;
	s16 =	simm.s32 $0x14D80;
	[smem:$0x7FC] =	sst s0  }
0x22: {  	s13 =	simm.s32 $0x7D;
	s0 =	simm.s32 $0x15300;
	s6 =	sshrl.u32 s6, $0x3  }
0x23: {  	s5 =	simm.s32 $0x15380;
	[dreg:$0x12] =	wrdreg s16;
	s1 =	sadd.s32 s6, s1  }
0x24: {  	[dreg:$0x1e] =	wrdreg s7;
	s6 =	sadd.s32 s10, s2;
	s1 =	sadd.s32 $0x67C00, s1  }
0x25: {  	s16 =	simm.s32 $0x1;
	s8 =	sshrl.u32 s6, $0x3;
	[dreg:$0x1f] =	wrdreg s1  }
0x26: {  	s10 =	simm.s32 $0x5;
	s1 =	simm.s32 $0x14980;
	[smem:$0x7FD] =	sst s8  }
.LBB2_1:
0x27: {  	[smem:$0x7FB] =	sst s9  }
0x28: {  	s6 =	rddreg [dreg:$0x1d]  }
0x29: {  	[spmem:s8], [sflag:s7] =	dma.local [hbm:s6], $0x2800  }
0x2a: {  	_ =	swait.ge [sflag:s10], $0x2800  }
0x2b: {  	[sflag:s10] =	ssyncset.done $0x0  }
0x2c: {  	[sflag:s10] =	ssyncadd.s32 $0xFFFFD800  }
0x2d: {  	[bflag:$0x0] =	sbarrier.arrive $0xFFFF  }
0x2e: {  	s8 =	rddreg [dreg:$0x3]  }
0x2f: {  	s6 =	sadd.s32 $0x0, s8  }
0x30: {  	[tilespmem:s11], [sflag:$0x5] =	stream.linear.gather [hbm4b:s6+s3], $0xA00, $0x38;
	[tilespmem:$0x1D400] =	vst v63  }
0x31: {  	_ =	swait.ge [sflag:s10], $0xA00  }
0x32: {  	s9 =	rddreg [dreg:$0x4];
	[sflag:s10] =	ssyncset.done $0x0  }
0x33: {  	[sflag:s10] =	ssyncadd.s32 $0xFFFFF600;
	s6 =	sadd.s32 $0x0, s9  }
0x34: {  	[tilespmem:s12], [sflag:$0x5] =	stream.linear.gather [hbm4b:s6+s3], $0xA00, $0x38;
	[tilespmem:$0x1D400] =	vst v63  }
0x35: {  	_ =	swait.ge [sflag:s10], $0xA00  }
0x36: {  	[sflag:s10] =	ssyncset.done $0x0  }
0x37: {  	[sflag:s10] =	ssyncadd.s32 $0xFFFFF600  }
0x38: {  	[tilespmem:s14], [sflag:$0x1] =	stream.indirect.gather [hbm4b:s4+s13], $0x80, s11, s13, $0xb8;
	[tilespmem:$0x1D400] =	vst v63  }
0x39: {  	s7 =	rddreg [dreg:$0x5]  }
0x3a: {  	[tilespmem:s15], [sflag:$0x2] =	stream.indirect.gather [hbm4b:s4+s13], $0x80, s7, s13, $0xb8;
	[tilespmem:$0x1D400] =	vst v63  }
0x3b: {  	_ =	swait.ge [sflag:s16], $0x3E80  }
0x3c: {  	[sflag:s16] =	ssyncset.done $0x0  }
0x3d: {  	[sflag:s16] =	ssyncadd.s32 $0xFFFFC180  }
0x3e: {  	[spmem:s2] =	stream.indirect.scatter.add.f32 [tilespmem:s14], [sflag:$0x3], $0x80, s12, s13, $0xb8;
	[tilespmem:$0x1D400] =	vst v63  }
0x3f: {  	_ =	swait.ge [sflag:s17], $0x3E80  }
0x40: {  	[sflag:s17] =	ssyncset.done $0x0  }
0x41: {  	s8 =	rddreg [dreg:$0x6];
	[sflag:s17] =	ssyncadd.s32 $0xFFFFC180  }
0x42: {  	[spmem:s2] =	stream.indirect.scatter.add.f32 [tilespmem:s15], [sflag:$0x4], $0x80, s8, s13, $0xb8;
	[tilespmem:$0x1D400] =	vst v63  }
0x43: {  	_ =	swait.ge [sflag:s18], $0x3E80  }
0x44: {  	[sflag:s18] =	ssyncset.done $0x0  }
0x45: {  	s9 =	rddreg [dreg:$0x7];
	[sflag:s18] =	ssyncadd.s32 $0xFFFFC180  }
0x46: {  	[tilespmem:s14], [sflag:$0x1] =	stream.indirect.gather [hbm4b:s4+s13], $0x80, s9, s13, $0xb8;
	[tilespmem:$0x1D400] =	vst v63  }
0x47: {  	_ =	swait.ge [sflag:s19], $0x3E80  }
0x48: {  	[sflag:s19] =	ssyncset.done $0x0  }
0x49: {  	s7 =	rddreg [dreg:$0x8];
	[sflag:s19] =	ssyncadd.s32 $0xFFFFC180  }
0x4a: {  	[tilespmem:s15], [sflag:$0x2] =	stream.indirect.gather [hbm4b:s4+s13], $0x80, s7, s13, $0xb8;
	[tilespmem:$0x1D400] =	vst v63  }
0x4b: {  	_ =	swait.ge [sflag:s16], $0x3E80  }
0x4c: {  	[sflag:s16] =	ssyncset.done $0x0  }
0x4d: {  	s8 =	rddreg [dreg:$0x9];
	[sflag:s16] =	ssyncadd.s32 $0xFFFFC180  }
0x4e: {  	[spmem:s2] =	stream.indirect.scatter.add.f32 [tilespmem:s14], [sflag:$0x3], $0x80, s8, s13, $0xb8;
	[tilespmem:$0x1D400] =	vst v63  }
0x4f: {  	_ =	swait.ge [sflag:s17], $0x3E80  }
0x50: {  	[sflag:s17] =	ssyncset.done $0x0  }
0x51: {  	s9 =	rddreg [dreg:$0xa];
	[sflag:s17] =	ssyncadd.s32 $0xFFFFC180  }
0x52: {  	[spmem:s2] =	stream.indirect.scatter.add.f32 [tilespmem:s15], [sflag:$0x4], $0x80, s9, s13, $0xb8;
	[tilespmem:$0x1D400] =	vst v63  }
0x53: {  	_ =	swait.ge [sflag:s18], $0x3E80  }
0x54: {  	[sflag:s18] =	ssyncset.done $0x0  }
0x55: {  	s7 =	rddreg [dreg:$0xb];
	[sflag:s18] =	ssyncadd.s32 $0xFFFFC180  }
0x56: {  	[tilespmem:s14], [sflag:$0x1] =	stream.indirect.gather [hbm4b:s4+s13], $0x80, s7, s13, $0xb8;
	[tilespmem:$0x1D400] =	vst v63  }
0x57: {  	_ =	swait.ge [sflag:s19], $0x3E80  }
0x58: {  	[sflag:s19] =	ssyncset.done $0x0  }
0x59: {  	s8 =	rddreg [dreg:$0xc];
	[sflag:s19] =	ssyncadd.s32 $0xFFFFC180  }
0x5a: {  	[tilespmem:s15], [sflag:$0x2] =	stream.indirect.gather [hbm4b:s4+s13], $0x80, s8, s13, $0xb8;
	[tilespmem:$0x1D400] =	vst v63  }
0x5b: {  	_ =	swait.ge [sflag:s16], $0x3E80  }
0x5c: {  	[sflag:s16] =	ssyncset.done $0x0  }
0x5d: {  	s9 =	rddreg [dreg:$0xd];
	[sflag:s16] =	ssyncadd.s32 $0xFFFFC180  }
0x5e: {  	[spmem:s2] =	stream.indirect.scatter.add.f32 [tilespmem:s14], [sflag:$0x3], $0x80, s9, s13, $0xb8;
	[tilespmem:$0x1D400] =	vst v63  }
0x5f: {  	_ =	swait.ge [sflag:s17], $0x3E80  }
0x60: {  	[sflag:s17] =	ssyncset.done $0x0  }
0x61: {  	s7 =	rddreg [dreg:$0xe];
	[sflag:s17] =	ssyncadd.s32 $0xFFFFC180  }
0x62: {  	[spmem:s2] =	stream.indirect.scatter.add.f32 [tilespmem:s15], [sflag:$0x4], $0x80, s7, s13, $0xb8;
	[tilespmem:$0x1D400] =	vst v63  }
0x63: {  	_ =	swait.ge [sflag:s18], $0x3E80  }
0x64: {  	[sflag:s18] =	ssyncset.done $0x0  }
0x65: {  	s8 =	rddreg [dreg:$0xf];
	[sflag:s18] =	ssyncadd.s32 $0xFFFFC180  }
0x66: {  	[tilespmem:s14], [sflag:$0x1] =	stream.indirect.gather [hbm4b:s4+s13], $0x80, s8, s13, $0xb8;
	[tilespmem:$0x1D400] =	vst v63  }
0x67: {  	_ =	swait.ge [sflag:s19], $0x3E80  }
0x68: {  	[sflag:s19] =	ssyncset.done $0x0  }
0x69: {  	s9 =	rddreg [dreg:$0x10];
	[sflag:s19] =	ssyncadd.s32 $0xFFFFC180  }
0x6a: {  	[tilespmem:s15], [sflag:$0x2] =	stream.indirect.gather [hbm4b:s4+s13], $0x80, s9, s13, $0xb8;
	[tilespmem:$0x1D400] =	vst v63  }
0x6b: {  	_ =	swait.ge [sflag:s16], $0x3E80  }
0x6c: {  	[sflag:s16] =	ssyncset.done $0x0  }
0x6d: {  	s7 =	rddreg [dreg:$0x11];
	[sflag:s16] =	ssyncadd.s32 $0xFFFFC180  }
0x6e: {  	[spmem:s2] =	stream.indirect.scatter.add.f32 [tilespmem:s14], [sflag:$0x3], $0x80, s7, s13, $0xb8;
	[tilespmem:$0x1D400] =	vst v63  }
0x6f: {  	_ =	swait.ge [sflag:s17], $0x3E80  }
0x70: {  	[sflag:s17] =	ssyncset.done $0x0  }
0x71: {  	s8 =	rddreg [dreg:$0x12];
	[sflag:s17] =	ssyncadd.s32 $0xFFFFC180  }
0x72: {  	[spmem:s2] =	stream.indirect.scatter.add.f32 [tilespmem:s15], [sflag:$0x4], $0x80, s8, s13, $0xb8;
	[tilespmem:$0x1D400] =	vst v63  }
0x73: {  	_ =	swait.ge [sflag:s18], $0x3E80  }
0x74: {  	[sflag:s18] =	ssyncset.done $0x0  }
0x75: {  	s9 =	rddreg [dreg:$0x13];
	[sflag:s18] =	ssyncadd.s32 $0xFFFFC180  }
0x76: {  	[tilespmem:s14], [sflag:$0x1] =	stream.indirect.gather [hbm4b:s4+s13], $0x80, s9, s13, $0xb8;
	[tilespmem:$0x1D400] =	vst v63  }
0x77: {  	_ =	swait.ge [sflag:s19], $0x3E80  }
0x78: {  	[sflag:s19] =	ssyncset.done $0x0  }
0x79: {  	s7 =	rddreg [dreg:$0x14];
	[sflag:s19] =	ssyncadd.s32 $0xFFFFC180  }
0x7a: {  	[tilespmem:s15], [sflag:$0x2] =	stream.indirect.gather [hbm4b:s4+s13], $0x80, s7, s13, $0xb8;
	[tilespmem:$0x1D400] =	vst v63  }
0x7b: {  	_ =	swait.ge [sflag:s16], $0x3E80  }
0x7c: {  	[sflag:s16] =	ssyncset.done $0x0  }
0x7d: {  	s8 =	rddreg [dreg:$0x15];
	[sflag:s16] =	ssyncadd.s32 $0xFFFFC180  }
0x7e: {  	[spmem:s2] =	stream.indirect.scatter.add.f32 [tilespmem:s14], [sflag:$0x3], $0x80, s8, s13, $0xb8;
	[tilespmem:$0x1D400] =	vst v63  }
0x7f: {  	_ =	swait.ge [sflag:s17], $0x3E80  }
0x80: {  	[sflag:s17] =	ssyncset.done $0x0  }
0x81: {  	s9 =	rddreg [dreg:$0x16];
	[sflag:s17] =	ssyncadd.s32 $0xFFFFC180  }
0x82: {  	[spmem:s2] =	stream.indirect.scatter.add.f32 [tilespmem:s15], [sflag:$0x4], $0x80, s9, s13, $0xb8;
	[tilespmem:$0x1D400] =	vst v63  }
0x83: {  	_ =	swait.ge [sflag:s18], $0x3E80  }
0x84: {  	[sflag:s18] =	ssyncset.done $0x0  }
0x85: {  	s7 =	rddreg [dreg:$0x17];
	[sflag:s18] =	ssyncadd.s32 $0xFFFFC180  }
0x86: {  	[tilespmem:s14], [sflag:$0x1] =	stream.indirect.gather [hbm4b:s4+s13], $0x80, s7, s13, $0xb8;
	[tilespmem:$0x1D400] =	vst v63  }
0x87: {  	_ =	swait.ge [sflag:s19], $0x3E80  }
0x88: {  	[sflag:s19] =	ssyncset.done $0x0  }
0x89: {  	s8 =	rddreg [dreg:$0x18];
	[sflag:s19] =	ssyncadd.s32 $0xFFFFC180  }
0x8a: {  	[tilespmem:s15], [sflag:$0x2] =	stream.indirect.gather [hbm4b:s4+s13], $0x80, s8, s13, $0xb8;
	[tilespmem:$0x1D400] =	vst v63  }
0x8b: {  	_ =	swait.ge [sflag:s16], $0x3E80  }
0x8c: {  	[sflag:s16] =	ssyncset.done $0x0  }
0x8d: {  	s9 =	rddreg [dreg:$0x19];
	[sflag:s16] =	ssyncadd.s32 $0xFFFFC180  }
0x8e: {  	[spmem:s2] =	stream.indirect.scatter.add.f32 [tilespmem:s14], [sflag:$0x3], $0x80, s9, s13, $0xb8;
	[tilespmem:$0x1D400] =	vst v63  }
0x8f: {  	_ =	swait.ge [sflag:s17], $0x3E80  }
0x90: {  	[sflag:s17] =	ssyncset.done $0x0  }
0x91: {  	s7 =	rddreg [dreg:$0x1a];
	[sflag:s17] =	ssyncadd.s32 $0xFFFFC180  }
0x92: {  	[spmem:s2] =	stream.indirect.scatter.add.f32 [tilespmem:s15], [sflag:$0x4], $0x80, s7, s13, $0xb8;
	[tilespmem:$0x1D400] =	vst v63  }
0x93: {  	_ =	swait.ge [sflag:s18], $0x3E80  }
0x94: {  	[sflag:s18] =	ssyncset.done $0x0  }
0x95: {  	s8 =	rddreg [dreg:$0x1b];
	[sflag:s18] =	ssyncadd.s32 $0xFFFFC180  }
0x96: {  	[tilespmem:s14], [sflag:$0x1] =	stream.indirect.gather [hbm4b:s4+s13], $0x80, s8, s13, $0xb8;
	[tilespmem:$0x1D400] =	vst v63  }
0x97: {  	_ =	swait.ge [sflag:s19], $0x3E80  }
0x98: {  	[sflag:s19] =	ssyncset.done $0x0  }
0x99: {  	s9 =	rddreg [dreg:$0x1c];
	[sflag:s19] =	ssyncadd.s32 $0xFFFFC180  }
0x9a: {  	[tilespmem:s15], [sflag:$0x2] =	stream.indirect.gather [hbm4b:s4+s13], $0x80, s9, s13, $0xb8;
	[tilespmem:$0x1D400] =	vst v63  }
0x9b: {  	_ =	swait.ge [sflag:s16], $0x3E80  }
0x9c: {  	[sflag:s16] =	ssyncset.done $0x0  }
0x9d: {  	[sflag:s16] =	ssyncadd.s32 $0xFFFFC180  }
0x9e: {  	[spmem:s2] =	stream.indirect.scatter.add.f32 [tilespmem:s14], [sflag:$0x3], $0x80, s20, s13, $0xb8;
	[tilespmem:$0x1D400] =	vst v63  }
0x9f: {  	_ =	swait.ge [sflag:s17], $0x3E80  }
0xa0: {  	[sflag:s17] =	ssyncset.done $0x0  }
0xa1: {  	[sflag:s17] =	ssyncadd.s32 $0xFFFFC180  }
0xa2: {  	[spmem:s2] =	stream.indirect.scatter.add.f32 [tilespmem:s15], [sflag:$0x4], $0x80, s21, s13, $0xb8;
	[tilespmem:$0x1D400] =	vst v63  }
0xa3: {  	_ =	swait.ge [sflag:s18], $0x3E80  }
0xa4: {  	[sflag:s18] =	ssyncset.done $0x0  }
0xa5: {  	[sflag:s18] =	ssyncadd.s32 $0xFFFFC180  }
0xa6: {  	[tilespmem:s14], [sflag:$0x1] =	stream.indirect.gather [hbm4b:s4+s13], $0x80, s22, s13, $0xb8;
	[tilespmem:$0x1D400] =	vst v63  }
0xa7: {  	_ =	swait.ge [sflag:s19], $0x3E80  }
0xa8: {  	[sflag:s19] =	ssyncset.done $0x0  }
0xa9: {  	[sflag:s19] =	ssyncadd.s32 $0xFFFFC180  }
0xaa: {  	[tilespmem:s15], [sflag:$0x2] =	stream.indirect.gather [hbm4b:s4+s13], $0x80, s23, s13, $0xb8;
	[tilespmem:$0x1D400] =	vst v63  }
0xab: {  	_ =	swait.ge [sflag:s16], $0x3E80  }
0xac: {  	[sflag:s16] =	ssyncset.done $0x0  }
0xad: {  	[sflag:s16] =	ssyncadd.s32 $0xFFFFC180  }
0xae: {  	[spmem:s2] =	stream.indirect.scatter.add.f32 [tilespmem:s14], [sflag:$0x3], $0x80, s24, s13, $0xb8;
	[tilespmem:$0x1D400] =	vst v63  }
0xaf: {  	_ =	swait.ge [sflag:s17], $0x3E80  }
0xb0: {  	[sflag:s17] =	ssyncset.done $0x0  }
0xb1: {  	[sflag:s17] =	ssyncadd.s32 $0xFFFFC180  }
0xb2: {  	[spmem:s2] =	stream.indirect.scatter.add.f32 [tilespmem:s15], [sflag:$0x4], $0x80, s25, s13, $0xb8;
	[tilespmem:$0x1D400] =	vst v63  }
0xb3: {  	_ =	swait.ge [sflag:s18], $0x3E80  }
0xb4: {  	[sflag:s18] =	ssyncset.done $0x0  }
0xb5: {  	[sflag:s18] =	ssyncadd.s32 $0xFFFFC180  }
0xb6: {  	[tilespmem:s14], [sflag:$0x1] =	stream.indirect.gather [hbm4b:s4+s13], $0x80, s26, s13, $0xb8;
	[tilespmem:$0x1D400] =	vst v63  }
0xb7: {  	_ =	swait.ge [sflag:s19], $0x3E80  }
0xb8: {  	[sflag:s19] =	ssyncset.done $0x0  }
0xb9: {  	[sflag:s19] =	ssyncadd.s32 $0xFFFFC180  }
0xba: {  	[tilespmem:s15], [sflag:$0x2] =	stream.indirect.gather [hbm4b:s4+s13], $0x80, s28, s13, $0xb8;
	[tilespmem:$0x1D400] =	vst v63  }
0xbb: {  	_ =	swait.ge [sflag:s16], $0x3E80  }
0xbc: {  	[sflag:s16] =	ssyncset.done $0x0  }
0xbd: {  	[sflag:s16] =	ssyncadd.s32 $0xFFFFC180  }
0xbe: {  	[spmem:s2] =	stream.indirect.scatter.add.f32 [tilespmem:s14], [sflag:$0x3], $0x80, s29, s13, $0xb8;
	[tilespmem:$0x1D400] =	vst v63  }
0xbf: {  	_ =	swait.ge [sflag:s17], $0x3E80  }
0xc0: {  	[sflag:s17] =	ssyncset.done $0x0  }
0xc1: {  	[sflag:s17] =	ssyncadd.s32 $0xFFFFC180  }
0xc2: {  	[spmem:s2] =	stream.indirect.scatter.add.f32 [tilespmem:s15], [sflag:$0x4], $0x80, s30, s13, $0xb8;
	[tilespmem:$0x1D400] =	vst v63  }
0xc3: {  	_ =	swait.ge [sflag:s18], $0x3E80  }
0xc4: {  	[sflag:s18] =	ssyncset.done $0x0  }
0xc5: {  	[sflag:s18] =	ssyncadd.s32 $0xFFFFC180  }
0xc6: {  	[tilespmem:s14], [sflag:$0x1] =	stream.indirect.gather [hbm4b:s4+s13], $0x80, s31, s13, $0xb8;
	[tilespmem:$0x1D400] =	vst v63  }
0xc7: {  	_ =	swait.ge [sflag:s19], $0x3E80  }
0xc8: {  	[sflag:s19] =	ssyncset.done $0x0  }
0xc9: {  	[sflag:s19] =	ssyncadd.s32 $0xFFFFC180  }
0xca: {  	[tilespmem:s15], [sflag:$0x2] =	stream.indirect.gather [hbm4b:s4+s13], $0x80, s1, s13, $0xb8;
	[tilespmem:$0x1D400] =	vst v63  }
0xcb: {  	_ =	swait.ge [sflag:s16], $0x3E80  }
0xcc: {  	[sflag:s16] =	ssyncset.done $0x0  }
0xcd: {  	[sflag:s16] =	ssyncadd.s32 $0xFFFFC180  }
0xce: {  	[spmem:s2] =	stream.indirect.scatter.add.f32 [tilespmem:s14], [sflag:$0x3], $0x80, s0, s13, $0xb8;
	[tilespmem:$0x1D400] =	vst v63  }
0xcf: {  	_ =	swait.ge [sflag:s17], $0x3E80  }
0xd0: {  	[sflag:s17] =	ssyncset.done $0x0  }
0xd1: {  	[sflag:s17] =	ssyncadd.s32 $0xFFFFC180  }
0xd2: {  	[spmem:s2] =	stream.indirect.scatter.add.f32 [tilespmem:s15], [sflag:$0x4], $0x80, s5, s13, $0xb8;
	[tilespmem:$0x1D400] =	vst v63  }
0xd3: {  	_ =	swait.ge [sflag:s18], $0x3E80  }
0xd4: {  	[sflag:s18] =	ssyncset.done $0x0  }
0xd5: {  	[sflag:s18] =	ssyncadd.s32 $0xFFFFC180  }
0xd6: {  	s6 =	simm.s32 $0x280;
	_ =	swait.ge [sflag:s19], $0x3E80  }
0xd7: {  	s8 =	simm.s32 $0x140;
	s9 =	rddreg [dreg:$0x3];
	[sflag:s19] =	ssyncset.done $0x0  }
.LBB2_2:
0xd8: {  	[sflag:s19] =	ssyncadd.s32 $0xFFFFC180;
	s9 =	sadd.s32 s8, s9  }
0xd9: {  	[tilespmem:s11], [sflag:$0x5] =	stream.linear.gather [hbm4b:s9+s3], $0xA00, $0x38;
	[tilespmem:$0x1D400] =	vst v63  }
0xda: {  	_ =	swait.ge [sflag:s10], $0xA00  }
0xdb: {  	s9 =	rddreg [dreg:$0x4];
	[sflag:s10] =	ssyncset.done $0x0  }
0xdc: {  	[sflag:s10] =	ssyncadd.s32 $0xFFFFF600;
	s9 =	sadd.s32 s8, s9  }
0xdd: {  	[tilespmem:s12], [sflag:$0x5] =	stream.linear.gather [hbm4b:s9+s3], $0xA00, $0x38;
	[tilespmem:$0x1D400] =	vst v63  }
0xde: {  	_ =	swait.ge [sflag:s10], $0xA00  }
0xdf: {  	[sflag:s10] =	ssyncset.done $0x0  }
0xe0: {  	[sflag:s10] =	ssyncadd.s32 $0xFFFFF600  }
0xe1: {  	[tilespmem:s14], [sflag:$0x1] =	stream.indirect.gather [hbm4b:s4+s13], $0x80, s11, s13, $0xb8;
	[tilespmem:$0x1D400] =	vst v63  }
0xe2: {  	s9 =	rddreg [dreg:$0x5]  }
0xe3: {  	[tilespmem:s15], [sflag:$0x2] =	stream.indirect.gather [hbm4b:s4+s13], $0x80, s9, s13, $0xb8;
	[tilespmem:$0x1D400] =	vst v63  }
0xe4: {  	_ =	swait.ge [sflag:s16], $0x3E80  }
0xe5: {  	[sflag:s16] =	ssyncset.done $0x0  }
0xe6: {  	[sflag:s16] =	ssyncadd.s32 $0xFFFFC180  }
0xe7: {  	[spmem:s2] =	stream.indirect.scatter.add.f32 [tilespmem:s14], [sflag:$0x3], $0x80, s12, s13, $0xb8;
	[tilespmem:$0x1D400] =	vst v63  }
0xe8: {  	_ =	swait.ge [sflag:s17], $0x3E80  }
0xe9: {  	[sflag:s17] =	ssyncset.done $0x0  }
0xea: {  	s9 =	rddreg [dreg:$0x6];
	[sflag:s17] =	ssyncadd.s32 $0xFFFFC180  }
0xeb: {  	[spmem:s2] =	stream.indirect.scatter.add.f32 [tilespmem:s15], [sflag:$0x4], $0x80, s9, s13, $0xb8;
	[tilespmem:$0x1D400] =	vst v63  }
0xec: {  	_ =	swait.ge [sflag:s18], $0x3E80  }
0xed: {  	[sflag:s18] =	ssyncset.done $0x0  }
0xee: {  	s9 =	rddreg [dreg:$0x7];
	[sflag:s18] =	ssyncadd.s32 $0xFFFFC180  }
0xef: {  	[tilespmem:s14], [sflag:$0x1] =	stream.indirect.gather [hbm4b:s4+s13], $0x80, s9, s13, $0xb8;
	[tilespmem:$0x1D400] =	vst v63  }
0xf0: {  	_ =	swait.ge [sflag:s19], $0x3E80  }
0xf1: {  	[sflag:s19] =	ssyncset.done $0x0  }
0xf2: {  	s9 =	rddreg [dreg:$0x8];
	[sflag:s19] =	ssyncadd.s32 $0xFFFFC180  }
0xf3: {  	[tilespmem:s15], [sflag:$0x2] =	stream.indirect.gather [hbm4b:s4+s13], $0x80, s9, s13, $0xb8;
	[tilespmem:$0x1D400] =	vst v63  }
0xf4: {  	_ =	swait.ge [sflag:s16], $0x3E80  }
0xf5: {  	[sflag:s16] =	ssyncset.done $0x0  }
0xf6: {  	s9 =	rddreg [dreg:$0x9];
	[sflag:s16] =	ssyncadd.s32 $0xFFFFC180  }
0xf7: {  	[spmem:s2] =	stream.indirect.scatter.add.f32 [tilespmem:s14], [sflag:$0x3], $0x80, s9, s13, $0xb8;
	[tilespmem:$0x1D400] =	vst v63  }
0xf8: {  	_ =	swait.ge [sflag:s17], $0x3E80  }
0xf9: {  	[sflag:s17] =	ssyncset.done $0x0  }
0xfa: {  	s9 =	rddreg [dreg:$0xa];
	[sflag:s17] =	ssyncadd.s32 $0xFFFFC180  }
0xfb: {  	[spmem:s2] =	stream.indirect.scatter.add.f32 [tilespmem:s15], [sflag:$0x4], $0x80, s9, s13, $0xb8;
	[tilespmem:$0x1D400] =	vst v63  }
0xfc: {  	_ =	swait.ge [sflag:s18], $0x3E80  }
0xfd: {  	[sflag:s18] =	ssyncset.done $0x0  }
0xfe: {  	s9 =	rddreg [dreg:$0xb];
	[sflag:s18] =	ssyncadd.s32 $0xFFFFC180  }
0xff: {  	[tilespmem:s14], [sflag:$0x1] =	stream.indirect.gather [hbm4b:s4+s13], $0x80, s9, s13, $0xb8;
	[tilespmem:$0x1D400] =	vst v63  }
0x100: {  	_ =	swait.ge [sflag:s19], $0x3E80  }
0x101: {  	[sflag:s19] =	ssyncset.done $0x0  }
0x102: {  	s9 =	rddreg [dreg:$0xc];
	[sflag:s19] =	ssyncadd.s32 $0xFFFFC180  }
0x103: {  	[tilespmem:s15], [sflag:$0x2] =	stream.indirect.gather [hbm4b:s4+s13], $0x80, s9, s13, $0xb8;
	[tilespmem:$0x1D400] =	vst v63  }
0x104: {  	_ =	swait.ge [sflag:s16], $0x3E80  }
0x105: {  	[sflag:s16] =	ssyncset.done $0x0  }
0x106: {  	s9 =	rddreg [dreg:$0xd];
	[sflag:s16] =	ssyncadd.s32 $0xFFFFC180  }
0x107: {  	[spmem:s2] =	stream.indirect.scatter.add.f32 [tilespmem:s14], [sflag:$0x3], $0x80, s9, s13, $0xb8;
	[tilespmem:$0x1D400] =	vst v63  }
0x108: {  	_ =	swait.ge [sflag:s17], $0x3E80  }
0x109: {  	[sflag:s17] =	ssyncset.done $0x0  }
0x10a: {  	s9 =	rddreg [dreg:$0xe];
	[sflag:s17] =	ssyncadd.s32 $0xFFFFC180  }
0x10b: {  	[spmem:s2] =	stream.indirect.scatter.add.f32 [tilespmem:s15], [sflag:$0x4], $0x80, s9, s13, $0xb8;
	[tilespmem:$0x1D400] =	vst v63  }
0x10c: {  	_ =	swait.ge [sflag:s18], $0x3E80  }
0x10d: {  	[sflag:s18] =	ssyncset.done $0x0  }
0x10e: {  	s9 =	rddreg [dreg:$0xf];
	[sflag:s18] =	ssyncadd.s32 $0xFFFFC180  }
0x10f: {  	[tilespmem:s14], [sflag:$0x1] =	stream.indirect.gather [hbm4b:s4+s13], $0x80, s9, s13, $0xb8;
	[tilespmem:$0x1D400] =	vst v63  }
0x110: {  	_ =	swait.ge [sflag:s19], $0x3E80  }
0x111: {  	[sflag:s19] =	ssyncset.done $0x0  }
0x112: {  	s9 =	rddreg [dreg:$0x10];
	[sflag:s19] =	ssyncadd.s32 $0xFFFFC180  }
0x113: {  	[tilespmem:s15], [sflag:$0x2] =	stream.indirect.gather [hbm4b:s4+s13], $0x80, s9, s13, $0xb8;
	[tilespmem:$0x1D400] =	vst v63  }
0x114: {  	_ =	swait.ge [sflag:s16], $0x3E80  }
0x115: {  	[sflag:s16] =	ssyncset.done $0x0  }
0x116: {  	s9 =	rddreg [dreg:$0x11];
	[sflag:s16] =	ssyncadd.s32 $0xFFFFC180  }
0x117: {  	[spmem:s2] =	stream.indirect.scatter.add.f32 [tilespmem:s14], [sflag:$0x3], $0x80, s9, s13, $0xb8;
	[tilespmem:$0x1D400] =	vst v63  }
0x118: {  	_ =	swait.ge [sflag:s17], $0x3E80  }
0x119: {  	[sflag:s17] =	ssyncset.done $0x0  }
0x11a: {  	s9 =	rddreg [dreg:$0x12];
	[sflag:s17] =	ssyncadd.s32 $0xFFFFC180  }
0x11b: {  	[spmem:s2] =	stream.indirect.scatter.add.f32 [tilespmem:s15], [sflag:$0x4], $0x80, s9, s13, $0xb8;
	[tilespmem:$0x1D400] =	vst v63  }
0x11c: {  	_ =	swait.ge [sflag:s18], $0x3E80  }
0x11d: {  	[sflag:s18] =	ssyncset.done $0x0  }
0x11e: {  	s9 =	rddreg [dreg:$0x13];
	[sflag:s18] =	ssyncadd.s32 $0xFFFFC180  }
0x11f: {  	[tilespmem:s14], [sflag:$0x1] =	stream.indirect.gather [hbm4b:s4+s13], $0x80, s9, s13, $0xb8;
	[tilespmem:$0x1D400] =	vst v63  }
0x120: {  	_ =	swait.ge [sflag:s19], $0x3E80  }
0x121: {  	[sflag:s19] =	ssyncset.done $0x0  }
0x122: {  	s9 =	rddreg [dreg:$0x14];
	[sflag:s19] =	ssyncadd.s32 $0xFFFFC180  }
0x123: {  	[tilespmem:s15], [sflag:$0x2] =	stream.indirect.gather [hbm4b:s4+s13], $0x80, s9, s13, $0xb8;
	[tilespmem:$0x1D400] =	vst v63  }
0x124: {  	_ =	swait.ge [sflag:s16], $0x3E80  }
0x125: {  	[sflag:s16] =	ssyncset.done $0x0  }
0x126: {  	s9 =	rddreg [dreg:$0x15];
	[sflag:s16] =	ssyncadd.s32 $0xFFFFC180  }
0x127: {  	[spmem:s2] =	stream.indirect.scatter.add.f32 [tilespmem:s14], [sflag:$0x3], $0x80, s9, s13, $0xb8;
	[tilespmem:$0x1D400] =	vst v63  }
0x128: {  	_ =	swait.ge [sflag:s17], $0x3E80  }
0x129: {  	[sflag:s17] =	ssyncset.done $0x0  }
0x12a: {  	s9 =	rddreg [dreg:$0x16];
	[sflag:s17] =	ssyncadd.s32 $0xFFFFC180  }
0x12b: {  	[spmem:s2] =	stream.indirect.scatter.add.f32 [tilespmem:s15], [sflag:$0x4], $0x80, s9, s13, $0xb8;
	[tilespmem:$0x1D400] =	vst v63  }
0x12c: {  	_ =	swait.ge [sflag:s18], $0x3E80  }
0x12d: {  	[sflag:s18] =	ssyncset.done $0x0  }
0x12e: {  	s9 =	rddreg [dreg:$0x17];
	[sflag:s18] =	ssyncadd.s32 $0xFFFFC180  }
0x12f: {  	[tilespmem:s14], [sflag:$0x1] =	stream.indirect.gather [hbm4b:s4+s13], $0x80, s9, s13, $0xb8;
	[tilespmem:$0x1D400] =	vst v63  }
0x130: {  	_ =	swait.ge [sflag:s19], $0x3E80  }
0x131: {  	[sflag:s19] =	ssyncset.done $0x0  }
0x132: {  	s9 =	rddreg [dreg:$0x18];
	[sflag:s19] =	ssyncadd.s32 $0xFFFFC180  }
0x133: {  	[tilespmem:s15], [sflag:$0x2] =	stream.indirect.gather [hbm4b:s4+s13], $0x80, s9, s13, $0xb8;
	[tilespmem:$0x1D400] =	vst v63  }
0x134: {  	_ =	swait.ge [sflag:s16], $0x3E80  }
0x135: {  	[sflag:s16] =	ssyncset.done $0x0  }
0x136: {  	s9 =	rddreg [dreg:$0x19];
	[sflag:s16] =	ssyncadd.s32 $0xFFFFC180  }
0x137: {  	[spmem:s2] =	stream.indirect.scatter.add.f32 [tilespmem:s14], [sflag:$0x3], $0x80, s9, s13, $0xb8;
	[tilespmem:$0x1D400] =	vst v63  }
0x138: {  	_ =	swait.ge [sflag:s17], $0x3E80  }
0x139: {  	[sflag:s17] =	ssyncset.done $0x0  }
0x13a: {  	s9 =	rddreg [dreg:$0x1a];
	[sflag:s17] =	ssyncadd.s32 $0xFFFFC180  }
0x13b: {  	[spmem:s2] =	stream.indirect.scatter.add.f32 [tilespmem:s15], [sflag:$0x4], $0x80, s9, s13, $0xb8;
	[tilespmem:$0x1D400] =	vst v63  }
0x13c: {  	_ =	swait.ge [sflag:s18], $0x3E80  }
0x13d: {  	[sflag:s18] =	ssyncset.done $0x0  }
0x13e: {  	s9 =	rddreg [dreg:$0x1b];
	[sflag:s18] =	ssyncadd.s32 $0xFFFFC180  }
0x13f: {  	[tilespmem:s14], [sflag:$0x1] =	stream.indirect.gather [hbm4b:s4+s13], $0x80, s9, s13, $0xb8;
	[tilespmem:$0x1D400] =	vst v63  }
0x140: {  	_ =	swait.ge [sflag:s19], $0x3E80  }
0x141: {  	[sflag:s19] =	ssyncset.done $0x0  }
0x142: {  	s9 =	rddreg [dreg:$0x1c];
	[sflag:s19] =	ssyncadd.s32 $0xFFFFC180  }
0x143: {  	[tilespmem:s15], [sflag:$0x2] =	stream.indirect.gather [hbm4b:s4+s13], $0x80, s9, s13, $0xb8;
	[tilespmem:$0x1D400] =	vst v63  }
0x144: {  	_ =	swait.ge [sflag:s16], $0x3E80  }
0x145: {  	[sflag:s16] =	ssyncset.done $0x0  }
0x146: {  	[sflag:s16] =	ssyncadd.s32 $0xFFFFC180  }
0x147: {  	[spmem:s2] =	stream.indirect.scatter.add.f32 [tilespmem:s14], [sflag:$0x3], $0x80, s20, s13, $0xb8;
	[tilespmem:$0x1D400] =	vst v63  }
0x148: {  	_ =	swait.ge [sflag:s17], $0x3E80  }
0x149: {  	[sflag:s17] =	ssyncset.done $0x0  }
0x14a: {  	[sflag:s17] =	ssyncadd.s32 $0xFFFFC180  }
0x14b: {  	[spmem:s2] =	stream.indirect.scatter.add.f32 [tilespmem:s15], [sflag:$0x4], $0x80, s21, s13, $0xb8;
	[tilespmem:$0x1D400] =	vst v63  }
0x14c: {  	_ =	swait.ge [sflag:s18], $0x3E80  }
0x14d: {  	[sflag:s18] =	ssyncset.done $0x0  }
0x14e: {  	[sflag:s18] =	ssyncadd.s32 $0xFFFFC180  }
0x14f: {  	[tilespmem:s14], [sflag:$0x1] =	stream.indirect.gather [hbm4b:s4+s13], $0x80, s22, s13, $0xb8;
	[tilespmem:$0x1D400] =	vst v63  }
0x150: {  	_ =	swait.ge [sflag:s19], $0x3E80  }
0x151: {  	[sflag:s19] =	ssyncset.done $0x0  }
0x152: {  	[sflag:s19] =	ssyncadd.s32 $0xFFFFC180  }
0x153: {  	[tilespmem:s15], [sflag:$0x2] =	stream.indirect.gather [hbm4b:s4+s13], $0x80, s23, s13, $0xb8;
	[tilespmem:$0x1D400] =	vst v63  }
0x154: {  	_ =	swait.ge [sflag:s16], $0x3E80  }
0x155: {  	[sflag:s16] =	ssyncset.done $0x0  }
0x156: {  	[sflag:s16] =	ssyncadd.s32 $0xFFFFC180  }
0x157: {  	[spmem:s2] =	stream.indirect.scatter.add.f32 [tilespmem:s14], [sflag:$0x3], $0x80, s24, s13, $0xb8;
	[tilespmem:$0x1D400] =	vst v63  }
0x158: {  	_ =	swait.ge [sflag:s17], $0x3E80  }
0x159: {  	[sflag:s17] =	ssyncset.done $0x0  }
0x15a: {  	[sflag:s17] =	ssyncadd.s32 $0xFFFFC180  }
0x15b: {  	[spmem:s2] =	stream.indirect.scatter.add.f32 [tilespmem:s15], [sflag:$0x4], $0x80, s25, s13, $0xb8;
	[tilespmem:$0x1D400] =	vst v63  }
0x15c: {  	_ =	swait.ge [sflag:s18], $0x3E80  }
0x15d: {  	[sflag:s18] =	ssyncset.done $0x0  }
0x15e: {  	[sflag:s18] =	ssyncadd.s32 $0xFFFFC180  }
0x15f: {  	[tilespmem:s14], [sflag:$0x1] =	stream.indirect.gather [hbm4b:s4+s13], $0x80, s26, s13, $0xb8;
	[tilespmem:$0x1D400] =	vst v63  }
0x160: {  	_ =	swait.ge [sflag:s19], $0x3E80  }
0x161: {  	[sflag:s19] =	ssyncset.done $0x0  }
0x162: {  	[sflag:s19] =	ssyncadd.s32 $0xFFFFC180  }
0x163: {  	[tilespmem:s15], [sflag:$0x2] =	stream.indirect.gather [hbm4b:s4+s13], $0x80, s28, s13, $0xb8;
	[tilespmem:$0x1D400] =	vst v63  }
0x164: {  	_ =	swait.ge [sflag:s16], $0x3E80  }
0x165: {  	[sflag:s16] =	ssyncset.done $0x0  }
0x166: {  	[sflag:s16] =	ssyncadd.s32 $0xFFFFC180  }
0x167: {  	[spmem:s2] =	stream.indirect.scatter.add.f32 [tilespmem:s14], [sflag:$0x3], $0x80, s29, s13, $0xb8;
	[tilespmem:$0x1D400] =	vst v63  }
0x168: {  	_ =	swait.ge [sflag:s17], $0x3E80  }
0x169: {  	[sflag:s17] =	ssyncset.done $0x0  }
0x16a: {  	[sflag:s17] =	ssyncadd.s32 $0xFFFFC180  }
0x16b: {  	[spmem:s2] =	stream.indirect.scatter.add.f32 [tilespmem:s15], [sflag:$0x4], $0x80, s30, s13, $0xb8;
	[tilespmem:$0x1D400] =	vst v63  }
0x16c: {  	_ =	swait.ge [sflag:s18], $0x3E80  }
0x16d: {  	[sflag:s18] =	ssyncset.done $0x0  }
0x16e: {  	[sflag:s18] =	ssyncadd.s32 $0xFFFFC180  }
0x16f: {  	[tilespmem:s14], [sflag:$0x1] =	stream.indirect.gather [hbm4b:s4+s13], $0x80, s31, s13, $0xb8;
	[tilespmem:$0x1D400] =	vst v63  }
0x170: {  	_ =	swait.ge [sflag:s19], $0x3E80  }
0x171: {  	[sflag:s19] =	ssyncset.done $0x0  }
0x172: {  	[sflag:s19] =	ssyncadd.s32 $0xFFFFC180  }
0x173: {  	[tilespmem:s15], [sflag:$0x2] =	stream.indirect.gather [hbm4b:s4+s13], $0x80, s1, s13, $0xb8;
	[tilespmem:$0x1D400] =	vst v63  }
0x174: {  	_ =	swait.ge [sflag:s16], $0x3E80  }
0x175: {  	[sflag:s16] =	ssyncset.done $0x0  }
0x176: {  	[sflag:s16] =	ssyncadd.s32 $0xFFFFC180  }
0x177: {  	[spmem:s2] =	stream.indirect.scatter.add.f32 [tilespmem:s14], [sflag:$0x3], $0x80, s0, s13, $0xb8;
	[tilespmem:$0x1D400] =	vst v63  }
0x178: {  	_ =	swait.ge [sflag:s17], $0x3E80  }
0x179: {  	[sflag:s17] =	ssyncset.done $0x0  }
0x17a: {  	p0 =	sne.s32 s6, $0x3C0;
	[sflag:s17] =	ssyncadd.s32 $0xFFFFC180  }
0x17b: {  	[spmem:s2] =	stream.indirect.scatter.add.f32 [tilespmem:s15], [sflag:$0x4], $0x80, s5, s13, $0xb8;
	[tilespmem:$0x1D400] =	vst v63  }
.Ltmp0:
0x17c: {  	_ =	swait.ge [sflag:s18], $0x3E80;
	(pc) =	sbr.rel @p0 .LBB2_2-.Ltmp0, $4  }
0x17d: {  	[sflag:s18] =	ssyncset.done $0x0  }
0x17e: {  	[sflag:s18] =	ssyncadd.s32 $0xFFFFC180  }
0x17f: {  	s7 =	smov.u32 s6;
	s6 =	sadd.s32 $0x140, s6;
	_ =	swait.ge [sflag:s19], $0x3E80  }
0x180: {  	s8 =	smov.u32 s7;
	s9 =	rddreg [dreg:$0x3];
	[sflag:s19] =	ssyncset.done $0x0  }
0x181: {  	[sflag:s19] =	ssyncadd.s32 $0xFFFFC180;
	s6 =	sadd.s32 s8, s9  }
0x182: {  	[tilespmem:s11], [sflag:$0x5] =	stream.linear.gather [hbm4b:s6+s3], $0xA00, $0x38;
	[tilespmem:$0x1D400] =	vst v63  }
0x183: {  	_ =	swait.ge [sflag:s10], $0xA00  }
0x184: {  	s7 =	rddreg [dreg:$0x4];
	[sflag:s10] =	ssyncset.done $0x0  }
0x185: {  	s6 =	sadd.s32 s8, s7;
	[sflag:s10] =	ssyncadd.s32 $0xFFFFF600  }
0x186: {  	[tilespmem:s12], [sflag:$0x5] =	stream.linear.gather [hbm4b:s6+s3], $0xA00, $0x38;
	[tilespmem:$0x1D400] =	vst v63  }
0x187: {  	_ =	swait.ge [sflag:s10], $0xA00  }
0x188: {  	[sflag:s10] =	ssyncset.done $0x0  }
0x189: {  	[sflag:s10] =	ssyncadd.s32 $0xFFFFF600  }
0x18a: {  	[tilespmem:s14], [sflag:$0x1] =	stream.indirect.gather [hbm4b:s4+s13], $0x80, s11, s13, $0xb8;
	[tilespmem:$0x1D400] =	vst v63  }
0x18b: {  	s9 =	rddreg [dreg:$0x5]  }
0x18c: {  	[tilespmem:s15], [sflag:$0x2] =	stream.indirect.gather [hbm4b:s4+s13], $0x80, s9, s13, $0xb8;
	[tilespmem:$0x1D400] =	vst v63  }
0x18d: {  	_ =	swait.ge [sflag:s16], $0x3E80  }
0x18e: {  	[sflag:s16] =	ssyncset.done $0x0  }
0x18f: {  	[sflag:s16] =	ssyncadd.s32 $0xFFFFC180  }
0x190: {  	[spmem:s2] =	stream.indirect.scatter.add.f32 [tilespmem:s14], [sflag:$0x3], $0x80, s12, s13, $0xb8;
	[tilespmem:$0x1D400] =	vst v63  }
0x191: {  	_ =	swait.ge [sflag:s17], $0x3E80  }
0x192: {  	[sflag:s17] =	ssyncset.done $0x0  }
0x193: {  	s7 =	rddreg [dreg:$0x6];
	[sflag:s17] =	ssyncadd.s32 $0xFFFFC180  }
0x194: {  	[spmem:s2] =	stream.indirect.scatter.add.f32 [tilespmem:s15], [sflag:$0x4], $0x80, s7, s13, $0xb8;
	[tilespmem:$0x1D400] =	vst v63  }
0x195: {  	_ =	swait.ge [sflag:s18], $0x3E80  }
0x196: {  	[sflag:s18] =	ssyncset.done $0x0  }
0x197: {  	s8 =	rddreg [dreg:$0x7];
	[sflag:s18] =	ssyncadd.s32 $0xFFFFC180  }
0x198: {  	[tilespmem:s14], [sflag:$0x1] =	stream.indirect.gather [hbm4b:s4+s13], $0x80, s8, s13, $0xb8;
	[tilespmem:$0x1D400] =	vst v63  }
0x199: {  	_ =	swait.ge [sflag:s19], $0x3E80  }
0x19a: {  	[sflag:s19] =	ssyncset.done $0x0  }
0x19b: {  	s9 =	rddreg [dreg:$0x8];
	[sflag:s19] =	ssyncadd.s32 $0xFFFFC180  }
0x19c: {  	[tilespmem:s15], [sflag:$0x2] =	stream.indirect.gather [hbm4b:s4+s13], $0x80, s9, s13, $0xb8;
	[tilespmem:$0x1D400] =	vst v63  }
0x19d: {  	_ =	swait.ge [sflag:s16], $0x3E80  }
0x19e: {  	[sflag:s16] =	ssyncset.done $0x0  }
0x19f: {  	s7 =	rddreg [dreg:$0x9];
	[sflag:s16] =	ssyncadd.s32 $0xFFFFC180  }
0x1a0: {  	[spmem:s2] =	stream.indirect.scatter.add.f32 [tilespmem:s14], [sflag:$0x3], $0x80, s7, s13, $0xb8;
	[tilespmem:$0x1D400] =	vst v63  }
0x1a1: {  	_ =	swait.ge [sflag:s17], $0x3E80  }
0x1a2: {  	[sflag:s17] =	ssyncset.done $0x0  }
0x1a3: {  	s8 =	rddreg [dreg:$0xa];
	[sflag:s17] =	ssyncadd.s32 $0xFFFFC180  }
0x1a4: {  	[spmem:s2] =	stream.indirect.scatter.add.f32 [tilespmem:s15], [sflag:$0x4], $0x80, s8, s13, $0xb8;
	[tilespmem:$0x1D400] =	vst v63  }
0x1a5: {  	_ =	swait.ge [sflag:s18], $0x3E80  }
0x1a6: {  	[sflag:s18] =	ssyncset.done $0x0  }
0x1a7: {  	s9 =	rddreg [dreg:$0xb];
	[sflag:s18] =	ssyncadd.s32 $0xFFFFC180  }
0x1a8: {  	[tilespmem:s14], [sflag:$0x1] =	stream.indirect.gather [hbm4b:s4+s13], $0x80, s9, s13, $0xb8;
	[tilespmem:$0x1D400] =	vst v63  }
0x1a9: {  	_ =	swait.ge [sflag:s19], $0x3E80  }
0x1aa: {  	[sflag:s19] =	ssyncset.done $0x0  }
0x1ab: {  	s7 =	rddreg [dreg:$0xc];
	[sflag:s19] =	ssyncadd.s32 $0xFFFFC180  }
0x1ac: {  	[tilespmem:s15], [sflag:$0x2] =	stream.indirect.gather [hbm4b:s4+s13], $0x80, s7, s13, $0xb8;
	[tilespmem:$0x1D400] =	vst v63  }
0x1ad: {  	_ =	swait.ge [sflag:s16], $0x3E80  }
0x1ae: {  	[sflag:s16] =	ssyncset.done $0x0  }
0x1af: {  	s8 =	rddreg [dreg:$0xd];
	[sflag:s16] =	ssyncadd.s32 $0xFFFFC180  }
0x1b0: {  	[spmem:s2] =	stream.indirect.scatter.add.f32 [tilespmem:s14], [sflag:$0x3], $0x80, s8, s13, $0xb8;
	[tilespmem:$0x1D400] =	vst v63  }
0x1b1: {  	_ =	swait.ge [sflag:s17], $0x3E80  }
0x1b2: {  	[sflag:s17] =	ssyncset.done $0x0  }
0x1b3: {  	s9 =	rddreg [dreg:$0xe];
	[sflag:s17] =	ssyncadd.s32 $0xFFFFC180  }
0x1b4: {  	[spmem:s2] =	stream.indirect.scatter.add.f32 [tilespmem:s15], [sflag:$0x4], $0x80, s9, s13, $0xb8;
	[tilespmem:$0x1D400] =	vst v63  }
0x1b5: {  	_ =	swait.ge [sflag:s18], $0x3E80  }
0x1b6: {  	[sflag:s18] =	ssyncset.done $0x0  }
0x1b7: {  	s7 =	rddreg [dreg:$0xf];
	[sflag:s18] =	ssyncadd.s32 $0xFFFFC180  }
0x1b8: {  	[tilespmem:s14], [sflag:$0x1] =	stream.indirect.gather [hbm4b:s4+s13], $0x80, s7, s13, $0xb8;
	[tilespmem:$0x1D400] =	vst v63  }
0x1b9: {  	_ =	swait.ge [sflag:s19], $0x3E80  }
0x1ba: {  	[sflag:s19] =	ssyncset.done $0x0  }
0x1bb: {  	s8 =	rddreg [dreg:$0x10];
	[sflag:s19] =	ssyncadd.s32 $0xFFFFC180  }
0x1bc: {  	[tilespmem:s15], [sflag:$0x2] =	stream.indirect.gather [hbm4b:s4+s13], $0x80, s8, s13, $0xb8;
	[tilespmem:$0x1D400] =	vst v63  }
0x1bd: {  	_ =	swait.ge [sflag:s16], $0x3E80  }
0x1be: {  	[sflag:s16] =	ssyncset.done $0x0  }
0x1bf: {  	s9 =	rddreg [dreg:$0x11];
	[sflag:s16] =	ssyncadd.s32 $0xFFFFC180  }
0x1c0: {  	[spmem:s2] =	stream.indirect.scatter.add.f32 [tilespmem:s14], [sflag:$0x3], $0x80, s9, s13, $0xb8;
	[tilespmem:$0x1D400] =	vst v63  }
0x1c1: {  	_ =	swait.ge [sflag:s17], $0x3E80  }
0x1c2: {  	[sflag:s17] =	ssyncset.done $0x0  }
0x1c3: {  	s7 =	rddreg [dreg:$0x12];
	[sflag:s17] =	ssyncadd.s32 $0xFFFFC180  }
0x1c4: {  	[spmem:s2] =	stream.indirect.scatter.add.f32 [tilespmem:s15], [sflag:$0x4], $0x80, s7, s13, $0xb8;
	[tilespmem:$0x1D400] =	vst v63  }
0x1c5: {  	_ =	swait.ge [sflag:s18], $0x3E80  }
0x1c6: {  	[sflag:s18] =	ssyncset.done $0x0  }
0x1c7: {  	s8 =	rddreg [dreg:$0x13];
	[sflag:s18] =	ssyncadd.s32 $0xFFFFC180  }
0x1c8: {  	[tilespmem:s14], [sflag:$0x1] =	stream.indirect.gather [hbm4b:s4+s13], $0x80, s8, s13, $0xb8;
	[tilespmem:$0x1D400] =	vst v63  }
0x1c9: {  	_ =	swait.ge [sflag:s19], $0x3E80  }
0x1ca: {  	[sflag:s19] =	ssyncset.done $0x0  }
0x1cb: {  	s9 =	rddreg [dreg:$0x14];
	[sflag:s19] =	ssyncadd.s32 $0xFFFFC180  }
0x1cc: {  	[tilespmem:s15], [sflag:$0x2] =	stream.indirect.gather [hbm4b:s4+s13], $0x80, s9, s13, $0xb8;
	[tilespmem:$0x1D400] =	vst v63  }
0x1cd: {  	_ =	swait.ge [sflag:s16], $0x3E80  }
0x1ce: {  	[sflag:s16] =	ssyncset.done $0x0  }
0x1cf: {  	s7 =	rddreg [dreg:$0x15];
	[sflag:s16] =	ssyncadd.s32 $0xFFFFC180  }
0x1d0: {  	[spmem:s2] =	stream.indirect.scatter.add.f32 [tilespmem:s14], [sflag:$0x3], $0x80, s7, s13, $0xb8;
	[tilespmem:$0x1D400] =	vst v63  }
0x1d1: {  	_ =	swait.ge [sflag:s17], $0x3E80  }
0x1d2: {  	[sflag:s17] =	ssyncset.done $0x0  }
0x1d3: {  	s8 =	rddreg [dreg:$0x16];
	[sflag:s17] =	ssyncadd.s32 $0xFFFFC180  }
0x1d4: {  	[spmem:s2] =	stream.indirect.scatter.add.f32 [tilespmem:s15], [sflag:$0x4], $0x80, s8, s13, $0xb8;
	[tilespmem:$0x1D400] =	vst v63  }
0x1d5: {  	_ =	swait.ge [sflag:s18], $0x3E80  }
0x1d6: {  	[sflag:s18] =	ssyncset.done $0x0  }
0x1d7: {  	s9 =	rddreg [dreg:$0x17];
	[sflag:s18] =	ssyncadd.s32 $0xFFFFC180  }
0x1d8: {  	[tilespmem:s14], [sflag:$0x1] =	stream.indirect.gather [hbm4b:s4+s13], $0x80, s9, s13, $0xb8;
	[tilespmem:$0x1D400] =	vst v63  }
0x1d9: {  	_ =	swait.ge [sflag:s19], $0x3E80  }
0x1da: {  	[sflag:s19] =	ssyncset.done $0x0  }
0x1db: {  	s7 =	rddreg [dreg:$0x18];
	[sflag:s19] =	ssyncadd.s32 $0xFFFFC180  }
0x1dc: {  	[tilespmem:s15], [sflag:$0x2] =	stream.indirect.gather [hbm4b:s4+s13], $0x80, s7, s13, $0xb8;
	[tilespmem:$0x1D400] =	vst v63  }
0x1dd: {  	_ =	swait.ge [sflag:s16], $0x3E80  }
0x1de: {  	[sflag:s16] =	ssyncset.done $0x0  }
0x1df: {  	s8 =	rddreg [dreg:$0x19];
	[sflag:s16] =	ssyncadd.s32 $0xFFFFC180  }
0x1e0: {  	[spmem:s2] =	stream.indirect.scatter.add.f32 [tilespmem:s14], [sflag:$0x3], $0x80, s8, s13, $0xb8;
	[tilespmem:$0x1D400] =	vst v63  }
0x1e1: {  	_ =	swait.ge [sflag:s17], $0x3E80  }
0x1e2: {  	[sflag:s17] =	ssyncset.done $0x0  }
0x1e3: {  	s9 =	rddreg [dreg:$0x1a];
	[sflag:s17] =	ssyncadd.s32 $0xFFFFC180  }
0x1e4: {  	[spmem:s2] =	stream.indirect.scatter.add.f32 [tilespmem:s15], [sflag:$0x4], $0x80, s9, s13, $0xb8;
	[tilespmem:$0x1D400] =	vst v63  }
0x1e5: {  	_ =	swait.ge [sflag:s18], $0x3E80  }
0x1e6: {  	[sflag:s18] =	ssyncset.done $0x0  }
0x1e7: {  	s7 =	rddreg [dreg:$0x1b];
	[sflag:s18] =	ssyncadd.s32 $0xFFFFC180  }
0x1e8: {  	[tilespmem:s14], [sflag:$0x1] =	stream.indirect.gather [hbm4b:s4+s13], $0x80, s7, s13, $0xb8;
	[tilespmem:$0x1D400] =	vst v63  }
0x1e9: {  	_ =	swait.ge [sflag:s19], $0x3E80  }
0x1ea: {  	[sflag:s19] =	ssyncset.done $0x0  }
0x1eb: {  	s8 =	rddreg [dreg:$0x1c];
	[sflag:s19] =	ssyncadd.s32 $0xFFFFC180  }
0x1ec: {  	[tilespmem:s15], [sflag:$0x2] =	stream.indirect.gather [hbm4b:s4+s13], $0x80, s8, s13, $0xb8;
	[tilespmem:$0x1D400] =	vst v63  }
0x1ed: {  	_ =	swait.ge [sflag:s16], $0x3E80  }
0x1ee: {  	[sflag:s16] =	ssyncset.done $0x0  }
0x1ef: {  	[sflag:s16] =	ssyncadd.s32 $0xFFFFC180  }
0x1f0: {  	[spmem:s2] =	stream.indirect.scatter.add.f32 [tilespmem:s14], [sflag:$0x3], $0x80, s20, s13, $0xb8;
	[tilespmem:$0x1D400] =	vst v63  }
0x1f1: {  	_ =	swait.ge [sflag:s17], $0x3E80  }
0x1f2: {  	[sflag:s17] =	ssyncset.done $0x0  }
0x1f3: {  	[sflag:s17] =	ssyncadd.s32 $0xFFFFC180  }
0x1f4: {  	[spmem:s2] =	stream.indirect.scatter.add.f32 [tilespmem:s15], [sflag:$0x4], $0x80, s21, s13, $0xb8;
	[tilespmem:$0x1D400] =	vst v63  }
0x1f5: {  	_ =	swait.ge [sflag:s18], $0x3E80  }
0x1f6: {  	[sflag:s18] =	ssyncset.done $0x0  }
0x1f7: {  	[sflag:s18] =	ssyncadd.s32 $0xFFFFC180  }
0x1f8: {  	[tilespmem:s14], [sflag:$0x1] =	stream.indirect.gather [hbm4b:s4+s13], $0x80, s22, s13, $0xb8;
	[tilespmem:$0x1D400] =	vst v63  }
0x1f9: {  	_ =	swait.ge [sflag:s19], $0x3E80  }
0x1fa: {  	[sflag:s19] =	ssyncset.done $0x0  }
0x1fb: {  	[sflag:s19] =	ssyncadd.s32 $0xFFFFC180  }
0x1fc: {  	[tilespmem:s15], [sflag:$0x2] =	stream.indirect.gather [hbm4b:s4+s13], $0x80, s23, s13, $0xb8;
	[tilespmem:$0x1D400] =	vst v63  }
0x1fd: {  	_ =	swait.ge [sflag:s16], $0x3E80  }
0x1fe: {  	[sflag:s16] =	ssyncset.done $0x0  }
0x1ff: {  	[sflag:s16] =	ssyncadd.s32 $0xFFFFC180  }
0x200: {  	[spmem:s2] =	stream.indirect.scatter.add.f32 [tilespmem:s14], [sflag:$0x3], $0x80, s24, s13, $0xb8;
	[tilespmem:$0x1D400] =	vst v63  }
0x201: {  	_ =	swait.ge [sflag:s17], $0x3E80  }
0x202: {  	[sflag:s17] =	ssyncset.done $0x0  }
0x203: {  	[sflag:s17] =	ssyncadd.s32 $0xFFFFC180  }
0x204: {  	[spmem:s2] =	stream.indirect.scatter.add.f32 [tilespmem:s15], [sflag:$0x4], $0x80, s25, s13, $0xb8;
	[tilespmem:$0x1D400] =	vst v63  }
0x205: {  	_ =	swait.ge [sflag:s18], $0x3E80  }
0x206: {  	[sflag:s18] =	ssyncset.done $0x0  }
0x207: {  	[sflag:s18] =	ssyncadd.s32 $0xFFFFC180  }
0x208: {  	[tilespmem:s14], [sflag:$0x1] =	stream.indirect.gather [hbm4b:s4+s13], $0x80, s26, s13, $0xb8;
	[tilespmem:$0x1D400] =	vst v63  }
0x209: {  	_ =	swait.ge [sflag:s19], $0x3E80  }
0x20a: {  	[sflag:s19] =	ssyncset.done $0x0  }
0x20b: {  	[sflag:s19] =	ssyncadd.s32 $0xFFFFC180  }
0x20c: {  	[tilespmem:s15], [sflag:$0x2] =	stream.indirect.gather [hbm4b:s4+s13], $0x80, s28, s13, $0xb8;
	[tilespmem:$0x1D400] =	vst v63  }
0x20d: {  	_ =	swait.ge [sflag:s16], $0x3E80  }
0x20e: {  	[sflag:s16] =	ssyncset.done $0x0  }
0x20f: {  	[sflag:s16] =	ssyncadd.s32 $0xFFFFC180  }
0x210: {  	[spmem:s2] =	stream.indirect.scatter.add.f32 [tilespmem:s14], [sflag:$0x3], $0x80, s29, s13, $0xb8;
	[tilespmem:$0x1D400] =	vst v63  }
0x211: {  	_ =	swait.ge [sflag:s17], $0x3E80  }
0x212: {  	[sflag:s17] =	ssyncset.done $0x0  }
0x213: {  	[sflag:s17] =	ssyncadd.s32 $0xFFFFC180  }
0x214: {  	[spmem:s2] =	stream.indirect.scatter.add.f32 [tilespmem:s15], [sflag:$0x4], $0x80, s30, s13, $0xb8;
	[tilespmem:$0x1D400] =	vst v63  }
0x215: {  	_ =	swait.ge [sflag:s18], $0x3E80  }
0x216: {  	[sflag:s18] =	ssyncset.done $0x0  }
0x217: {  	[sflag:s18] =	ssyncadd.s32 $0xFFFFC180  }
0x218: {  	[tilespmem:s14], [sflag:$0x1] =	stream.indirect.gather [hbm4b:s4+s13], $0x80, s31, s13, $0xb8;
	[tilespmem:$0x1D400] =	vst v63  }
0x219: {  	_ =	swait.ge [sflag:s19], $0x3E80  }
0x21a: {  	[sflag:s19] =	ssyncset.done $0x0  }
0x21b: {  	[sflag:s19] =	ssyncadd.s32 $0xFFFFC180  }
0x21c: {  	[tilespmem:s15], [sflag:$0x2] =	stream.indirect.gather [hbm4b:s4+s13], $0x80, s1, s13, $0xb8;
	[tilespmem:$0x1D400] =	vst v63  }
0x21d: {  	_ =	swait.ge [sflag:s16], $0x3E80  }
0x21e: {  	[sflag:s16] =	ssyncset.done $0x0  }
0x21f: {  	[sflag:s16] =	ssyncadd.s32 $0xFFFFC180  }
0x220: {  	[spmem:s2] =	stream.indirect.scatter.add.f32 [tilespmem:s14], [sflag:$0x3], $0x80, s0, s13, $0xb8;
	[tilespmem:$0x1D400] =	vst v63  }
0x221: {  	_ =	swait.ge [sflag:s17], $0x3E80  }
0x222: {  	[sflag:s17] =	ssyncset.done $0x0  }
0x223: {  	[sflag:s17] =	ssyncadd.s32 $0xFFFFC180  }
0x224: {  	[spmem:s2] =	stream.indirect.scatter.add.f32 [tilespmem:s15], [sflag:$0x4], $0x80, s5, s13, $0xb8;
	[tilespmem:$0x1D400] =	vst v63  }
0x225: {  	_ =	swait.ge [sflag:s18], $0x3E80  }
0x226: {  	[sflag:s18] =	ssyncset.done $0x0  }
0x227: {  	[sflag:s18] =	ssyncadd.s32 $0xFFFFC180  }
0x228: {  	_ =	swait.ge [sflag:s19], $0x3E80  }
0x229: {  	[sflag:s19] =	ssyncset.done $0x0  }
0x22a: {  	[sflag:s19] =	ssyncadd.s32 $0xFFFFC180  }
0x22b: {  	[bflag:$0x0] =	sbarrier.arrive $0xFFFF  }
0x22c: {  	s8 =	sld [smem:$0x7FD]  }
0x22d: {  	s7 =	rddreg [dreg:$0x1e]  }
0x22e: {  	s9 =	rddreg [dreg:$0x1f]  }
0x22f: {  	[hbm:s9], [sflag:s7] =	dma.local [spmem:s8], $0x2800  }
0x230: {  	_ =	swait.ge [sflag:s10], $0x2800  }
0x231: {  	s6 =	sld [smem:$0x7FB];
	_ =	sdelay $0x2  }
0x232: {  	s9 =	sadd.s32 $0x1, s6;
	s6 =	sld [smem:$0x7FC];
	_ =	sdelay $0x2  }
0x233: {  	p0 =	sne.s32 s9, s6  }
.Ltmp1:
0x234: {  	_ = 	snop;
	(pc) =	sbr.rel @p0 .LBB2_1-.Ltmp1, $3  }
0x235: {  	_ =	sdelay $0x1  }
0x236: {  	[sflag:s10] =	ssyncset.done $0x0  }
0x237: {  	[sflag:s10] =	ssyncadd.s32 $0xFFFFD800  }
0x238: {  	_ =	sfence.sel $0x180000  }
0x239: {  	[bflag:$0x0] =	sbarrier.arrive $0xFFFF  }
0x23a: {  	_ =	strace $0x9000004A  }
0x23b: {  	s0 =	stileid.u32;
	[bflag:$0x2] =	sbarrier.arrive $0xFFFF  }
0x23c: {  	p0 =	sne.s32 s0, $0x0;
	s0 =	rddreg [dreg:$0x2]  }
0x23d: {  	s0 =	sadd.s32 @!p0 $0x100000, s0  }
0x23e: {  	[sflag:s0] =	ssyncadd.tile.s32 @!p0 $0x1;
	_ =	shalt  }
.Lfunc_end2:
_tile_overlayer_lowered:
.L_overlay_start_2:
0x23f: {  	(tag) =	ssettag $0x2  }
0x240: {  	s0 =	rddreg [dreg:$0x0];
	s2 =	stileid.u32  }
0x241: {  	s1 =	rddreg [dreg:$0x1];
	p0 =	sne.s32 s2, $0x0  }
0x242: {  	s3 =	rddreg [dreg:$0x2];
	[bflag:$0x3] =	sbarrier.arrive $0xFFFF;
	s2 =	simm.s32 @!p0 $0x1C05  }
0x243: {  	[timem:s3], [sflag:s2] =	dma.local @!p0 [hbm:s0], s1  }
0x244: {  	s0 =	simm.s32 @!p0 $0x5  }
0x245: {  	_ =	swait.ge @!p0 [sflag:s0], s1  }
0x246: {  	s1 =	ssub.s32 @!p0 $0x0, s1;
	[sflag:s0] =	ssyncset.done @!p0 $0x0  }
0x247: {  	[sflag:s0] =	ssyncadd.s32 @!p0 s1  }
0x248: {  	[bflag:$0x3] =	sbarrier.arrive $0xFFFF  }
0x249: {  	_ =	shalt  }

// kernel: kernel.7.cloned.1.call-start
scs
__scs_entry_jumppad:
0x0: {  	(pc) =	sbr.rel $0x88, $3  }
0x1: {  	(tag) =	ssettag $0x0;
	lr =	simm.s32 $0x1  }
0x2: {  	[smem:$0x3F95] =	sst lr;
	_ =	strace $0xD0000000  }
0x3: {  	_ = 	snop  }
0x4: {  	_ = 	snop  }
0x5: {  	_ = 	snop  }
0x6: {  	_ = 	snop  }
0x7: {  	_ = 	snop  }
__scs_overlays_trampoline_lowered:
0x8: {  	[smem:$0x3FA4] =	sst s0  }
0x9: {  	[smem:$0x3FA5] =	sst s1  }
0xa: {  	[smem:$0x3FA6] =	sst s2  }
0xb: {  	[smem:$0x3FA7] =	sst s3  }
0xc: {  	[smem:$0x3FA8] =	sst s4  }
0xd: {  	[smem:$0x3FA9] =	sst s5  }
0xe: {  	[smem:$0x3FAA] =	sst s6  }
0xf: {  	[smem:$0x3FAB] =	sst s7  }
0x10: {  	[smem:$0x3FAC] =	sst s8  }
0x11: {  	[smem:$0x3FAD] =	sst s9;
	s0 =	simm.s32 @!p0 $0x0  }
0x12: {  	s1 =	sld [smem:$0x3F93];
	s0 =	simm.s32 @p0 $0x1  }
0x13: {  	[smem:$0x3FAE] =	sst s0;
	s0 =	simm.s32 @!p1 $0x0  }
0x14: {  	s2 =	sld [smem:$0x3F92];
	s0 =	simm.s32 @p1 $0x1  }
0x15: {  	[smem:$0x3FAF] =	sst s0;
	s0 =	simm.s32 @!p2 $0x0  }
0x16: {  	s3 =	sld [smem:$0x3FDB];
	s0 =	simm.s32 @p2 $0x1  }
0x17: {  	s4 =	simm.s32 $0x1BF5;
	[smem:$0x3FB1] =	sst s0  }
0x18: {  	s0 =	sld [smem:$0x3F94];
	_ =	swait.ge [sflag:s4], $0x0  }
0x19: {  	s7 =	sld [smem:$0x3F95]  }
0x1a: {  	s8 =	sadd.s32 $0xFFFFE003, lr  }
0x1b: {  	s9 =	sadd.s32 $0xFFFFFEF7, lr;
	s5 =	simm.s32 $0xFFFFFFFF;
	p2 =	slt.u32 s8, $0xFFFFF086  }
0x1c: {  	p1 =	slt.u32 s9, $0xF7A;
	s5 =	simm.s32 @!p2 $0x0  }
0x1d: {  	s5 =	simm.s32 @p1 $0x1;
	p0 =	seq.s32 s7, s2  }
0x1e: {  	s7 =	smul.u32 @!p0 $0xF7A, s2;
	p2 =	seq.s32 @!p0 s5, $0x0  }
0x1f: {  	s9 =	smul.u32 $0xF7A, s1;
	s8 =	simm.s32 @!p0 $0x1BF5;
	p2 =	por !p2, p0  }
0x20: {  	[sflag:s8] =	ssyncset.s32 @!p0 $0xFFFFF086;
	s6 =	sadd.s32 @!p0 s3, s7;
	s7 =	simm.s32 @!p0 $0x108  }
0x21: {  	s3 =	sadd.s32 s3, s9;
	s6 =	sadd.s32 @!p0 $0x88, s6;
	s7 =	simm.s32 @p2 $0x1082  }
0x22: {  	[simem:s7], [sflag:s8] =	dma.local @!p0 [hbm:s6], $0xF7A  }
0x23: {  	s9 =	sor.u32 $0xD0000000, s2;
	s6 =	simm.s32 $0x108;
	_ =	swait.ge @!p0 [sflag:s8], $0x0  }
0x24: {  	s3 =	sadd.s32 $0x88, s3;
	s6 =	simm.s32 @!p1 $0x1082;
	[sflag:s4] =	ssyncset.s32 $0xFFFFF086  }
0x25: {  	[simem:s6], [sflag:s4] =	dma.local [hbm:s3], $0xF7A  }
0x26: {  	[smem:$0x3F95] =	sst s1;
	(tag) =	ssettag s2;
	_ =	strace s9  }
0x27: {  	s1 =	sld [smem:$0x3FA5]  }
0x28: {  	s2 =	sld [smem:$0x3FA6]  }
0x29: {  	s4 =	sld [smem:$0x3FA8]  }
0x2a: {  	p0 =	seq.s32 s5, $0x0;
	s5 =	sld [smem:$0x3FA9]  }
0x2b: {  	s6 =	sld [smem:$0x3FAA]  }
0x2c: {  	s7 =	sld [smem:$0x3FAB]  }
0x2d: {  	s3 =	simm.s32 $0x108;
	s8 =	sld [smem:$0x3FAC]  }
0x2e: {  	s3 =	simm.s32 @!p0 $0x1082;
	s9 =	sld [smem:$0x3FAD]  }
0x2f: {  	lr =	sadd.s32 s0, s3;
	s0 =	sld [smem:$0x3FA4]  }
0x30: {  	s3 =	sld [smem:$0x3FA7]  }
0x31: {  	[smem:$0x3FB0] =	sst s10  }
0x32: {  	s10 =	sld [smem:$0x3FAE];
	_ =	sdelay $0x3  }
0x33: {  	p0 =	seq.s32 s10, $0x1;
	s10 =	sld [smem:$0x3FB0];
	_ =	sdelay $0x3  }
0x34: {  	[smem:$0x3FB0] =	sst s10  }
0x35: {  	s10 =	sld [smem:$0x3FAF];
	_ =	sdelay $0x3  }
0x36: {  	p1 =	seq.s32 s10, $0x1;
	s10 =	sld [smem:$0x3FB0];
	_ =	sdelay $0x3  }
0x37: {  	[smem:$0x3FB0] =	sst s10  }
0x38: {  	s10 =	sld [smem:$0x3FB1]  }
0x39: {  	_ = 	snop;
	(pc) =	sbr.ind lr, $3  }
0x3a: {  	_ = 	snop  }
0x3b: {  	_ = 	snop  }
0x3c: {  	p2 =	seq.s32 s10, $0x1;
	s10 =	sld [smem:$0x3FB0]  }
0x3d: {  	_ =	shalt  }
0x3e: {  	_ =	shalt  }
0x3f: {  	_ =	shalt  }
0x40: {  	_ =	shalt  }
0x41: {  	_ =	shalt  }
0x42: {  	_ =	shalt  }
0x43: {  	_ =	shalt  }
0x44: {  	_ =	shalt  }
0x45: {  	_ =	shalt  }
0x46: {  	_ =	shalt  }
0x47: {  	_ =	shalt  }
0x48: {  	_ =	shalt  }
0x49: {  	_ =	shalt  }
0x4a: {  	_ =	shalt  }
0x4b: {  	_ =	shalt  }
0x4c: {  	_ =	shalt  }
0x4d: {  	_ =	shalt  }
0x4e: {  	_ =	shalt  }
0x4f: {  	_ =	shalt  }
0x50: {  	_ =	shalt  }
0x51: {  	_ =	shalt  }
0x52: {  	_ =	shalt  }
0x53: {  	_ =	shalt  }
0x54: {  	_ =	shalt  }
0x55: {  	_ =	shalt  }
0x56: {  	_ =	shalt  }
0x57: {  	_ =	shalt  }
0x58: {  	_ =	shalt  }
0x59: {  	_ =	shalt  }
0x5a: {  	_ =	shalt  }
0x5b: {  	_ =	shalt  }
0x5c: {  	_ =	shalt  }
0x5d: {  	_ =	shalt  }
0x5e: {  	_ =	shalt  }
0x5f: {  	_ =	shalt  }
0x60: {  	_ =	shalt  }
0x61: {  	_ =	shalt  }
0x62: {  	_ =	shalt  }
0x63: {  	_ =	shalt  }
0x64: {  	_ =	shalt  }
0x65: {  	_ =	shalt  }
0x66: {  	_ =	shalt  }
0x67: {  	_ =	shalt  }
0x68: {  	_ =	shalt  }
0x69: {  	_ =	shalt  }
0x6a: {  	_ =	shalt  }
0x6b: {  	_ =	shalt  }
0x6c: {  	_ =	shalt  }
0x6d: {  	_ =	shalt  }
0x6e: {  	_ =	shalt  }
0x6f: {  	_ =	shalt  }
0x70: {  	_ =	shalt  }
0x71: {  	_ =	shalt  }
0x72: {  	_ =	shalt  }
0x73: {  	_ =	shalt  }
0x74: {  	_ =	shalt  }
0x75: {  	_ =	shalt  }
0x76: {  	_ =	shalt  }
0x77: {  	_ =	shalt  }
0x78: {  	_ =	shalt  }
0x79: {  	_ =	shalt  }
0x7a: {  	_ =	shalt  }
0x7b: {  	_ =	shalt  }
0x7c: {  	_ =	shalt  }
0x7d: {  	_ =	shalt  }
0x7e: {  	_ =	shalt  }
0x7f: {  	_ =	shalt  }
0x80: {  	_ =	shalt  }
0x81: {  	_ =	shalt  }
0x82: {  	_ =	shalt  }
0x83: {  	_ =	shalt  }
0x84: {  	_ =	shalt  }
0x85: {  	_ =	shalt  }
0x86: {  	_ =	shalt  }
0x87: {  	_ =	shalt  }
.Lfunc_end0:
.L_simem_size_0:
called_computation_lowered:
.L_overlay_start_0:
0x88: {  	s2 =	sld [smem:$0x3FD9]  }
0x89: {  	s3 =	sld [smem:$0x3FFE];
	_ =	sdelay $0x1  }
0x8a: {  	s1 =	srdreg.scid  }
0x8b: {  	s0 =	sand.u32 $0x1, s1  }
0x8c: {  	s17 =	sshll.u32 s0, $0xA;
	s2 =	sadd.s32 s3, s2  }
0x8d: {  	s2 =	sadd.s32 s2, s17  }
0x8e: {  	[smem:$0x3FBC] =	sst s2  }
0x8f: {  	_ = 	snop  }
0x90: {  	s2 =	sld [smem:$0x3FD0];
	(tm) =	ssettm $0x1  }
0x91: {  	s18 =	sld [smem:$0x3FFB];
	_ =	sdelay $0x3  }
0x92: {  	_ =	strace s18  }
0x93: {  	s3 =	sld [smem:$0x3FFC];
	_ =	sdelay $0x3  }
0x94: {  	_ =	strace s3  }
0x95: {  	s3 =	sld [smem:$0x3FFD];
	_ =	sdelay $0x3  }
0x96: {  	_ =	strace s3  }
0x97: {  	_ =	strace $0x8FFFFFFF  }
0x98: {  	s19 =	sld [smem:$0x3FDB];
	_ =	sdelay $0x1  }
0x99: {  	s4 =	simm.s32 $_scs_section_size  }
0x9a: {  	s5 =	simm.s32 $_size__tile_overlayer_lowered;
	s6 =	simm.s32 $_tile_overlayer_lowered  }
0x9b: {  	s22 =	simm.s32 $0x1BFF;
	s21 =	sshll.u32 s6, $0x1;
	s3 =	sadd.s32 s4, s19  }
0x9c: {  	s7 =	simm.s32 $0x0;
	s20 =	sshll.u32 s5, $0x1;
	s5 =	sadd.s32 s21, s3  }
0x9d: {  	[timem:s7], [sflag:s22] =	dma.local [hbm:s5], s20  }
0x9e: {  	_ =	swait.ge [sflag:s22], s20  }
0x9f: {  	s4 =	ssub.s32 $0x0, s20;
	[sflag:s22] =	ssyncset.done $0x0  }
0xa0: {  	[sflag:s22] =	ssyncadd.s32 s4;
	_ =	sdelay $0x1  }
0xa1: {  	s23 =	simm.s32 $0x1B8B  }
0xa2: {  	_ =	swait.ge [sflag:s23], $0x1  }
0xa3: {  	[sflag:s23] =	ssyncset.done $0x0  }
0xa4: {  	s25 =	simm.s32 $0x1B8E;
	s24 =	sld [smem:$0x3FFE];
	[sflag:s23] =	ssyncadd.s32 $0xFFFFFFFF  }
0xa5: {  	s26 =	simm.s32 $execute0_lowered;
	[smem:$0x3FD2] =	sst s25  }
0xa6: {  	s5 =	sshll.u32 s26, $0x1;
	_ =	strace $0x80000046;
	[dreg:$0x1] =	wrdreg $0xFFFFFFFF  }
0xa7: {  	s28 =	simm.s32 $_size_execute0_lowered;
	s3 =	sadd.s32 s3, s5;
	[dreg:$0x0] =	wrdreg $0x0  }
0xa8: {  	s5 =	sshll.u32 s28, $0x1;
	[dreg:$0x2] =	wrdreg s3  }
0xa9: {  	[dreg:$0x3] =	wrdreg s5  }
0xaa: {  	[dreg:$0x4] =	wrdreg $0xC0  }
0xab: {  	_ =	task [dreg:s7], $0x5FFFF  }
0xac: {  	[dreg:$0x1] =	wrdreg $0xFFFFFFFF  }
0xad: {  	[dreg:$0x0] =	wrdreg $0x60  }
0xae: {  	[dreg:$0x2] =	wrdreg s2  }
0xaf: {  	[dreg:$0x3] =	wrdreg s24  }
0xb0: {  	[dreg:$0x4] =	wrdreg $0x0  }
0xb1: {  	[dreg:$0x5] =	wrdreg $0x140000  }
0xb2: {  	[dreg:$0x6] =	wrdreg $0x9  }
0xb3: {  	_ =	task.clear_ibuf [dreg:s7], $0x7FFFF;
	_ =	strace $0x90000046  }
0xb4: {  	s29 =	simm.s32 $0x9;
	_ =	strace $0x80000048  }
0xb5: {  	_ =	swait.ge [sflag:s29], $0x1  }
0xb6: {  	[sflag:s29] =	ssyncadd.s32 $0xFFFFFFFF  }
0xb7: {  	_ =	strace $0x90000048  }
0xb8: {  	_ =	sfence  }
0xb9: {  	s30 =	sld [smem:$0x0];
	_ =	sdelay $0x2  }
0xba: {  	s31 =	sshll.u32 s1, $0xD;
	s1 =	sshrl.u32 s1, $0x2  }
0xbb: {  	s3 =	sand.u32 $0x4000, s31;
	s1 =	sadd.s32 s1, s30  }
0xbc: {  	s0 =	sor.u32 s3, s0;
	s1 =	sshll.u32 s1, $0x11  }
0xbd: {  	s0 =	sor.u32 s1, s0  }
0xbe: {  	s0 =	sadd.s32 $0x8F2B, s0  }
0xbf: {  	[sflag:s0] =	ssyncadd.remote.s32 $0x1  }
0xc0: {  	_ =	sfence.sel $0xFFFF  }
0xc1: {  	[dreg:$0x0] =	wrdreg $0xFFFFFFFF;
	(pc) =	sbr.abs _section_cstart, $3  }
0xc2: {  	[dreg:$0x1] =	wrdreg $0xFFFFFFFF  }
0xc3: {  	_ =	task.clear_ibuf [dreg:s7], $0x2FFFF;
	_ =	strace $0x9FFFFFFF  }
0xc4: {  	(tm) =	ssettm $0x7FFFFFFF  }
0xc5: {  	_ =	shalt  }
tec
execute0_lowered:
.L_overlay_start_1:
0x0: {  	(tag) =	ssettag $0x1  }
0x1: {  	s1 =	rddreg [dreg:$0x0]  }
0x2: {  	s0 =	rddreg [dreg:$0x1]  }
0x3: {  	s3 =	rddreg [dreg:$0x2]  }
0x4: {  	s11 =	stileid.u32;
	s2 =	srdreg.scid  }
0x5: {  	s4 =	rddreg [dreg:$0x3];
	s7 =	simm.s32 $0x0;
	s25 =	simm.s32 $0x14300  }
0x6: {  	s31 =	simm.s32 $0x14380;
	[smem:$0x7FF] =	sst s7;
	s9 =	sadd.s32 $0x16E00, s0  }
0x7: {  	s21 =	sadd.s32 $0x19600, s0;
	_ =	strace $0x80000047;
	[dreg:$0x1a] =	wrdreg s9  }
0x8: {  	s12 =	simm.s32 $0x14480;
	s13 =	simm.s32 $0x14500;
	[dreg:$0x1b] =	wrdreg s21  }
0x9: {  	s14 =	simm.s32 $0x14580;
	s5 =	smul.u32 $0xA00, s11;
	[dreg:$0x7] =	wrdreg s25  }
0xa: {  	s15 =	simm.s32 $0x14600;
	s19 =	smul.u32 $0x14000, s11;
	[dreg:$0x8] =	wrdreg s31  }
0xb: {  	s16 =	simm.s32 $0x14680;
	s8 =	smul.u32 $0x280, s11;
	[dreg:$0xa] =	wrdreg s12  }
0xc: {  	s2 =	sand.u32 $0x1, s2;
	s26 =	smul.u32 $0x50000, s11;
	[dreg:$0xb] =	wrdreg s13  }
0xd: {  	s17 =	simm.s32 $0x14700;
	s6 =	smul.u32 $0x140000, s2;
	[dreg:$0xc] =	wrdreg s14  }
0xe: {  	s18 =	simm.s32 $0x14780;
	s20 =	smul.u32 $0x2800, s2;
	[dreg:$0xd] =	wrdreg s15  }
0xf: {  	s24 =	sshll.u32 s11, $0x6;
	s22 =	smul.u32 $0x500, s2;
	[dreg:$0xe] =	wrdreg s16  }
0x10: {  	s2 =	ssub.s32 $0x2, s2;
	s28 =	sor.u32 $0x1C06, s24;
	[dreg:$0xf] =	wrdreg s17  }
0x11: {  	s13 =	simm.s32 $0x6;
	[dreg:$0x10] =	wrdreg s18;
	s16 =	simm.s32 $0x14C80  }
0x12: {  	s21 =	simm.s32 $0x14900;
	s17 =	simm.s32 $0x7D;
	s18 =	simm.s32 $0x15680  }
0x13: {  	s24 =	simm.s32 $0x14A80;
	s25 =	simm.s32 $0x14B00;
	s31 =	simm.s32 $0x14C00  }
0x14: {  	s9 =	simm.s32 $0x15200;
	s12 =	simm.s32 $0x15380;
	s14 =	simm.s32 $0x15400  }
0x15: {  	s15 =	simm.s32 $0x15580;
	s5 =	sadd.s32 s5, s0;
	[dreg:$0x13] =	wrdreg s21  }
0x16: {  	s10 =	sshrl.u32 s2, $0x1;
	s11 =	sshrl.u32 s26, $0x2;
	[dreg:$0x16] =	wrdreg s24  }
0x17: {  	s21 =	simm.s32 $0x1D680;
	[dreg:$0x17] =	wrdreg s25;
	s26 =	simm.s32 $0x14B80  }
0x18: {  	s24 =	simm.s32 $0x3;
	[dreg:$0x19] =	wrdreg s31;
	s25 =	simm.s32 $0x4  }
0x19: {  	[dreg:$0x1c] =	wrdreg s28;
	s6 =	sadd.s32 s19, s6;
	s7 =	sadd.s32 s8, s20  }
0x1a: {  	s5 =	sadd.s32 s22, s5;
	s2 =	ssub.s32 s2, s10;
	s8 =	sadd.s32 s8, s4  }
0x1b: {  	s10 =	simm.s32 $0x14400;
	s19 =	simm.s32 $0x14800;
	s20 =	simm.s32 $0x14880  }
0x1c: {  	s22 =	simm.s32 $0x14980;
	[dreg:$0x18] =	wrdreg s26;
	s26 =	simm.s32 $0x5  }
0x1d: {  	s6 =	sshrl.u32 s6, $0x3;
	s7 =	sshrl.u32 s7, $0x3;
	[dreg:$0x9] =	wrdreg s10  }
0x1e: {  	s23 =	sadd.s32 $0x2E00, s5;
	s5 =	sadd.s32 $0xCE00, s5;
	[dreg:$0x11] =	wrdreg s19  }
0x1f: {  	s2 =	smax.u32 s2, $0x1;
	s29 =	sshrl.u32 s8, $0x3;
	[dreg:$0x12] =	wrdreg s20  }
0x20: {  	[dreg:$0x14] =	wrdreg s22;
	s19 =	simm.s32 $0x19680;
	s20 =	simm.s32 $0x1  }
0x21: {  	s22 =	simm.s32 $0x2;
	s10 =	simm.s32 $0x15280;
	[dreg:$0x5] =	wrdreg s23  }
0x22: {  	s8 =	simm.s32 $0x15480;
	s6 =	sadd.s32 s6, s0;
	[dreg:$0x6] =	wrdreg s5  }
0x23: {  	s0 =	sadd.s32 s7, s0;
	s7 =	sadd.s32 s11, s3;
	[dreg:$0x1f] =	wrdreg s2  }
0x24: {  	s23 =	simm.s32 $0x14A00;
	s11 =	simm.s32 $0x15300;
	[smem:$0x7FC] =	sst s29  }
0x25: {  	s5 =	simm.s32 $0x15500;
	s6 =	sadd.s32 $0x19800, s6;
	[dreg:$0x15] =	wrdreg s23  }
0x26: {  	s0 =	sadd.s32 $0x69800, s0;
	s30 =	sshrl.u32 s7, $0x3;
	[dreg:$0x1d] =	wrdreg s6  }
0x27: {  	s7 =	simm.s32 $0x15180;
	s23 =	simm.s32 $0x15600;
	[dreg:$0x1e] =	wrdreg s0  }
0x28: {  	v0 =	vimm.f32 $1.000000000e+00;
	s6 =	simm.s32 $0x15100;
	s0 =	simm.s32 $0x0;
	[smem:$0x7FD] =	sst s30  }
.LBB2_1:
0x29: {  	[smem:$0x7FB] =	sst s0  }
0x2a: {  	s2 =	rddreg [dreg:$0x1b]  }
0x2b: {  	[spmem:s29], [sflag:s28] =	dma.local [hbm:s2], $0x50  }
0x2c: {  	_ =	swait.ge [sflag:s13], $0x50  }
0x2d: {  	[sflag:s13] =	ssyncset.done $0x0  }
0x2e: {  	[sflag:s13] =	ssyncadd.s32 $0xFFFFFFB0  }
0x2f: {  	[tilespmem:$0x1D680] =	vst v0  }
0x30: {  	[tilespmem:$0x1D690] =	vst v0  }
0x31: {  	[tilespmem:$0x1D6A0] =	vst v0  }
0x32: {  	[tilespmem:$0x1D6B0] =	vst v0  }
0x33: {  	[tilespmem:$0x1D6C0] =	vst v0  }
0x34: {  	[tilespmem:$0x1D6D0] =	vst v0  }
0x35: {  	[tilespmem:$0x1D6E0] =	vst v0  }
0x36: {  	s31 =	rddreg [dreg:$0x1a];
	[tilespmem:$0x1D6ED] =	vst v0  }
0x37: {  	[spmem:s30], [sflag:s28] =	dma.local [hbm:s31], $0x2800  }
0x38: {  	_ =	swait.ge [sflag:s13], $0x2800  }
0x39: {  	[sflag:s13] =	ssyncset.done $0x0  }
0x3a: {  	[sflag:s13] =	ssyncadd.s32 $0xFFFFD800  }
0x3b: {  	[bflag:$0x0] =	sbarrier.arrive $0xFFFF  }
0x3c: {  	s28 =	rddreg [dreg:$0x5]  }
0x3d: {  	s0 =	simm.s32 $0x14280;
	s29 =	simm.s32 $0x0;
	s28 =	sadd.s32 $0x0, s28  }
0x3e: {  	[tilespmem:s0], [sflag:$0x6] =	stream.linear.gather [hbm4b:s28+s29], $0xA00, $0x38;
	[tilespmem:$0x1D700] =	vst v63  }
0x3f: {  	_ =	swait.ge [sflag:s13], $0xA00  }
0x40: {  	s28 =	rddreg [dreg:$0x6];
	[sflag:s13] =	ssyncset.done $0x0  }
0x41: {  	[sflag:s13] =	ssyncadd.s32 $0xFFFFF600;
	s28 =	sadd.s32 $0x0, s28  }
0x42: {  	[tilespmem:s16], [sflag:$0x6] =	stream.linear.gather [hbm4b:s28+s29], $0xA00, $0x38;
	[tilespmem:$0x1D700] =	vst v63  }
0x43: {  	_ =	swait.ge [sflag:s13], $0xA00  }
0x44: {  	[sflag:s13] =	ssyncset.done $0x0  }
0x45: {  	[sflag:s13] =	ssyncadd.s32 $0xFFFFF600  }
0x46: {  	[tilespmem:s18], [sflag:$0x1] =	stream.indirect.gather [hbm4b:s1+s17], $0x80, s0, s17, $0xb8;
	[tilespmem:$0x1D700] =	vst v63  }
0x47: {  	s28 =	rddreg [dreg:$0x7]  }
0x48: {  	[tilespmem:s19], [sflag:$0x2] =	stream.indirect.gather [hbm4b:s1+s17], $0x80, s28, s17, $0xb8;
	[tilespmem:$0x1D700] =	vst v63  }
0x49: {  	_ =	swait.ge [sflag:s20], $0x3E80  }
0x4a: {  	[sflag:s20] =	ssyncset.done $0x0  }
0x4b: {  	[sflag:s20] =	ssyncadd.s32 $0xFFFFC180  }
0x4c: {  	[spmem:s3] =	stream.indirect.scatter.add.f32 [tilespmem:s18], [sflag:$0x3], $0x80, s16, s17, $0xb8;
	[tilespmem:$0x1D700] =	vst v63  }
0x4d: {  	_ = 	snop  }
0x4e: {  	[spmem:s4] =	stream.indirect.scatter.add.f32 [tilespmem:s21], [sflag:$0x5], $0x1, s16, s17, $0xb8;
	[tilespmem:$0x1D700] =	vst v63  }
0x4f: {  	_ =	swait.ge [sflag:s22], $0x3E80  }
0x50: {  	[sflag:s22] =	ssyncset.done $0x0  }
0x51: {  	s2 =	simm.s32 $0x14D00;
	[sflag:s22] =	ssyncadd.s32 $0xFFFFC180  }
0x52: {  	[spmem:s3] =	stream.indirect.scatter.add.f32 [tilespmem:s19], [sflag:$0x4], $0x80, s2, s17, $0xb8;
	[tilespmem:$0x1D700] =	vst v63  }
0x53: {  	_ = 	snop  }
0x54: {  	[spmem:s4] =	stream.indirect.scatter.add.f32 [tilespmem:s21], [sflag:$0x5], $0x1, s2, s17, $0xb8;
	[tilespmem:$0x1D700] =	vst v63  }
0x55: {  	_ =	swait.ge [sflag:s24], $0x3E80  }
0x56: {  	[sflag:s24] =	ssyncset.done $0x0  }
0x57: {  	s28 =	rddreg [dreg:$0x8];
	[sflag:s24] =	ssyncadd.s32 $0xFFFFC180  }
0x58: {  	[tilespmem:s18], [sflag:$0x1] =	stream.indirect.gather [hbm4b:s1+s17], $0x80, s28, s17, $0xb8;
	[tilespmem:$0x1D700] =	vst v63  }
0x59: {  	_ =	swait.ge [sflag:s25], $0x3E80  }
0x5a: {  	[sflag:s25] =	ssyncset.done $0x0  }
0x5b: {  	s28 =	rddreg [dreg:$0x9];
	[sflag:s25] =	ssyncadd.s32 $0xFFFFC180  }
0x5c: {  	[tilespmem:s19], [sflag:$0x2] =	stream.indirect.gather [hbm4b:s1+s17], $0x80, s28, s17, $0xb8;
	[tilespmem:$0x1D700] =	vst v63  }
0x5d: {  	_ =	swait.ge [sflag:s20], $0x3E80  }
0x5e: {  	[sflag:s20] =	ssyncset.done $0x0  }
0x5f: {  	s31 =	simm.s32 $0x14D80;
	[sflag:s20] =	ssyncadd.s32 $0xFFFFC180  }
0x60: {  	[spmem:s3] =	stream.indirect.scatter.add.f32 [tilespmem:s18], [sflag:$0x3], $0x80, s31, s17, $0xb8;
	[tilespmem:$0x1D700] =	vst v63  }
0x61: {  	_ = 	snop  }
0x62: {  	[spmem:s4] =	stream.indirect.scatter.add.f32 [tilespmem:s21], [sflag:$0x5], $0x1, s31, s17, $0xb8;
	[tilespmem:$0x1D700] =	vst v63  }
0x63: {  	_ =	swait.ge [sflag:s22], $0x3E80  }
0x64: {  	[sflag:s22] =	ssyncset.done $0x0  }
0x65: {  	s2 =	simm.s32 $0x14E00;
	[sflag:s22] =	ssyncadd.s32 $0xFFFFC180  }
0x66: {  	[spmem:s3] =	stream.indirect.scatter.add.f32 [tilespmem:s19], [sflag:$0x4], $0x80, s2, s17, $0xb8;
	[tilespmem:$0x1D700] =	vst v63  }
0x67: {  	_ = 	snop  }
0x68: {  	[spmem:s4] =	stream.indirect.scatter.add.f32 [tilespmem:s21], [sflag:$0x5], $0x1, s2, s17, $0xb8;
	[tilespmem:$0x1D700] =	vst v63  }
0x69: {  	_ =	swait.ge [sflag:s24], $0x3E80  }
0x6a: {  	[sflag:s24] =	ssyncset.done $0x0  }
0x6b: {  	s28 =	rddreg [dreg:$0xa];
	[sflag:s24] =	ssyncadd.s32 $0xFFFFC180  }
0x6c: {  	[tilespmem:s18], [sflag:$0x1] =	stream.indirect.gather [hbm4b:s1+s17], $0x80, s28, s17, $0xb8;
	[tilespmem:$0x1D700] =	vst v63  }
0x6d: {  	_ =	swait.ge [sflag:s25], $0x3E80  }
0x6e: {  	[sflag:s25] =	ssyncset.done $0x0  }
0x6f: {  	s28 =	rddreg [dreg:$0xb];
	[sflag:s25] =	ssyncadd.s32 $0xFFFFC180  }
0x70: {  	[tilespmem:s19], [sflag:$0x2] =	stream.indirect.gather [hbm4b:s1+s17], $0x80, s28, s17, $0xb8;
	[tilespmem:$0x1D700] =	vst v63  }
0x71: {  	_ =	swait.ge [sflag:s20], $0x3E80  }
0x72: {  	[sflag:s20] =	ssyncset.done $0x0  }
0x73: {  	s31 =	simm.s32 $0x14E80;
	[sflag:s20] =	ssyncadd.s32 $0xFFFFC180  }
0x74: {  	[spmem:s3] =	stream.indirect.scatter.add.f32 [tilespmem:s18], [sflag:$0x3], $0x80, s31, s17, $0xb8;
	[tilespmem:$0x1D700] =	vst v63  }
0x75: {  	_ = 	snop  }
0x76: {  	[spmem:s4] =	stream.indirect.scatter.add.f32 [tilespmem:s21], [sflag:$0x5], $0x1, s31, s17, $0xb8;
	[tilespmem:$0x1D700] =	vst v63  }
0x77: {  	_ =	swait.ge [sflag:s22], $0x3E80  }
0x78: {  	[sflag:s22] =	ssyncset.done $0x0  }
0x79: {  	s2 =	simm.s32 $0x14F00;
	[sflag:s22] =	ssyncadd.s32 $0xFFFFC180  }
0x7a: {  	[spmem:s3] =	stream.indirect.scatter.add.f32 [tilespmem:s19], [sflag:$0x4], $0x80, s2, s17, $0xb8;
	[tilespmem:$0x1D700] =	vst v63  }
0x7b: {  	_ = 	snop  }
0x7c: {  	[spmem:s4] =	stream.indirect.scatter.add.f32 [tilespmem:s21], [sflag:$0x5], $0x1, s2, s17, $0xb8;
	[tilespmem:$0x1D700] =	vst v63  }
0x7d: {  	_ =	swait.ge [sflag:s24], $0x3E80  }
0x7e: {  	[sflag:s24] =	ssyncset.done $0x0  }
0x7f: {  	s28 =	rddreg [dreg:$0xc];
	[sflag:s24] =	ssyncadd.s32 $0xFFFFC180  }
0x80: {  	[tilespmem:s18], [sflag:$0x1] =	stream.indirect.gather [hbm4b:s1+s17], $0x80, s28, s17, $0xb8;
	[tilespmem:$0x1D700] =	vst v63  }
0x81: {  	_ =	swait.ge [sflag:s25], $0x3E80  }
0x82: {  	[sflag:s25] =	ssyncset.done $0x0  }
0x83: {  	s28 =	rddreg [dreg:$0xd];
	[sflag:s25] =	ssyncadd.s32 $0xFFFFC180  }
0x84: {  	[tilespmem:s19], [sflag:$0x2] =	stream.indirect.gather [hbm4b:s1+s17], $0x80, s28, s17, $0xb8;
	[tilespmem:$0x1D700] =	vst v63  }
0x85: {  	_ =	swait.ge [sflag:s20], $0x3E80  }
0x86: {  	[sflag:s20] =	ssyncset.done $0x0  }
0x87: {  	s31 =	simm.s32 $0x14F80;
	[sflag:s20] =	ssyncadd.s32 $0xFFFFC180  }
0x88: {  	[spmem:s3] =	stream.indirect.scatter.add.f32 [tilespmem:s18], [sflag:$0x3], $0x80, s31, s17, $0xb8;
	[tilespmem:$0x1D700] =	vst v63  }
0x89: {  	_ = 	snop  }
0x8a: {  	[spmem:s4] =	stream.indirect.scatter.add.f32 [tilespmem:s21], [sflag:$0x5], $0x1, s31, s17, $0xb8;
	[tilespmem:$0x1D700] =	vst v63  }
0x8b: {  	_ =	swait.ge [sflag:s22], $0x3E80  }
0x8c: {  	[sflag:s22] =	ssyncset.done $0x0  }
0x8d: {  	s2 =	simm.s32 $0x15000;
	[sflag:s22] =	ssyncadd.s32 $0xFFFFC180  }
0x8e: {  	[spmem:s3] =	stream.indirect.scatter.add.f32 [tilespmem:s19], [sflag:$0x4], $0x80, s2, s17, $0xb8;
	[tilespmem:$0x1D700] =	vst v63  }
0x8f: {  	_ = 	snop  }
0x90: {  	[spmem:s4] =	stream.indirect.scatter.add.f32 [tilespmem:s21], [sflag:$0x5], $0x1, s2, s17, $0xb8;
	[tilespmem:$0x1D700] =	vst v63  }
0x91: {  	_ =	swait.ge [sflag:s24], $0x3E80  }
0x92: {  	[sflag:s24] =	ssyncset.done $0x0  }
0x93: {  	s28 =	rddreg [dreg:$0xe];
	[sflag:s24] =	ssyncadd.s32 $0xFFFFC180  }
0x94: {  	[tilespmem:s18], [sflag:$0x1] =	stream.indirect.gather [hbm4b:s1+s17], $0x80, s28, s17, $0xb8;
	[tilespmem:$0x1D700] =	vst v63  }
0x95: {  	_ =	swait.ge [sflag:s25], $0x3E80  }
0x96: {  	[sflag:s25] =	ssyncset.done $0x0  }
0x97: {  	s28 =	rddreg [dreg:$0xf];
	[sflag:s25] =	ssyncadd.s32 $0xFFFFC180  }
0x98: {  	[tilespmem:s19], [sflag:$0x2] =	stream.indirect.gather [hbm4b:s1+s17], $0x80, s28, s17, $0xb8;
	[tilespmem:$0x1D700] =	vst v63  }
0x99: {  	_ =	swait.ge [sflag:s20], $0x3E80  }
0x9a: {  	[sflag:s20] =	ssyncset.done $0x0  }
0x9b: {  	s31 =	simm.s32 $0x15080;
	[sflag:s20] =	ssyncadd.s32 $0xFFFFC180  }
0x9c: {  	[spmem:s3] =	stream.indirect.scatter.add.f32 [tilespmem:s18], [sflag:$0x3], $0x80, s31, s17, $0xb8;
	[tilespmem:$0x1D700] =	vst v63  }
0x9d: {  	_ = 	snop  }
0x9e: {  	[spmem:s4] =	stream.indirect.scatter.add.f32 [tilespmem:s21], [sflag:$0x5], $0x1, s31, s17, $0xb8;
	[tilespmem:$0x1D700] =	vst v63  }
0x9f: {  	_ =	swait.ge [sflag:s22], $0x3E80  }
0xa0: {  	[sflag:s22] =	ssyncset.done $0x0  }
0xa1: {  	[sflag:s22] =	ssyncadd.s32 $0xFFFFC180  }
0xa2: {  	[spmem:s3] =	stream.indirect.scatter.add.f32 [tilespmem:s19], [sflag:$0x4], $0x80, s6, s17, $0xb8;
	[tilespmem:$0x1D700] =	vst v63  }
0xa3: {  	_ = 	snop  }
0xa4: {  	[spmem:s4] =	stream.indirect.scatter.add.f32 [tilespmem:s21], [sflag:$0x5], $0x1, s6, s17, $0xb8;
	[tilespmem:$0x1D700] =	vst v63  }
0xa5: {  	_ =	swait.ge [sflag:s24], $0x3E80  }
0xa6: {  	[sflag:s24] =	ssyncset.done $0x0  }
0xa7: {  	s28 =	rddreg [dreg:$0x10];
	[sflag:s24] =	ssyncadd.s32 $0xFFFFC180  }
0xa8: {  	[tilespmem:s18], [sflag:$0x1] =	stream.indirect.gather [hbm4b:s1+s17], $0x80, s28, s17, $0xb8;
	[tilespmem:$0x1D700] =	vst v63  }
0xa9: {  	_ =	swait.ge [sflag:s25], $0x3E80  }
0xaa: {  	[sflag:s25] =	ssyncset.done $0x0  }
0xab: {  	s28 =	rddreg [dreg:$0x11];
	[sflag:s25] =	ssyncadd.s32 $0xFFFFC180  }
0xac: {  	[tilespmem:s19], [sflag:$0x2] =	stream.indirect.gather [hbm4b:s1+s17], $0x80, s28, s17, $0xb8;
	[tilespmem:$0x1D700] =	vst v63  }
0xad: {  	_ =	swait.ge [sflag:s20], $0x3E80  }
0xae: {  	[sflag:s20] =	ssyncset.done $0x0  }
0xaf: {  	[sflag:s20] =	ssyncadd.s32 $0xFFFFC180  }
0xb0: {  	[spmem:s3] =	stream.indirect.scatter.add.f32 [tilespmem:s18], [sflag:$0x3], $0x80, s7, s17, $0xb8;
	[tilespmem:$0x1D700] =	vst v63  }
0xb1: {  	_ = 	snop  }
0xb2: {  	[spmem:s4] =	stream.indirect.scatter.add.f32 [tilespmem:s21], [sflag:$0x5], $0x1, s7, s17, $0xb8;
	[tilespmem:$0x1D700] =	vst v63  }
0xb3: {  	_ =	swait.ge [sflag:s22], $0x3E80  }
0xb4: {  	[sflag:s22] =	ssyncset.done $0x0  }
0xb5: {  	[sflag:s22] =	ssyncadd.s32 $0xFFFFC180  }
0xb6: {  	[spmem:s3] =	stream.indirect.scatter.add.f32 [tilespmem:s19], [sflag:$0x4], $0x80, s9, s17, $0xb8;
	[tilespmem:$0x1D700] =	vst v63  }
0xb7: {  	_ = 	snop  }
0xb8: {  	[spmem:s4] =	stream.indirect.scatter.add.f32 [tilespmem:s21], [sflag:$0x5], $0x1, s9, s17, $0xb8;
	[tilespmem:$0x1D700] =	vst v63  }
0xb9: {  	_ =	swait.ge [sflag:s24], $0x3E80  }
0xba: {  	[sflag:s24] =	ssyncset.done $0x0  }
0xbb: {  	s28 =	rddreg [dreg:$0x12];
	[sflag:s24] =	ssyncadd.s32 $0xFFFFC180  }
0xbc: {  	[tilespmem:s18], [sflag:$0x1] =	stream.indirect.gather [hbm4b:s1+s17], $0x80, s28, s17, $0xb8;
	[tilespmem:$0x1D700] =	vst v63  }
0xbd: {  	_ =	swait.ge [sflag:s25], $0x3E80  }
0xbe: {  	[sflag:s25] =	ssyncset.done $0x0  }
0xbf: {  	s28 =	rddreg [dreg:$0x13];
	[sflag:s25] =	ssyncadd.s32 $0xFFFFC180  }
0xc0: {  	[tilespmem:s19], [sflag:$0x2] =	stream.indirect.gather [hbm4b:s1+s17], $0x80, s28, s17, $0xb8;
	[tilespmem:$0x1D700] =	vst v63  }
0xc1: {  	_ =	swait.ge [sflag:s20], $0x3E80  }
0xc2: {  	[sflag:s20] =	ssyncset.done $0x0  }
0xc3: {  	[sflag:s20] =	ssyncadd.s32 $0xFFFFC180  }
0xc4: {  	[spmem:s3] =	stream.indirect.scatter.add.f32 [tilespmem:s18], [sflag:$0x3], $0x80, s10, s17, $0xb8;
	[tilespmem:$0x1D700] =	vst v63  }
0xc5: {  	_ = 	snop  }
0xc6: {  	[spmem:s4] =	stream.indirect.scatter.add.f32 [tilespmem:s21], [sflag:$0x5], $0x1, s10, s17, $0xb8;
	[tilespmem:$0x1D700] =	vst v63  }
0xc7: {  	_ =	swait.ge [sflag:s22], $0x3E80  }
0xc8: {  	[sflag:s22] =	ssyncset.done $0x0  }
0xc9: {  	[sflag:s22] =	ssyncadd.s32 $0xFFFFC180  }
0xca: {  	[spmem:s3] =	stream.indirect.scatter.add.f32 [tilespmem:s19], [sflag:$0x4], $0x80, s11, s17, $0xb8;
	[tilespmem:$0x1D700] =	vst v63  }
0xcb: {  	_ = 	snop  }
0xcc: {  	[spmem:s4] =	stream.indirect.scatter.add.f32 [tilespmem:s21], [sflag:$0x5], $0x1, s11, s17, $0xb8;
	[tilespmem:$0x1D700] =	vst v63  }
0xcd: {  	_ =	swait.ge [sflag:s24], $0x3E80  }
0xce: {  	[sflag:s24] =	ssyncset.done $0x0  }
0xcf: {  	s28 =	rddreg [dreg:$0x14];
	[sflag:s24] =	ssyncadd.s32 $0xFFFFC180  }
0xd0: {  	[tilespmem:s18], [sflag:$0x1] =	stream.indirect.gather [hbm4b:s1+s17], $0x80, s28, s17, $0xb8;
	[tilespmem:$0x1D700] =	vst v63  }
0xd1: {  	_ =	swait.ge [sflag:s25], $0x3E80  }
0xd2: {  	[sflag:s25] =	ssyncset.done $0x0  }
0xd3: {  	s28 =	rddreg [dreg:$0x15];
	[sflag:s25] =	ssyncadd.s32 $0xFFFFC180  }
0xd4: {  	[tilespmem:s19], [sflag:$0x2] =	stream.indirect.gather [hbm4b:s1+s17], $0x80, s28, s17, $0xb8;
	[tilespmem:$0x1D700] =	vst v63  }
0xd5: {  	_ =	swait.ge [sflag:s20], $0x3E80  }
0xd6: {  	[sflag:s20] =	ssyncset.done $0x0  }
0xd7: {  	[sflag:s20] =	ssyncadd.s32 $0xFFFFC180  }
0xd8: {  	[spmem:s3] =	stream.indirect.scatter.add.f32 [tilespmem:s18], [sflag:$0x3], $0x80, s12, s17, $0xb8;
	[tilespmem:$0x1D700] =	vst v63  }
0xd9: {  	_ = 	snop  }
0xda: {  	[spmem:s4] =	stream.indirect.scatter.add.f32 [tilespmem:s21], [sflag:$0x5], $0x1, s12, s17, $0xb8;
	[tilespmem:$0x1D700] =	vst v63  }
0xdb: {  	_ =	swait.ge [sflag:s22], $0x3E80  }
0xdc: {  	[sflag:s22] =	ssyncset.done $0x0  }
0xdd: {  	[sflag:s22] =	ssyncadd.s32 $0xFFFFC180  }
0xde: {  	[spmem:s3] =	stream.indirect.scatter.add.f32 [tilespmem:s19], [sflag:$0x4], $0x80, s14, s17, $0xb8;
	[tilespmem:$0x1D700] =	vst v63  }
0xdf: {  	_ = 	snop  }
0xe0: {  	[spmem:s4] =	stream.indirect.scatter.add.f32 [tilespmem:s21], [sflag:$0x5], $0x1, s14, s17, $0xb8;
	[tilespmem:$0x1D700] =	vst v63  }
0xe1: {  	_ =	swait.ge [sflag:s24], $0x3E80  }
0xe2: {  	[sflag:s24] =	ssyncset.done $0x0  }
0xe3: {  	s28 =	rddreg [dreg:$0x16];
	[sflag:s24] =	ssyncadd.s32 $0xFFFFC180  }
0xe4: {  	[tilespmem:s18], [sflag:$0x1] =	stream.indirect.gather [hbm4b:s1+s17], $0x80, s28, s17, $0xb8;
	[tilespmem:$0x1D700] =	vst v63  }
0xe5: {  	_ =	swait.ge [sflag:s25], $0x3E80  }
0xe6: {  	[sflag:s25] =	ssyncset.done $0x0  }
0xe7: {  	s28 =	rddreg [dreg:$0x17];
	[sflag:s25] =	ssyncadd.s32 $0xFFFFC180  }
0xe8: {  	[tilespmem:s19], [sflag:$0x2] =	stream.indirect.gather [hbm4b:s1+s17], $0x80, s28, s17, $0xb8;
	[tilespmem:$0x1D700] =	vst v63  }
0xe9: {  	_ =	swait.ge [sflag:s20], $0x3E80  }
0xea: {  	[sflag:s20] =	ssyncset.done $0x0  }
0xeb: {  	[sflag:s20] =	ssyncadd.s32 $0xFFFFC180  }
0xec: {  	[spmem:s3] =	stream.indirect.scatter.add.f32 [tilespmem:s18], [sflag:$0x3], $0x80, s8, s17, $0xb8;
	[tilespmem:$0x1D700] =	vst v63  }
0xed: {  	_ = 	snop  }
0xee: {  	[spmem:s4] =	stream.indirect.scatter.add.f32 [tilespmem:s21], [sflag:$0x5], $0x1, s8, s17, $0xb8;
	[tilespmem:$0x1D700] =	vst v63  }
0xef: {  	_ =	swait.ge [sflag:s22], $0x3E80  }
0xf0: {  	[sflag:s22] =	ssyncset.done $0x0  }
0xf1: {  	[sflag:s22] =	ssyncadd.s32 $0xFFFFC180  }
0xf2: {  	[spmem:s3] =	stream.indirect.scatter.add.f32 [tilespmem:s19], [sflag:$0x4], $0x80, s5, s17, $0xb8;
	[tilespmem:$0x1D700] =	vst v63  }
0xf3: {  	_ = 	snop  }
0xf4: {  	[spmem:s4] =	stream.indirect.scatter.add.f32 [tilespmem:s21], [sflag:$0x5], $0x1, s5, s17, $0xb8;
	[tilespmem:$0x1D700] =	vst v63  }
0xf5: {  	_ =	swait.ge [sflag:s24], $0x3E80  }
0xf6: {  	[sflag:s24] =	ssyncset.done $0x0  }
0xf7: {  	s28 =	rddreg [dreg:$0x18];
	[sflag:s24] =	ssyncadd.s32 $0xFFFFC180  }
0xf8: {  	[tilespmem:s18], [sflag:$0x1] =	stream.indirect.gather [hbm4b:s1+s17], $0x80, s28, s17, $0xb8;
	[tilespmem:$0x1D700] =	vst v63  }
0xf9: {  	_ =	swait.ge [sflag:s25], $0x3E80  }
0xfa: {  	[sflag:s25] =	ssyncset.done $0x0  }
0xfb: {  	s28 =	rddreg [dreg:$0x19];
	[sflag:s25] =	ssyncadd.s32 $0xFFFFC180  }
0xfc: {  	[tilespmem:s19], [sflag:$0x2] =	stream.indirect.gather [hbm4b:s1+s17], $0x80, s28, s17, $0xb8;
	[tilespmem:$0x1D700] =	vst v63  }
0xfd: {  	_ =	swait.ge [sflag:s20], $0x3E80  }
0xfe: {  	[sflag:s20] =	ssyncset.done $0x0  }
0xff: {  	[sflag:s20] =	ssyncadd.s32 $0xFFFFC180  }
0x100: {  	[spmem:s3] =	stream.indirect.scatter.add.f32 [tilespmem:s18], [sflag:$0x3], $0x80, s15, s17, $0xb8;
	[tilespmem:$0x1D700] =	vst v63  }
0x101: {  	_ = 	snop  }
0x102: {  	[spmem:s4] =	stream.indirect.scatter.add.f32 [tilespmem:s21], [sflag:$0x5], $0x1, s15, s17, $0xb8;
	[tilespmem:$0x1D700] =	vst v63  }
0x103: {  	_ =	swait.ge [sflag:s22], $0x3E80  }
0x104: {  	[sflag:s22] =	ssyncset.done $0x0  }
0x105: {  	[sflag:s22] =	ssyncadd.s32 $0xFFFFC180  }
0x106: {  	[spmem:s3] =	stream.indirect.scatter.add.f32 [tilespmem:s19], [sflag:$0x4], $0x80, s23, s17, $0xb8;
	[tilespmem:$0x1D700] =	vst v63  }
0x107: {  	_ = 	snop  }
0x108: {  	[spmem:s4] =	stream.indirect.scatter.add.f32 [tilespmem:s21], [sflag:$0x5], $0x1, s23, s17, $0xb8;
	[tilespmem:$0x1D700] =	vst v63  }
0x109: {  	_ =	swait.ge [sflag:s24], $0x3E80  }
0x10a: {  	[sflag:s24] =	ssyncset.done $0x0  }
0x10b: {  	[sflag:s24] =	ssyncadd.s32 $0xFFFFC180  }
0x10c: {  	_ =	swait.ge [sflag:s25], $0x3E80  }
0x10d: {  	[sflag:s25] =	ssyncset.done $0x0  }
0x10e: {  	[sflag:s25] =	ssyncadd.s32 $0xFFFFC180  }
0x10f: {  	_ =	swait.ge [sflag:s26], $0x7D  }
0x110: {  	[sflag:s26] =	ssyncset.done $0x0  }
0x111: {  	[sflag:s26] =	ssyncadd.s32 $0xFFFFFF83  }
0x112: {  	_ =	swait.ge [sflag:s26], $0x7D  }
0x113: {  	[sflag:s26] =	ssyncset.done $0x0  }
0x114: {  	[sflag:s26] =	ssyncadd.s32 $0xFFFFFF83  }
0x115: {  	_ =	swait.ge [sflag:s26], $0x7D  }
0x116: {  	[sflag:s26] =	ssyncset.done $0x0  }
0x117: {  	[sflag:s26] =	ssyncadd.s32 $0xFFFFFF83  }
0x118: {  	_ =	swait.ge [sflag:s26], $0x7D  }
0x119: {  	[sflag:s26] =	ssyncset.done $0x0  }
0x11a: {  	[sflag:s26] =	ssyncadd.s32 $0xFFFFFF83  }
0x11b: {  	_ =	swait.ge [sflag:s26], $0x7D  }
0x11c: {  	[sflag:s26] =	ssyncset.done $0x0  }
0x11d: {  	[sflag:s26] =	ssyncadd.s32 $0xFFFFFF83  }
0x11e: {  	_ =	swait.ge [sflag:s26], $0x7D  }
0x11f: {  	[sflag:s26] =	ssyncset.done $0x0  }
0x120: {  	[sflag:s26] =	ssyncadd.s32 $0xFFFFFF83  }
0x121: {  	_ =	swait.ge [sflag:s26], $0x7D  }
0x122: {  	[sflag:s26] =	ssyncset.done $0x0  }
0x123: {  	[sflag:s26] =	ssyncadd.s32 $0xFFFFFF83  }
0x124: {  	_ =	swait.ge [sflag:s26], $0x7D  }
0x125: {  	[sflag:s26] =	ssyncset.done $0x0  }
0x126: {  	[sflag:s26] =	ssyncadd.s32 $0xFFFFFF83  }
0x127: {  	_ =	swait.ge [sflag:s26], $0x7D  }
0x128: {  	[sflag:s26] =	ssyncset.done $0x0  }
0x129: {  	[sflag:s26] =	ssyncadd.s32 $0xFFFFFF83  }
0x12a: {  	_ =	swait.ge [sflag:s26], $0x7D  }
0x12b: {  	[sflag:s26] =	ssyncset.done $0x0  }
0x12c: {  	[sflag:s26] =	ssyncadd.s32 $0xFFFFFF83  }
0x12d: {  	_ =	swait.ge [sflag:s26], $0x7D  }
0x12e: {  	[sflag:s26] =	ssyncset.done $0x0  }
0x12f: {  	[sflag:s26] =	ssyncadd.s32 $0xFFFFFF83  }
0x130: {  	_ =	swait.ge [sflag:s26], $0x7D  }
0x131: {  	[sflag:s26] =	ssyncset.done $0x0  }
0x132: {  	[sflag:s26] =	ssyncadd.s32 $0xFFFFFF83  }
0x133: {  	_ =	swait.ge [sflag:s26], $0x7D  }
0x134: {  	[sflag:s26] =	ssyncset.done $0x0  }
0x135: {  	[sflag:s26] =	ssyncadd.s32 $0xFFFFFF83  }
0x136: {  	_ =	swait.ge [sflag:s26], $0x7D  }
0x137: {  	[sflag:s26] =	ssyncset.done $0x0  }
0x138: {  	[sflag:s26] =	ssyncadd.s32 $0xFFFFFF83  }
0x139: {  	_ =	swait.ge [sflag:s26], $0x7D  }
0x13a: {  	[sflag:s26] =	ssyncset.done $0x0  }
0x13b: {  	[sflag:s26] =	ssyncadd.s32 $0xFFFFFF83  }
0x13c: {  	_ =	swait.ge [sflag:s26], $0x7D  }
0x13d: {  	[sflag:s26] =	ssyncset.done $0x0  }
0x13e: {  	[sflag:s26] =	ssyncadd.s32 $0xFFFFFF83  }
0x13f: {  	_ =	swait.ge [sflag:s26], $0x7D  }
0x140: {  	[sflag:s26] =	ssyncset.done $0x0  }
0x141: {  	[sflag:s26] =	ssyncadd.s32 $0xFFFFFF83  }
0x142: {  	_ =	swait.ge [sflag:s26], $0x7D  }
0x143: {  	[sflag:s26] =	ssyncset.done $0x0  }
0x144: {  	[sflag:s26] =	ssyncadd.s32 $0xFFFFFF83  }
0x145: {  	_ =	swait.ge [sflag:s26], $0x7D  }
0x146: {  	[sflag:s26] =	ssyncset.done $0x0  }
0x147: {  	[sflag:s26] =	ssyncadd.s32 $0xFFFFFF83  }
0x148: {  	s29 =	simm.s32 $0x280;
	_ =	swait.ge [sflag:s26], $0x7D  }
0x149: {  	s28 =	simm.s32 $0x140;
	s30 =	rddreg [dreg:$0x5];
	[sflag:s26] =	ssyncset.done $0x0  }
.LBB2_2:
0x14a: {  	[sflag:s26] =	ssyncadd.s32 $0xFFFFFF83  }
0x14b: {  	s30 =	sadd.s32 s28, s30;
	s2 =	simm.s32 $0x0;
	s0 =	simm.s32 $0x14280  }
0x14c: {  	[tilespmem:s0], [sflag:$0x6] =	stream.linear.gather [hbm4b:s30+s2], $0xA00, $0x38;
	[tilespmem:$0x1D700] =	vst v63  }
0x14d: {  	_ =	swait.ge [sflag:s13], $0xA00  }
0x14e: {  	s30 =	rddreg [dreg:$0x6];
	[sflag:s13] =	ssyncset.done $0x0  }
0x14f: {  	[sflag:s13] =	ssyncadd.s32 $0xFFFFF600;
	s30 =	sadd.s32 s28, s30  }
0x150: {  	[tilespmem:s16], [sflag:$0x6] =	stream.linear.gather [hbm4b:s30+s2], $0xA00, $0x38;
	[tilespmem:$0x1D700] =	vst v63  }
0x151: {  	_ =	swait.ge [sflag:s13], $0xA00  }
0x152: {  	[sflag:s13] =	ssyncset.done $0x0  }
0x153: {  	[sflag:s13] =	ssyncadd.s32 $0xFFFFF600  }
0x154: {  	[tilespmem:s18], [sflag:$0x1] =	stream.indirect.gather [hbm4b:s1+s17], $0x80, s0, s17, $0xb8;
	[tilespmem:$0x1D700] =	vst v63  }
0x155: {  	s30 =	rddreg [dreg:$0x7]  }
0x156: {  	[tilespmem:s19], [sflag:$0x2] =	stream.indirect.gather [hbm4b:s1+s17], $0x80, s30, s17, $0xb8;
	[tilespmem:$0x1D700] =	vst v63  }
0x157: {  	_ =	swait.ge [sflag:s20], $0x3E80  }
0x158: {  	[sflag:s20] =	ssyncset.done $0x0  }
0x159: {  	[sflag:s20] =	ssyncadd.s32 $0xFFFFC180  }
0x15a: {  	[spmem:s3] =	stream.indirect.scatter.add.f32 [tilespmem:s18], [sflag:$0x3], $0x80, s16, s17, $0xb8;
	[tilespmem:$0x1D700] =	vst v63  }
0x15b: {  	_ = 	snop  }
0x15c: {  	[spmem:s4] =	stream.indirect.scatter.add.f32 [tilespmem:s21], [sflag:$0x5], $0x1, s16, s17, $0xb8;
	[tilespmem:$0x1D700] =	vst v63  }
0x15d: {  	_ =	swait.ge [sflag:s22], $0x3E80  }
0x15e: {  	[sflag:s22] =	ssyncset.done $0x0  }
0x15f: {  	s2 =	simm.s32 $0x14D00;
	[sflag:s22] =	ssyncadd.s32 $0xFFFFC180  }
0x160: {  	[spmem:s3] =	stream.indirect.scatter.add.f32 [tilespmem:s19], [sflag:$0x4], $0x80, s2, s17, $0xb8;
	[tilespmem:$0x1D700] =	vst v63  }
0x161: {  	_ = 	snop  }
0x162: {  	[spmem:s4] =	stream.indirect.scatter.add.f32 [tilespmem:s21], [sflag:$0x5], $0x1, s2, s17, $0xb8;
	[tilespmem:$0x1D700] =	vst v63  }
0x163: {  	_ =	swait.ge [sflag:s24], $0x3E80  }
0x164: {  	[sflag:s24] =	ssyncset.done $0x0  }
0x165: {  	s30 =	rddreg [dreg:$0x8];
	[sflag:s24] =	ssyncadd.s32 $0xFFFFC180  }
0x166: {  	[tilespmem:s18], [sflag:$0x1] =	stream.indirect.gather [hbm4b:s1+s17], $0x80, s30, s17, $0xb8;
	[tilespmem:$0x1D700] =	vst v63  }
0x167: {  	_ =	swait.ge [sflag:s25], $0x3E80  }
0x168: {  	[sflag:s25] =	ssyncset.done $0x0  }
0x169: {  	s30 =	rddreg [dreg:$0x9];
	[sflag:s25] =	ssyncadd.s32 $0xFFFFC180  }
0x16a: {  	[tilespmem:s19], [sflag:$0x2] =	stream.indirect.gather [hbm4b:s1+s17], $0x80, s30, s17, $0xb8;
	[tilespmem:$0x1D700] =	vst v63  }
0x16b: {  	_ =	swait.ge [sflag:s20], $0x3E80  }
0x16c: {  	s31 =	smov.u32 s29;
	[sflag:s20] =	ssyncset.done $0x0  }
0x16d: {  	s28 =	smov.u32 s31;
	s31 =	simm.s32 $0x14D80;
	[sflag:s20] =	ssyncadd.s32 $0xFFFFC180  }
0x16e: {  	[spmem:s3] =	stream.indirect.scatter.add.f32 [tilespmem:s18], [sflag:$0x3], $0x80, s31, s17, $0xb8;
	[tilespmem:$0x1D700] =	vst v63  }
0x16f: {  	_ = 	snop  }
0x170: {  	[spmem:s4] =	stream.indirect.scatter.add.f32 [tilespmem:s21], [sflag:$0x5], $0x1, s31, s17, $0xb8;
	[tilespmem:$0x1D700] =	vst v63  }
0x171: {  	_ =	swait.ge [sflag:s22], $0x3E80  }
0x172: {  	[sflag:s22] =	ssyncset.done $0x0  }
0x173: {  	s2 =	simm.s32 $0x14E00;
	[sflag:s22] =	ssyncadd.s32 $0xFFFFC180  }
0x174: {  	[spmem:s3] =	stream.indirect.scatter.add.f32 [tilespmem:s19], [sflag:$0x4], $0x80, s2, s17, $0xb8;
	[tilespmem:$0x1D700] =	vst v63  }
0x175: {  	_ = 	snop  }
0x176: {  	[spmem:s4] =	stream.indirect.scatter.add.f32 [tilespmem:s21], [sflag:$0x5], $0x1, s2, s17, $0xb8;
	[tilespmem:$0x1D700] =	vst v63  }
0x177: {  	_ =	swait.ge [sflag:s24], $0x3E80  }
0x178: {  	[sflag:s24] =	ssyncset.done $0x0  }
0x179: {  	s30 =	rddreg [dreg:$0xa];
	[sflag:s24] =	ssyncadd.s32 $0xFFFFC180  }
0x17a: {  	[tilespmem:s18], [sflag:$0x1] =	stream.indirect.gather [hbm4b:s1+s17], $0x80, s30, s17, $0xb8;
	[tilespmem:$0x1D700] =	vst v63  }
0x17b: {  	_ =	swait.ge [sflag:s25], $0x3E80  }
0x17c: {  	[sflag:s25] =	ssyncset.done $0x0  }
0x17d: {  	s30 =	rddreg [dreg:$0xb];
	[sflag:s25] =	ssyncadd.s32 $0xFFFFC180  }
0x17e: {  	[tilespmem:s19], [sflag:$0x2] =	stream.indirect.gather [hbm4b:s1+s17], $0x80, s30, s17, $0xb8;
	[tilespmem:$0x1D700] =	vst v63  }
0x17f: {  	_ =	swait.ge [sflag:s20], $0x3E80  }
0x180: {  	[sflag:s20] =	ssyncset.done $0x0  }
0x181: {  	s31 =	simm.s32 $0x14E80;
	[sflag:s20] =	ssyncadd.s32 $0xFFFFC180  }
0x182: {  	[spmem:s3] =	stream.indirect.scatter.add.f32 [tilespmem:s18], [sflag:$0x3], $0x80, s31, s17, $0xb8;
	[tilespmem:$0x1D700] =	vst v63  }
0x183: {  	_ = 	snop  }
0x184: {  	[spmem:s4] =	stream.indirect.scatter.add.f32 [tilespmem:s21], [sflag:$0x5], $0x1, s31, s17, $0xb8;
	[tilespmem:$0x1D700] =	vst v63  }
0x185: {  	_ =	swait.ge [sflag:s22], $0x3E80  }
0x186: {  	[sflag:s22] =	ssyncset.done $0x0  }
0x187: {  	s2 =	simm.s32 $0x14F00;
	[sflag:s22] =	ssyncadd.s32 $0xFFFFC180  }
0x188: {  	[spmem:s3] =	stream.indirect.scatter.add.f32 [tilespmem:s19], [sflag:$0x4], $0x80, s2, s17, $0xb8;
	[tilespmem:$0x1D700] =	vst v63  }
0x189: {  	_ = 	snop  }
0x18a: {  	[spmem:s4] =	stream.indirect.scatter.add.f32 [tilespmem:s21], [sflag:$0x5], $0x1, s2, s17, $0xb8;
	[tilespmem:$0x1D700] =	vst v63  }
0x18b: {  	_ =	swait.ge [sflag:s24], $0x3E80  }
0x18c: {  	[sflag:s24] =	ssyncset.done $0x0  }
0x18d: {  	s30 =	rddreg [dreg:$0xc];
	[sflag:s24] =	ssyncadd.s32 $0xFFFFC180  }
0x18e: {  	[tilespmem:s18], [sflag:$0x1] =	stream.indirect.gather [hbm4b:s1+s17], $0x80, s30, s17, $0xb8;
	[tilespmem:$0x1D700] =	vst v63  }
0x18f: {  	_ =	swait.ge [sflag:s25], $0x3E80  }
0x190: {  	[sflag:s25] =	ssyncset.done $0x0  }
0x191: {  	s30 =	rddreg [dreg:$0xd];
	[sflag:s25] =	ssyncadd.s32 $0xFFFFC180  }
0x192: {  	[tilespmem:s19], [sflag:$0x2] =	stream.indirect.gather [hbm4b:s1+s17], $0x80, s30, s17, $0xb8;
	[tilespmem:$0x1D700] =	vst v63  }
0x193: {  	_ =	swait.ge [sflag:s20], $0x3E80  }
0x194: {  	[sflag:s20] =	ssyncset.done $0x0  }
0x195: {  	s31 =	simm.s32 $0x14F80;
	[sflag:s20] =	ssyncadd.s32 $0xFFFFC180  }
0x196: {  	[spmem:s3] =	stream.indirect.scatter.add.f32 [tilespmem:s18], [sflag:$0x3], $0x80, s31, s17, $0xb8;
	[tilespmem:$0x1D700] =	vst v63  }
0x197: {  	_ = 	snop  }
0x198: {  	[spmem:s4] =	stream.indirect.scatter.add.f32 [tilespmem:s21], [sflag:$0x5], $0x1, s31, s17, $0xb8;
	[tilespmem:$0x1D700] =	vst v63  }
0x199: {  	_ =	swait.ge [sflag:s22], $0x3E80  }
0x19a: {  	[sflag:s22] =	ssyncset.done $0x0  }
0x19b: {  	s2 =	simm.s32 $0x15000;
	[sflag:s22] =	ssyncadd.s32 $0xFFFFC180  }
0x19c: {  	[spmem:s3] =	stream.indirect.scatter.add.f32 [tilespmem:s19], [sflag:$0x4], $0x80, s2, s17, $0xb8;
	[tilespmem:$0x1D700] =	vst v63  }
0x19d: {  	_ = 	snop  }
0x19e: {  	[spmem:s4] =	stream.indirect.scatter.add.f32 [tilespmem:s21], [sflag:$0x5], $0x1, s2, s17, $0xb8;
	[tilespmem:$0x1D700] =	vst v63  }
0x19f: {  	_ =	swait.ge [sflag:s24], $0x3E80  }
0x1a0: {  	[sflag:s24] =	ssyncset.done $0x0  }
0x1a1: {  	s30 =	rddreg [dreg:$0xe];
	[sflag:s24] =	ssyncadd.s32 $0xFFFFC180  }
0x1a2: {  	[tilespmem:s18], [sflag:$0x1] =	stream.indirect.gather [hbm4b:s1+s17], $0x80, s30, s17, $0xb8;
	[tilespmem:$0x1D700] =	vst v63  }
0x1a3: {  	_ =	swait.ge [sflag:s25], $0x3E80  }
0x1a4: {  	[sflag:s25] =	ssyncset.done $0x0  }
0x1a5: {  	s30 =	rddreg [dreg:$0xf];
	[sflag:s25] =	ssyncadd.s32 $0xFFFFC180  }
0x1a6: {  	[tilespmem:s19], [sflag:$0x2] =	stream.indirect.gather [hbm4b:s1+s17], $0x80, s30, s17, $0xb8;
	[tilespmem:$0x1D700] =	vst v63  }
0x1a7: {  	_ =	swait.ge [sflag:s20], $0x3E80  }
0x1a8: {  	[sflag:s20] =	ssyncset.done $0x0  }
0x1a9: {  	s31 =	simm.s32 $0x15080;
	[sflag:s20] =	ssyncadd.s32 $0xFFFFC180  }
0x1aa: {  	[spmem:s3] =	stream.indirect.scatter.add.f32 [tilespmem:s18], [sflag:$0x3], $0x80, s31, s17, $0xb8;
	[tilespmem:$0x1D700] =	vst v63  }
0x1ab: {  	_ = 	snop  }
0x1ac: {  	[spmem:s4] =	stream.indirect.scatter.add.f32 [tilespmem:s21], [sflag:$0x5], $0x1, s31, s17, $0xb8;
	[tilespmem:$0x1D700] =	vst v63  }
0x1ad: {  	_ =	swait.ge [sflag:s22], $0x3E80  }
0x1ae: {  	[sflag:s22] =	ssyncset.done $0x0  }
0x1af: {  	[sflag:s22] =	ssyncadd.s32 $0xFFFFC180  }
0x1b0: {  	[spmem:s3] =	stream.indirect.scatter.add.f32 [tilespmem:s19], [sflag:$0x4], $0x80, s6, s17, $0xb8;
	[tilespmem:$0x1D700] =	vst v63  }
0x1b1: {  	_ = 	snop  }
0x1b2: {  	[spmem:s4] =	stream.indirect.scatter.add.f32 [tilespmem:s21], [sflag:$0x5], $0x1, s6, s17, $0xb8;
	[tilespmem:$0x1D700] =	vst v63  }
0x1b3: {  	_ =	swait.ge [sflag:s24], $0x3E80  }
0x1b4: {  	[sflag:s24] =	ssyncset.done $0x0  }
0x1b5: {  	s30 =	rddreg [dreg:$0x10];
	[sflag:s24] =	ssyncadd.s32 $0xFFFFC180  }
0x1b6: {  	[tilespmem:s18], [sflag:$0x1] =	stream.indirect.gather [hbm4b:s1+s17], $0x80, s30, s17, $0xb8;
	[tilespmem:$0x1D700] =	vst v63  }
0x1b7: {  	_ =	swait.ge [sflag:s25], $0x3E80  }
0x1b8: {  	[sflag:s25] =	ssyncset.done $0x0  }
0x1b9: {  	s30 =	rddreg [dreg:$0x11];
	[sflag:s25] =	ssyncadd.s32 $0xFFFFC180  }
0x1ba: {  	[tilespmem:s19], [sflag:$0x2] =	stream.indirect.gather [hbm4b:s1+s17], $0x80, s30, s17, $0xb8;
	[tilespmem:$0x1D700] =	vst v63  }
0x1bb: {  	_ =	swait.ge [sflag:s20], $0x3E80  }
0x1bc: {  	[sflag:s20] =	ssyncset.done $0x0  }
0x1bd: {  	[sflag:s20] =	ssyncadd.s32 $0xFFFFC180  }
0x1be: {  	[spmem:s3] =	stream.indirect.scatter.add.f32 [tilespmem:s18], [sflag:$0x3], $0x80, s7, s17, $0xb8;
	[tilespmem:$0x1D700] =	vst v63  }
0x1bf: {  	_ = 	snop  }
0x1c0: {  	[spmem:s4] =	stream.indirect.scatter.add.f32 [tilespmem:s21], [sflag:$0x5], $0x1, s7, s17, $0xb8;
	[tilespmem:$0x1D700] =	vst v63  }
0x1c1: {  	_ =	swait.ge [sflag:s22], $0x3E80  }
0x1c2: {  	[sflag:s22] =	ssyncset.done $0x0  }
0x1c3: {  	[sflag:s22] =	ssyncadd.s32 $0xFFFFC180  }
0x1c4: {  	[spmem:s3] =	stream.indirect.scatter.add.f32 [tilespmem:s19], [sflag:$0x4], $0x80, s9, s17, $0xb8;
	[tilespmem:$0x1D700] =	vst v63  }
0x1c5: {  	_ = 	snop  }
0x1c6: {  	[spmem:s4] =	stream.indirect.scatter.add.f32 [tilespmem:s21], [sflag:$0x5], $0x1, s9, s17, $0xb8;
	[tilespmem:$0x1D700] =	vst v63  }
0x1c7: {  	_ =	swait.ge [sflag:s24], $0x3E80  }
0x1c8: {  	[sflag:s24] =	ssyncset.done $0x0  }
0x1c9: {  	s30 =	rddreg [dreg:$0x12];
	[sflag:s24] =	ssyncadd.s32 $0xFFFFC180  }
0x1ca: {  	[tilespmem:s18], [sflag:$0x1] =	stream.indirect.gather [hbm4b:s1+s17], $0x80, s30, s17, $0xb8;
	[tilespmem:$0x1D700] =	vst v63  }
0x1cb: {  	_ =	swait.ge [sflag:s25], $0x3E80  }
0x1cc: {  	[sflag:s25] =	ssyncset.done $0x0  }
0x1cd: {  	s30 =	rddreg [dreg:$0x13];
	[sflag:s25] =	ssyncadd.s32 $0xFFFFC180  }
0x1ce: {  	[tilespmem:s19], [sflag:$0x2] =	stream.indirect.gather [hbm4b:s1+s17], $0x80, s30, s17, $0xb8;
	[tilespmem:$0x1D700] =	vst v63  }
0x1cf: {  	_ =	swait.ge [sflag:s20], $0x3E80  }
0x1d0: {  	[sflag:s20] =	ssyncset.done $0x0  }
0x1d1: {  	[sflag:s20] =	ssyncadd.s32 $0xFFFFC180  }
0x1d2: {  	[spmem:s3] =	stream.indirect.scatter.add.f32 [tilespmem:s18], [sflag:$0x3], $0x80, s10, s17, $0xb8;
	[tilespmem:$0x1D700] =	vst v63  }
0x1d3: {  	_ = 	snop  }
0x1d4: {  	[spmem:s4] =	stream.indirect.scatter.add.f32 [tilespmem:s21], [sflag:$0x5], $0x1, s10, s17, $0xb8;
	[tilespmem:$0x1D700] =	vst v63  }
0x1d5: {  	_ =	swait.ge [sflag:s22], $0x3E80  }
0x1d6: {  	[sflag:s22] =	ssyncset.done $0x0  }
0x1d7: {  	[sflag:s22] =	ssyncadd.s32 $0xFFFFC180  }
0x1d8: {  	[spmem:s3] =	stream.indirect.scatter.add.f32 [tilespmem:s19], [sflag:$0x4], $0x80, s11, s17, $0xb8;
	[tilespmem:$0x1D700] =	vst v63  }
0x1d9: {  	_ = 	snop  }
0x1da: {  	[spmem:s4] =	stream.indirect.scatter.add.f32 [tilespmem:s21], [sflag:$0x5], $0x1, s11, s17, $0xb8;
	[tilespmem:$0x1D700] =	vst v63  }
0x1db: {  	_ =	swait.ge [sflag:s24], $0x3E80  }
0x1dc: {  	[sflag:s24] =	ssyncset.done $0x0  }
0x1dd: {  	s30 =	rddreg [dreg:$0x14];
	[sflag:s24] =	ssyncadd.s32 $0xFFFFC180  }
0x1de: {  	[tilespmem:s18], [sflag:$0x1] =	stream.indirect.gather [hbm4b:s1+s17], $0x80, s30, s17, $0xb8;
	[tilespmem:$0x1D700] =	vst v63  }
0x1df: {  	_ =	swait.ge [sflag:s25], $0x3E80  }
0x1e0: {  	[sflag:s25] =	ssyncset.done $0x0  }
0x1e1: {  	s30 =	rddreg [dreg:$0x15];
	[sflag:s25] =	ssyncadd.s32 $0xFFFFC180  }
0x1e2: {  	[tilespmem:s19], [sflag:$0x2] =	stream.indirect.gather [hbm4b:s1+s17], $0x80, s30, s17, $0xb8;
	[tilespmem:$0x1D700] =	vst v63  }
0x1e3: {  	_ =	swait.ge [sflag:s20], $0x3E80  }
0x1e4: {  	[sflag:s20] =	ssyncset.done $0x0  }
0x1e5: {  	[sflag:s20] =	ssyncadd.s32 $0xFFFFC180  }
0x1e6: {  	[spmem:s3] =	stream.indirect.scatter.add.f32 [tilespmem:s18], [sflag:$0x3], $0x80, s12, s17, $0xb8;
	[tilespmem:$0x1D700] =	vst v63  }
0x1e7: {  	_ = 	snop  }
0x1e8: {  	[spmem:s4] =	stream.indirect.scatter.add.f32 [tilespmem:s21], [sflag:$0x5], $0x1, s12, s17, $0xb8;
	[tilespmem:$0x1D700] =	vst v63  }
0x1e9: {  	_ =	swait.ge [sflag:s22], $0x3E80  }
0x1ea: {  	[sflag:s22] =	ssyncset.done $0x0  }
0x1eb: {  	[sflag:s22] =	ssyncadd.s32 $0xFFFFC180  }
0x1ec: {  	[spmem:s3] =	stream.indirect.scatter.add.f32 [tilespmem:s19], [sflag:$0x4], $0x80, s14, s17, $0xb8;
	[tilespmem:$0x1D700] =	vst v63  }
0x1ed: {  	_ = 	snop  }
0x1ee: {  	[spmem:s4] =	stream.indirect.scatter.add.f32 [tilespmem:s21], [sflag:$0x5], $0x1, s14, s17, $0xb8;
	[tilespmem:$0x1D700] =	vst v63  }
0x1ef: {  	_ =	swait.ge [sflag:s24], $0x3E80  }
0x1f0: {  	[sflag:s24] =	ssyncset.done $0x0  }
0x1f1: {  	s30 =	rddreg [dreg:$0x16];
	[sflag:s24] =	ssyncadd.s32 $0xFFFFC180  }
0x1f2: {  	[tilespmem:s18], [sflag:$0x1] =	stream.indirect.gather [hbm4b:s1+s17], $0x80, s30, s17, $0xb8;
	[tilespmem:$0x1D700] =	vst v63  }
0x1f3: {  	_ =	swait.ge [sflag:s25], $0x3E80  }
0x1f4: {  	[sflag:s25] =	ssyncset.done $0x0  }
0x1f5: {  	s30 =	rddreg [dreg:$0x17];
	[sflag:s25] =	ssyncadd.s32 $0xFFFFC180  }
0x1f6: {  	[tilespmem:s19], [sflag:$0x2] =	stream.indirect.gather [hbm4b:s1+s17], $0x80, s30, s17, $0xb8;
	[tilespmem:$0x1D700] =	vst v63  }
0x1f7: {  	_ =	swait.ge [sflag:s20], $0x3E80  }
0x1f8: {  	[sflag:s20] =	ssyncset.done $0x0  }
0x1f9: {  	[sflag:s20] =	ssyncadd.s32 $0xFFFFC180  }
0x1fa: {  	[spmem:s3] =	stream.indirect.scatter.add.f32 [tilespmem:s18], [sflag:$0x3], $0x80, s8, s17, $0xb8;
	[tilespmem:$0x1D700] =	vst v63  }
0x1fb: {  	_ = 	snop  }
0x1fc: {  	[spmem:s4] =	stream.indirect.scatter.add.f32 [tilespmem:s21], [sflag:$0x5], $0x1, s8, s17, $0xb8;
	[tilespmem:$0x1D700] =	vst v63  }
0x1fd: {  	_ =	swait.ge [sflag:s22], $0x3E80  }
0x1fe: {  	[sflag:s22] =	ssyncset.done $0x0  }
0x1ff: {  	[sflag:s22] =	ssyncadd.s32 $0xFFFFC180  }
0x200: {  	[spmem:s3] =	stream.indirect.scatter.add.f32 [tilespmem:s19], [sflag:$0x4], $0x80, s5, s17, $0xb8;
	[tilespmem:$0x1D700] =	vst v63  }
0x201: {  	_ = 	snop  }
0x202: {  	[spmem:s4] =	stream.indirect.scatter.add.f32 [tilespmem:s21], [sflag:$0x5], $0x1, s5, s17, $0xb8;
	[tilespmem:$0x1D700] =	vst v63  }
0x203: {  	_ =	swait.ge [sflag:s24], $0x3E80  }
0x204: {  	[sflag:s24] =	ssyncset.done $0x0  }
0x205: {  	s30 =	rddreg [dreg:$0x18];
	[sflag:s24] =	ssyncadd.s32 $0xFFFFC180  }
0x206: {  	[tilespmem:s18], [sflag:$0x1] =	stream.indirect.gather [hbm4b:s1+s17], $0x80, s30, s17, $0xb8;
	[tilespmem:$0x1D700] =	vst v63  }
0x207: {  	_ =	swait.ge [sflag:s25], $0x3E80  }
0x208: {  	[sflag:s25] =	ssyncset.done $0x0  }
0x209: {  	s30 =	rddreg [dreg:$0x19];
	[sflag:s25] =	ssyncadd.s32 $0xFFFFC180  }
0x20a: {  	[tilespmem:s19], [sflag:$0x2] =	stream.indirect.gather [hbm4b:s1+s17], $0x80, s30, s17, $0xb8;
	[tilespmem:$0x1D700] =	vst v63  }
0x20b: {  	_ =	swait.ge [sflag:s20], $0x3E80  }
0x20c: {  	[sflag:s20] =	ssyncset.done $0x0  }
0x20d: {  	[sflag:s20] =	ssyncadd.s32 $0xFFFFC180  }
0x20e: {  	[spmem:s3] =	stream.indirect.scatter.add.f32 [tilespmem:s18], [sflag:$0x3], $0x80, s15, s17, $0xb8;
	[tilespmem:$0x1D700] =	vst v63  }
0x20f: {  	_ = 	snop  }
0x210: {  	[spmem:s4] =	stream.indirect.scatter.add.f32 [tilespmem:s21], [sflag:$0x5], $0x1, s15, s17, $0xb8;
	[tilespmem:$0x1D700] =	vst v63  }
0x211: {  	_ =	swait.ge [sflag:s22], $0x3E80  }
0x212: {  	[sflag:s22] =	ssyncset.done $0x0  }
0x213: {  	[sflag:s22] =	ssyncadd.s32 $0xFFFFC180  }
0x214: {  	[spmem:s3] =	stream.indirect.scatter.add.f32 [tilespmem:s19], [sflag:$0x4], $0x80, s23, s17, $0xb8;
	[tilespmem:$0x1D700] =	vst v63  }
0x215: {  	_ = 	snop  }
0x216: {  	[spmem:s4] =	stream.indirect.scatter.add.f32 [tilespmem:s21], [sflag:$0x5], $0x1, s23, s17, $0xb8;
	[tilespmem:$0x1D700] =	vst v63  }
0x217: {  	_ =	swait.ge [sflag:s24], $0x3E80  }
0x218: {  	[sflag:s24] =	ssyncset.done $0x0  }
0x219: {  	[sflag:s24] =	ssyncadd.s32 $0xFFFFC180  }
0x21a: {  	_ =	swait.ge [sflag:s25], $0x3E80  }
0x21b: {  	[sflag:s25] =	ssyncset.done $0x0  }
0x21c: {  	[sflag:s25] =	ssyncadd.s32 $0xFFFFC180  }
0x21d: {  	_ =	swait.ge [sflag:s26], $0x7D  }
0x21e: {  	[sflag:s26] =	ssyncset.done $0x0  }
0x21f: {  	[sflag:s26] =	ssyncadd.s32 $0xFFFFFF83  }
0x220: {  	_ =	swait.ge [sflag:s26], $0x7D  }
0x221: {  	[sflag:s26] =	ssyncset.done $0x0  }
0x222: {  	[sflag:s26] =	ssyncadd.s32 $0xFFFFFF83  }
0x223: {  	_ =	swait.ge [sflag:s26], $0x7D  }
0x224: {  	[sflag:s26] =	ssyncset.done $0x0  }
0x225: {  	[sflag:s26] =	ssyncadd.s32 $0xFFFFFF83  }
0x226: {  	_ =	swait.ge [sflag:s26], $0x7D  }
0x227: {  	[sflag:s26] =	ssyncset.done $0x0  }
0x228: {  	[sflag:s26] =	ssyncadd.s32 $0xFFFFFF83  }
0x229: {  	_ =	swait.ge [sflag:s26], $0x7D  }
0x22a: {  	[sflag:s26] =	ssyncset.done $0x0  }
0x22b: {  	[sflag:s26] =	ssyncadd.s32 $0xFFFFFF83  }
0x22c: {  	_ =	swait.ge [sflag:s26], $0x7D  }
0x22d: {  	[sflag:s26] =	ssyncset.done $0x0  }
0x22e: {  	[sflag:s26] =	ssyncadd.s32 $0xFFFFFF83  }
0x22f: {  	_ =	swait.ge [sflag:s26], $0x7D  }
0x230: {  	[sflag:s26] =	ssyncset.done $0x0  }
0x231: {  	[sflag:s26] =	ssyncadd.s32 $0xFFFFFF83  }
0x232: {  	_ =	swait.ge [sflag:s26], $0x7D  }
0x233: {  	[sflag:s26] =	ssyncset.done $0x0  }
0x234: {  	[sflag:s26] =	ssyncadd.s32 $0xFFFFFF83  }
0x235: {  	_ =	swait.ge [sflag:s26], $0x7D  }
0x236: {  	[sflag:s26] =	ssyncset.done $0x0  }
0x237: {  	[sflag:s26] =	ssyncadd.s32 $0xFFFFFF83  }
0x238: {  	_ =	swait.ge [sflag:s26], $0x7D  }
0x239: {  	[sflag:s26] =	ssyncset.done $0x0  }
0x23a: {  	[sflag:s26] =	ssyncadd.s32 $0xFFFFFF83  }
0x23b: {  	_ =	swait.ge [sflag:s26], $0x7D  }
0x23c: {  	[sflag:s26] =	ssyncset.done $0x0  }
0x23d: {  	[sflag:s26] =	ssyncadd.s32 $0xFFFFFF83  }
0x23e: {  	_ =	swait.ge [sflag:s26], $0x7D  }
0x23f: {  	[sflag:s26] =	ssyncset.done $0x0  }
0x240: {  	[sflag:s26] =	ssyncadd.s32 $0xFFFFFF83  }
0x241: {  	_ =	swait.ge [sflag:s26], $0x7D  }
0x242: {  	[sflag:s26] =	ssyncset.done $0x0  }
0x243: {  	[sflag:s26] =	ssyncadd.s32 $0xFFFFFF83  }
0x244: {  	_ =	swait.ge [sflag:s26], $0x7D  }
0x245: {  	[sflag:s26] =	ssyncset.done $0x0  }
0x246: {  	[sflag:s26] =	ssyncadd.s32 $0xFFFFFF83  }
0x247: {  	_ =	swait.ge [sflag:s26], $0x7D  }
0x248: {  	[sflag:s26] =	ssyncset.done $0x0  }
0x249: {  	[sflag:s26] =	ssyncadd.s32 $0xFFFFFF83  }
0x24a: {  	_ =	swait.ge [sflag:s26], $0x7D  }
0x24b: {  	[sflag:s26] =	ssyncset.done $0x0  }
0x24c: {  	[sflag:s26] =	ssyncadd.s32 $0xFFFFFF83  }
0x24d: {  	_ =	swait.ge [sflag:s26], $0x7D  }
0x24e: {  	[sflag:s26] =	ssyncset.done $0x0  }
0x24f: {  	[sflag:s26] =	ssyncadd.s32 $0xFFFFFF83  }
0x250: {  	_ =	swait.ge [sflag:s26], $0x7D  }
0x251: {  	[sflag:s26] =	ssyncset.done $0x0  }
0x252: {  	p0 =	sne.s32 s29, $0x3C0;
	[sflag:s26] =	ssyncadd.s32 $0xFFFFFF83  }
.Ltmp0:
0x253: {  	_ =	swait.ge [sflag:s26], $0x7D;
	(pc) =	sbr.rel @p0 .LBB2_2-.Ltmp0, $4  }
0x254: {  	[sflag:s26] =	ssyncset.done $0x0  }
0x255: {  	[sflag:s26] =	ssyncadd.s32 $0xFFFFFF83  }
0x256: {  	_ =	swait.ge [sflag:s26], $0x7D  }
0x257: {  	s29 =	sadd.s32 $0x140, s29;
	s30 =	rddreg [dreg:$0x5];
	[sflag:s26] =	ssyncset.done $0x0  }
0x258: {  	[sflag:s26] =	ssyncadd.s32 $0xFFFFFF83  }
0x259: {  	s29 =	sadd.s32 s28, s30;
	s2 =	simm.s32 $0x0;
	s0 =	simm.s32 $0x14280  }
0x25a: {  	[tilespmem:s0], [sflag:$0x6] =	stream.linear.gather [hbm4b:s29+s2], $0xA00, $0x38;
	[tilespmem:$0x1D700] =	vst v63  }
0x25b: {  	_ =	swait.ge [sflag:s13], $0xA00  }
0x25c: {  	s29 =	rddreg [dreg:$0x6];
	[sflag:s13] =	ssyncset.done $0x0  }
0x25d: {  	s28 =	sadd.s32 s28, s29;
	[sflag:s13] =	ssyncadd.s32 $0xFFFFF600  }
0x25e: {  	[tilespmem:s16], [sflag:$0x6] =	stream.linear.gather [hbm4b:s28+s2], $0xA00, $0x38;
	[tilespmem:$0x1D700] =	vst v63  }
0x25f: {  	_ =	swait.ge [sflag:s13], $0xA00  }
0x260: {  	[sflag:s13] =	ssyncset.done $0x0  }
0x261: {  	[sflag:s13] =	ssyncadd.s32 $0xFFFFF600  }
0x262: {  	[tilespmem:s18], [sflag:$0x1] =	stream.indirect.gather [hbm4b:s1+s17], $0x80, s0, s17, $0xb8;
	[tilespmem:$0x1D700] =	vst v63  }
0x263: {  	s28 =	rddreg [dreg:$0x7]  }
0x264: {  	[tilespmem:s19], [sflag:$0x2] =	stream.indirect.gather [hbm4b:s1+s17], $0x80, s28, s17, $0xb8;
	[tilespmem:$0x1D700] =	vst v63  }
0x265: {  	_ =	swait.ge [sflag:s20], $0x3E80  }
0x266: {  	[sflag:s20] =	ssyncset.done $0x0  }
0x267: {  	[sflag:s20] =	ssyncadd.s32 $0xFFFFC180  }
0x268: {  	[spmem:s3] =	stream.indirect.scatter.add.f32 [tilespmem:s18], [sflag:$0x3], $0x80, s16, s17, $0xb8;
	[tilespmem:$0x1D700] =	vst v63  }
0x269: {  	_ = 	snop  }
0x26a: {  	[spmem:s4] =	stream.indirect.scatter.add.f32 [tilespmem:s21], [sflag:$0x5], $0x1, s16, s17, $0xb8;
	[tilespmem:$0x1D700] =	vst v63  }
0x26b: {  	_ =	swait.ge [sflag:s22], $0x3E80  }
0x26c: {  	[sflag:s22] =	ssyncset.done $0x0  }
0x26d: {  	s31 =	simm.s32 $0x14D00;
	[sflag:s22] =	ssyncadd.s32 $0xFFFFC180  }
0x26e: {  	[spmem:s3] =	stream.indirect.scatter.add.f32 [tilespmem:s19], [sflag:$0x4], $0x80, s31, s17, $0xb8;
	[tilespmem:$0x1D700] =	vst v63  }
0x26f: {  	_ = 	snop  }
0x270: {  	[spmem:s4] =	stream.indirect.scatter.add.f32 [tilespmem:s21], [sflag:$0x5], $0x1, s31, s17, $0xb8;
	[tilespmem:$0x1D700] =	vst v63  }
0x271: {  	_ =	swait.ge [sflag:s24], $0x3E80  }
0x272: {  	[sflag:s24] =	ssyncset.done $0x0  }
0x273: {  	s28 =	rddreg [dreg:$0x8];
	[sflag:s24] =	ssyncadd.s32 $0xFFFFC180  }
0x274: {  	[tilespmem:s18], [sflag:$0x1] =	stream.indirect.gather [hbm4b:s1+s17], $0x80, s28, s17, $0xb8;
	[tilespmem:$0x1D700] =	vst v63  }
0x275: {  	_ =	swait.ge [sflag:s25], $0x3E80  }
0x276: {  	[sflag:s25] =	ssyncset.done $0x0  }
0x277: {  	s28 =	rddreg [dreg:$0x9];
	[sflag:s25] =	ssyncadd.s32 $0xFFFFC180  }
0x278: {  	[tilespmem:s19], [sflag:$0x2] =	stream.indirect.gather [hbm4b:s1+s17], $0x80, s28, s17, $0xb8;
	[tilespmem:$0x1D700] =	vst v63  }
0x279: {  	_ =	swait.ge [sflag:s20], $0x3E80  }
0x27a: {  	[sflag:s20] =	ssyncset.done $0x0  }
0x27b: {  	s2 =	simm.s32 $0x14D80;
	[sflag:s20] =	ssyncadd.s32 $0xFFFFC180  }
0x27c: {  	[spmem:s3] =	stream.indirect.scatter.add.f32 [tilespmem:s18], [sflag:$0x3], $0x80, s2, s17, $0xb8;
	[tilespmem:$0x1D700] =	vst v63  }
0x27d: {  	_ = 	snop  }
0x27e: {  	[spmem:s4] =	stream.indirect.scatter.add.f32 [tilespmem:s21], [sflag:$0x5], $0x1, s2, s17, $0xb8;
	[tilespmem:$0x1D700] =	vst v63  }
0x27f: {  	_ =	swait.ge [sflag:s22], $0x3E80  }
0x280: {  	[sflag:s22] =	ssyncset.done $0x0  }
0x281: {  	s31 =	simm.s32 $0x14E00;
	[sflag:s22] =	ssyncadd.s32 $0xFFFFC180  }
0x282: {  	[spmem:s3] =	stream.indirect.scatter.add.f32 [tilespmem:s19], [sflag:$0x4], $0x80, s31, s17, $0xb8;
	[tilespmem:$0x1D700] =	vst v63  }
0x283: {  	_ = 	snop  }
0x284: {  	[spmem:s4] =	stream.indirect.scatter.add.f32 [tilespmem:s21], [sflag:$0x5], $0x1, s31, s17, $0xb8;
	[tilespmem:$0x1D700] =	vst v63  }
0x285: {  	_ =	swait.ge [sflag:s24], $0x3E80  }
0x286: {  	[sflag:s24] =	ssyncset.done $0x0  }
0x287: {  	s28 =	rddreg [dreg:$0xa];
	[sflag:s24] =	ssyncadd.s32 $0xFFFFC180  }
0x288: {  	[tilespmem:s18], [sflag:$0x1] =	stream.indirect.gather [hbm4b:s1+s17], $0x80, s28, s17, $0xb8;
	[tilespmem:$0x1D700] =	vst v63  }
0x289: {  	_ =	swait.ge [sflag:s25], $0x3E80  }
0x28a: {  	[sflag:s25] =	ssyncset.done $0x0  }
0x28b: {  	s28 =	rddreg [dreg:$0xb];
	[sflag:s25] =	ssyncadd.s32 $0xFFFFC180  }
0x28c: {  	[tilespmem:s19], [sflag:$0x2] =	stream.indirect.gather [hbm4b:s1+s17], $0x80, s28, s17, $0xb8;
	[tilespmem:$0x1D700] =	vst v63  }
0x28d: {  	_ =	swait.ge [sflag:s20], $0x3E80  }
0x28e: {  	[sflag:s20] =	ssyncset.done $0x0  }
0x28f: {  	s2 =	simm.s32 $0x14E80;
	[sflag:s20] =	ssyncadd.s32 $0xFFFFC180  }
0x290: {  	[spmem:s3] =	stream.indirect.scatter.add.f32 [tilespmem:s18], [sflag:$0x3], $0x80, s2, s17, $0xb8;
	[tilespmem:$0x1D700] =	vst v63  }
0x291: {  	_ = 	snop  }
0x292: {  	[spmem:s4] =	stream.indirect.scatter.add.f32 [tilespmem:s21], [sflag:$0x5], $0x1, s2, s17, $0xb8;
	[tilespmem:$0x1D700] =	vst v63  }
0x293: {  	_ =	swait.ge [sflag:s22], $0x3E80  }
0x294: {  	[sflag:s22] =	ssyncset.done $0x0  }
0x295: {  	s31 =	simm.s32 $0x14F00;
	[sflag:s22] =	ssyncadd.s32 $0xFFFFC180  }
0x296: {  	[spmem:s3] =	stream.indirect.scatter.add.f32 [tilespmem:s19], [sflag:$0x4], $0x80, s31, s17, $0xb8;
	[tilespmem:$0x1D700] =	vst v63  }
0x297: {  	_ = 	snop  }
0x298: {  	[spmem:s4] =	stream.indirect.scatter.add.f32 [tilespmem:s21], [sflag:$0x5], $0x1, s31, s17, $0xb8;
	[tilespmem:$0x1D700] =	vst v63  }
0x299: {  	_ =	swait.ge [sflag:s24], $0x3E80  }
0x29a: {  	[sflag:s24] =	ssyncset.done $0x0  }
0x29b: {  	s28 =	rddreg [dreg:$0xc];
	[sflag:s24] =	ssyncadd.s32 $0xFFFFC180  }
0x29c: {  	[tilespmem:s18], [sflag:$0x1] =	stream.indirect.gather [hbm4b:s1+s17], $0x80, s28, s17, $0xb8;
	[tilespmem:$0x1D700] =	vst v63  }
0x29d: {  	_ =	swait.ge [sflag:s25], $0x3E80  }
0x29e: {  	[sflag:s25] =	ssyncset.done $0x0  }
0x29f: {  	s28 =	rddreg [dreg:$0xd];
	[sflag:s25] =	ssyncadd.s32 $0xFFFFC180  }
0x2a0: {  	[tilespmem:s19], [sflag:$0x2] =	stream.indirect.gather [hbm4b:s1+s17], $0x80, s28, s17, $0xb8;
	[tilespmem:$0x1D700] =	vst v63  }
0x2a1: {  	_ =	swait.ge [sflag:s20], $0x3E80  }
0x2a2: {  	[sflag:s20] =	ssyncset.done $0x0  }
0x2a3: {  	s2 =	simm.s32 $0x14F80;
	[sflag:s20] =	ssyncadd.s32 $0xFFFFC180  }
0x2a4: {  	[spmem:s3] =	stream.indirect.scatter.add.f32 [tilespmem:s18], [sflag:$0x3], $0x80, s2, s17, $0xb8;
	[tilespmem:$0x1D700] =	vst v63  }
0x2a5: {  	_ = 	snop  }
0x2a6: {  	[spmem:s4] =	stream.indirect.scatter.add.f32 [tilespmem:s21], [sflag:$0x5], $0x1, s2, s17, $0xb8;
	[tilespmem:$0x1D700] =	vst v63  }
0x2a7: {  	_ =	swait.ge [sflag:s22], $0x3E80  }
0x2a8: {  	[sflag:s22] =	ssyncset.done $0x0  }
0x2a9: {  	s31 =	simm.s32 $0x15000;
	[sflag:s22] =	ssyncadd.s32 $0xFFFFC180  }
0x2aa: {  	[spmem:s3] =	stream.indirect.scatter.add.f32 [tilespmem:s19], [sflag:$0x4], $0x80, s31, s17, $0xb8;
	[tilespmem:$0x1D700] =	vst v63  }
0x2ab: {  	_ = 	snop  }
0x2ac: {  	[spmem:s4] =	stream.indirect.scatter.add.f32 [tilespmem:s21], [sflag:$0x5], $0x1, s31, s17, $0xb8;
	[tilespmem:$0x1D700] =	vst v63  }
0x2ad: {  	_ =	swait.ge [sflag:s24], $0x3E80  }
0x2ae: {  	[sflag:s24] =	ssyncset.done $0x0  }
0x2af: {  	s28 =	rddreg [dreg:$0xe];
	[sflag:s24] =	ssyncadd.s32 $0xFFFFC180  }
0x2b0: {  	[tilespmem:s18], [sflag:$0x1] =	stream.indirect.gather [hbm4b:s1+s17], $0x80, s28, s17, $0xb8;
	[tilespmem:$0x1D700] =	vst v63  }
0x2b1: {  	_ =	swait.ge [sflag:s25], $0x3E80  }
0x2b2: {  	[sflag:s25] =	ssyncset.done $0x0  }
0x2b3: {  	s28 =	rddreg [dreg:$0xf];
	[sflag:s25] =	ssyncadd.s32 $0xFFFFC180  }
0x2b4: {  	[tilespmem:s19], [sflag:$0x2] =	stream.indirect.gather [hbm4b:s1+s17], $0x80, s28, s17, $0xb8;
	[tilespmem:$0x1D700] =	vst v63  }
0x2b5: {  	_ =	swait.ge [sflag:s20], $0x3E80  }
0x2b6: {  	[sflag:s20] =	ssyncset.done $0x0  }
0x2b7: {  	s2 =	simm.s32 $0x15080;
	[sflag:s20] =	ssyncadd.s32 $0xFFFFC180  }
0x2b8: {  	[spmem:s3] =	stream.indirect.scatter.add.f32 [tilespmem:s18], [sflag:$0x3], $0x80, s2, s17, $0xb8;
	[tilespmem:$0x1D700] =	vst v63  }
0x2b9: {  	_ = 	snop  }
0x2ba: {  	[spmem:s4] =	stream.indirect.scatter.add.f32 [tilespmem:s21], [sflag:$0x5], $0x1, s2, s17, $0xb8;
	[tilespmem:$0x1D700] =	vst v63  }
0x2bb: {  	_ =	swait.ge [sflag:s22], $0x3E80  }
0x2bc: {  	[sflag:s22] =	ssyncset.done $0x0  }
0x2bd: {  	[sflag:s22] =	ssyncadd.s32 $0xFFFFC180  }
0x2be: {  	[spmem:s3] =	stream.indirect.scatter.add.f32 [tilespmem:s19], [sflag:$0x4], $0x80, s6, s17, $0xb8;
	[tilespmem:$0x1D700] =	vst v63  }
0x2bf: {  	_ = 	snop  }
0x2c0: {  	[spmem:s4] =	stream.indirect.scatter.add.f32 [tilespmem:s21], [sflag:$0x5], $0x1, s6, s17, $0xb8;
	[tilespmem:$0x1D700] =	vst v63  }
0x2c1: {  	_ =	swait.ge [sflag:s24], $0x3E80  }
0x2c2: {  	[sflag:s24] =	ssyncset.done $0x0  }
0x2c3: {  	s28 =	rddreg [dreg:$0x10];
	[sflag:s24] =	ssyncadd.s32 $0xFFFFC180  }
0x2c4: {  	[tilespmem:s18], [sflag:$0x1] =	stream.indirect.gather [hbm4b:s1+s17], $0x80, s28, s17, $0xb8;
	[tilespmem:$0x1D700] =	vst v63  }
0x2c5: {  	_ =	swait.ge [sflag:s25], $0x3E80  }
0x2c6: {  	[sflag:s25] =	ssyncset.done $0x0  }
0x2c7: {  	s28 =	rddreg [dreg:$0x11];
	[sflag:s25] =	ssyncadd.s32 $0xFFFFC180  }
0x2c8: {  	[tilespmem:s19], [sflag:$0x2] =	stream.indirect.gather [hbm4b:s1+s17], $0x80, s28, s17, $0xb8;
	[tilespmem:$0x1D700] =	vst v63  }
0x2c9: {  	_ =	swait.ge [sflag:s20], $0x3E80  }
0x2ca: {  	[sflag:s20] =	ssyncset.done $0x0  }
0x2cb: {  	[sflag:s20] =	ssyncadd.s32 $0xFFFFC180  }
0x2cc: {  	[spmem:s3] =	stream.indirect.scatter.add.f32 [tilespmem:s18], [sflag:$0x3], $0x80, s7, s17, $0xb8;
	[tilespmem:$0x1D700] =	vst v63  }
0x2cd: {  	_ = 	snop  }
0x2ce: {  	[spmem:s4] =	stream.indirect.scatter.add.f32 [tilespmem:s21], [sflag:$0x5], $0x1, s7, s17, $0xb8;
	[tilespmem:$0x1D700] =	vst v63  }
0x2cf: {  	_ =	swait.ge [sflag:s22], $0x3E80  }
0x2d0: {  	[sflag:s22] =	ssyncset.done $0x0  }
0x2d1: {  	[sflag:s22] =	ssyncadd.s32 $0xFFFFC180  }
0x2d2: {  	[spmem:s3] =	stream.indirect.scatter.add.f32 [tilespmem:s19], [sflag:$0x4], $0x80, s9, s17, $0xb8;
	[tilespmem:$0x1D700] =	vst v63  }
0x2d3: {  	_ = 	snop  }
0x2d4: {  	[spmem:s4] =	stream.indirect.scatter.add.f32 [tilespmem:s21], [sflag:$0x5], $0x1, s9, s17, $0xb8;
	[tilespmem:$0x1D700] =	vst v63  }
0x2d5: {  	_ =	swait.ge [sflag:s24], $0x3E80  }
0x2d6: {  	[sflag:s24] =	ssyncset.done $0x0  }
0x2d7: {  	s28 =	rddreg [dreg:$0x12];
	[sflag:s24] =	ssyncadd.s32 $0xFFFFC180  }
0x2d8: {  	[tilespmem:s18], [sflag:$0x1] =	stream.indirect.gather [hbm4b:s1+s17], $0x80, s28, s17, $0xb8;
	[tilespmem:$0x1D700] =	vst v63  }
0x2d9: {  	_ =	swait.ge [sflag:s25], $0x3E80  }
0x2da: {  	[sflag:s25] =	ssyncset.done $0x0  }
0x2db: {  	s28 =	rddreg [dreg:$0x13];
	[sflag:s25] =	ssyncadd.s32 $0xFFFFC180  }
0x2dc: {  	[tilespmem:s19], [sflag:$0x2] =	stream.indirect.gather [hbm4b:s1+s17], $0x80, s28, s17, $0xb8;
	[tilespmem:$0x1D700] =	vst v63  }
0x2dd: {  	_ =	swait.ge [sflag:s20], $0x3E80  }
0x2de: {  	[sflag:s20] =	ssyncset.done $0x0  }
0x2df: {  	[sflag:s20] =	ssyncadd.s32 $0xFFFFC180  }
0x2e0: {  	[spmem:s3] =	stream.indirect.scatter.add.f32 [tilespmem:s18], [sflag:$0x3], $0x80, s10, s17, $0xb8;
	[tilespmem:$0x1D700] =	vst v63  }
0x2e1: {  	_ = 	snop  }
0x2e2: {  	[spmem:s4] =	stream.indirect.scatter.add.f32 [tilespmem:s21], [sflag:$0x5], $0x1, s10, s17, $0xb8;
	[tilespmem:$0x1D700] =	vst v63  }
0x2e3: {  	_ =	swait.ge [sflag:s22], $0x3E80  }
0x2e4: {  	[sflag:s22] =	ssyncset.done $0x0  }
0x2e5: {  	[sflag:s22] =	ssyncadd.s32 $0xFFFFC180  }
0x2e6: {  	[spmem:s3] =	stream.indirect.scatter.add.f32 [tilespmem:s19], [sflag:$0x4], $0x80, s11, s17, $0xb8;
	[tilespmem:$0x1D700] =	vst v63  }
0x2e7: {  	_ = 	snop  }
0x2e8: {  	[spmem:s4] =	stream.indirect.scatter.add.f32 [tilespmem:s21], [sflag:$0x5], $0x1, s11, s17, $0xb8;
	[tilespmem:$0x1D700] =	vst v63  }
0x2e9: {  	_ =	swait.ge [sflag:s24], $0x3E80  }
0x2ea: {  	[sflag:s24] =	ssyncset.done $0x0  }
0x2eb: {  	s28 =	rddreg [dreg:$0x14];
	[sflag:s24] =	ssyncadd.s32 $0xFFFFC180  }
0x2ec: {  	[tilespmem:s18], [sflag:$0x1] =	stream.indirect.gather [hbm4b:s1+s17], $0x80, s28, s17, $0xb8;
	[tilespmem:$0x1D700] =	vst v63  }
0x2ed: {  	_ =	swait.ge [sflag:s25], $0x3E80  }
0x2ee: {  	[sflag:s25] =	ssyncset.done $0x0  }
0x2ef: {  	s28 =	rddreg [dreg:$0x15];
	[sflag:s25] =	ssyncadd.s32 $0xFFFFC180  }
0x2f0: {  	[tilespmem:s19], [sflag:$0x2] =	stream.indirect.gather [hbm4b:s1+s17], $0x80, s28, s17, $0xb8;
	[tilespmem:$0x1D700] =	vst v63  }
0x2f1: {  	_ =	swait.ge [sflag:s20], $0x3E80  }
0x2f2: {  	[sflag:s20] =	ssyncset.done $0x0  }
0x2f3: {  	[sflag:s20] =	ssyncadd.s32 $0xFFFFC180  }
0x2f4: {  	[spmem:s3] =	stream.indirect.scatter.add.f32 [tilespmem:s18], [sflag:$0x3], $0x80, s12, s17, $0xb8;
	[tilespmem:$0x1D700] =	vst v63  }
0x2f5: {  	_ = 	snop  }
0x2f6: {  	[spmem:s4] =	stream.indirect.scatter.add.f32 [tilespmem:s21], [sflag:$0x5], $0x1, s12, s17, $0xb8;
	[tilespmem:$0x1D700] =	vst v63  }
0x2f7: {  	_ =	swait.ge [sflag:s22], $0x3E80  }
0x2f8: {  	[sflag:s22] =	ssyncset.done $0x0  }
0x2f9: {  	[sflag:s22] =	ssyncadd.s32 $0xFFFFC180  }
0x2fa: {  	[spmem:s3] =	stream.indirect.scatter.add.f32 [tilespmem:s19], [sflag:$0x4], $0x80, s14, s17, $0xb8;
	[tilespmem:$0x1D700] =	vst v63  }
0x2fb: {  	_ = 	snop  }
0x2fc: {  	[spmem:s4] =	stream.indirect.scatter.add.f32 [tilespmem:s21], [sflag:$0x5], $0x1, s14, s17, $0xb8;
	[tilespmem:$0x1D700] =	vst v63  }
0x2fd: {  	_ =	swait.ge [sflag:s24], $0x3E80  }
0x2fe: {  	[sflag:s24] =	ssyncset.done $0x0  }
0x2ff: {  	s28 =	rddreg [dreg:$0x16];
	[sflag:s24] =	ssyncadd.s32 $0xFFFFC180  }
0x300: {  	[tilespmem:s18], [sflag:$0x1] =	stream.indirect.gather [hbm4b:s1+s17], $0x80, s28, s17, $0xb8;
	[tilespmem:$0x1D700] =	vst v63  }
0x301: {  	_ =	swait.ge [sflag:s25], $0x3E80  }
0x302: {  	[sflag:s25] =	ssyncset.done $0x0  }
0x303: {  	s28 =	rddreg [dreg:$0x17];
	[sflag:s25] =	ssyncadd.s32 $0xFFFFC180  }
0x304: {  	[tilespmem:s19], [sflag:$0x2] =	stream.indirect.gather [hbm4b:s1+s17], $0x80, s28, s17, $0xb8;
	[tilespmem:$0x1D700] =	vst v63  }
0x305: {  	_ =	swait.ge [sflag:s20], $0x3E80  }
0x306: {  	[sflag:s20] =	ssyncset.done $0x0  }
0x307: {  	[sflag:s20] =	ssyncadd.s32 $0xFFFFC180  }
0x308: {  	[spmem:s3] =	stream.indirect.scatter.add.f32 [tilespmem:s18], [sflag:$0x3], $0x80, s8, s17, $0xb8;
	[tilespmem:$0x1D700] =	vst v63  }
0x309: {  	_ = 	snop  }
0x30a: {  	[spmem:s4] =	stream.indirect.scatter.add.f32 [tilespmem:s21], [sflag:$0x5], $0x1, s8, s17, $0xb8;
	[tilespmem:$0x1D700] =	vst v63  }
0x30b: {  	_ =	swait.ge [sflag:s22], $0x3E80  }
0x30c: {  	[sflag:s22] =	ssyncset.done $0x0  }
0x30d: {  	[sflag:s22] =	ssyncadd.s32 $0xFFFFC180  }
0x30e: {  	[spmem:s3] =	stream.indirect.scatter.add.f32 [tilespmem:s19], [sflag:$0x4], $0x80, s5, s17, $0xb8;
	[tilespmem:$0x1D700] =	vst v63  }
0x30f: {  	_ = 	snop  }
0x310: {  	[spmem:s4] =	stream.indirect.scatter.add.f32 [tilespmem:s21], [sflag:$0x5], $0x1, s5, s17, $0xb8;
	[tilespmem:$0x1D700] =	vst v63  }
0x311: {  	_ =	swait.ge [sflag:s24], $0x3E80  }
0x312: {  	[sflag:s24] =	ssyncset.done $0x0  }
0x313: {  	s28 =	rddreg [dreg:$0x18];
	[sflag:s24] =	ssyncadd.s32 $0xFFFFC180  }
0x314: {  	[tilespmem:s18], [sflag:$0x1] =	stream.indirect.gather [hbm4b:s1+s17], $0x80, s28, s17, $0xb8;
	[tilespmem:$0x1D700] =	vst v63  }
0x315: {  	_ =	swait.ge [sflag:s25], $0x3E80  }
0x316: {  	[sflag:s25] =	ssyncset.done $0x0  }
0x317: {  	s28 =	rddreg [dreg:$0x19];
	[sflag:s25] =	ssyncadd.s32 $0xFFFFC180  }
0x318: {  	[tilespmem:s19], [sflag:$0x2] =	stream.indirect.gather [hbm4b:s1+s17], $0x80, s28, s17, $0xb8;
	[tilespmem:$0x1D700] =	vst v63  }
0x319: {  	_ =	swait.ge [sflag:s20], $0x3E80  }
0x31a: {  	[sflag:s20] =	ssyncset.done $0x0  }
0x31b: {  	[sflag:s20] =	ssyncadd.s32 $0xFFFFC180  }
0x31c: {  	[spmem:s3] =	stream.indirect.scatter.add.f32 [tilespmem:s18], [sflag:$0x3], $0x80, s15, s17, $0xb8;
	[tilespmem:$0x1D700] =	vst v63  }
0x31d: {  	_ = 	snop  }
0x31e: {  	[spmem:s4] =	stream.indirect.scatter.add.f32 [tilespmem:s21], [sflag:$0x5], $0x1, s15, s17, $0xb8;
	[tilespmem:$0x1D700] =	vst v63  }
0x31f: {  	_ =	swait.ge [sflag:s22], $0x3E80  }
0x320: {  	[sflag:s22] =	ssyncset.done $0x0  }
0x321: {  	[sflag:s22] =	ssyncadd.s32 $0xFFFFC180  }
0x322: {  	[spmem:s3] =	stream.indirect.scatter.add.f32 [tilespmem:s19], [sflag:$0x4], $0x80, s23, s17, $0xb8;
	[tilespmem:$0x1D700] =	vst v63  }
0x323: {  	_ = 	snop  }
0x324: {  	[spmem:s4] =	stream.indirect.scatter.add.f32 [tilespmem:s21], [sflag:$0x5], $0x1, s23, s17, $0xb8;
	[tilespmem:$0x1D700] =	vst v63  }
0x325: {  	_ =	swait.ge [sflag:s24], $0x3E80  }
0x326: {  	[sflag:s24] =	ssyncset.done $0x0  }
0x327: {  	[sflag:s24] =	ssyncadd.s32 $0xFFFFC180  }
0x328: {  	_ =	swait.ge [sflag:s25], $0x3E80  }
0x329: {  	[sflag:s25] =	ssyncset.done $0x0  }
0x32a: {  	[sflag:s25] =	ssyncadd.s32 $0xFFFFC180  }
0x32b: {  	_ =	swait.ge [sflag:s26], $0x7D  }
0x32c: {  	[sflag:s26] =	ssyncset.done $0x0  }
0x32d: {  	[sflag:s26] =	ssyncadd.s32 $0xFFFFFF83  }
0x32e: {  	_ =	swait.ge [sflag:s26], $0x7D  }
0x32f: {  	[sflag:s26] =	ssyncset.done $0x0  }
0x330: {  	[sflag:s26] =	ssyncadd.s32 $0xFFFFFF83  }
0x331: {  	_ =	swait.ge [sflag:s26], $0x7D  }
0x332: {  	[sflag:s26] =	ssyncset.done $0x0  }
0x333: {  	[sflag:s26] =	ssyncadd.s32 $0xFFFFFF83  }
0x334: {  	_ =	swait.ge [sflag:s26], $0x7D  }
0x335: {  	[sflag:s26] =	ssyncset.done $0x0  }
0x336: {  	[sflag:s26] =	ssyncadd.s32 $0xFFFFFF83  }
0x337: {  	_ =	swait.ge [sflag:s26], $0x7D  }
0x338: {  	[sflag:s26] =	ssyncset.done $0x0  }
0x339: {  	[sflag:s26] =	ssyncadd.s32 $0xFFFFFF83  }
0x33a: {  	_ =	swait.ge [sflag:s26], $0x7D  }
0x33b: {  	[sflag:s26] =	ssyncset.done $0x0  }
0x33c: {  	[sflag:s26] =	ssyncadd.s32 $0xFFFFFF83  }
0x33d: {  	_ =	swait.ge [sflag:s26], $0x7D  }
0x33e: {  	[sflag:s26] =	ssyncset.done $0x0  }
0x33f: {  	[sflag:s26] =	ssyncadd.s32 $0xFFFFFF83  }
0x340: {  	_ =	swait.ge [sflag:s26], $0x7D  }
0x341: {  	[sflag:s26] =	ssyncset.done $0x0  }
0x342: {  	[sflag:s26] =	ssyncadd.s32 $0xFFFFFF83  }
0x343: {  	_ =	swait.ge [sflag:s26], $0x7D  }
0x344: {  	[sflag:s26] =	ssyncset.done $0x0  }
0x345: {  	[sflag:s26] =	ssyncadd.s32 $0xFFFFFF83  }
0x346: {  	_ =	swait.ge [sflag:s26], $0x7D  }
0x347: {  	[sflag:s26] =	ssyncset.done $0x0  }
0x348: {  	[sflag:s26] =	ssyncadd.s32 $0xFFFFFF83  }
0x349: {  	_ =	swait.ge [sflag:s26], $0x7D  }
0x34a: {  	[sflag:s26] =	ssyncset.done $0x0  }
0x34b: {  	[sflag:s26] =	ssyncadd.s32 $0xFFFFFF83  }
0x34c: {  	_ =	swait.ge [sflag:s26], $0x7D  }
0x34d: {  	[sflag:s26] =	ssyncset.done $0x0  }
0x34e: {  	[sflag:s26] =	ssyncadd.s32 $0xFFFFFF83  }
0x34f: {  	_ =	swait.ge [sflag:s26], $0x7D  }
0x350: {  	[sflag:s26] =	ssyncset.done $0x0  }
0x351: {  	[sflag:s26] =	ssyncadd.s32 $0xFFFFFF83  }
0x352: {  	_ =	swait.ge [sflag:s26], $0x7D  }
0x353: {  	[sflag:s26] =	ssyncset.done $0x0  }
0x354: {  	[sflag:s26] =	ssyncadd.s32 $0xFFFFFF83  }
0x355: {  	_ =	swait.ge [sflag:s26], $0x7D  }
0x356: {  	[sflag:s26] =	ssyncset.done $0x0  }
0x357: {  	[sflag:s26] =	ssyncadd.s32 $0xFFFFFF83  }
0x358: {  	_ =	swait.ge [sflag:s26], $0x7D  }
0x359: {  	[sflag:s26] =	ssyncset.done $0x0  }
0x35a: {  	[sflag:s26] =	ssyncadd.s32 $0xFFFFFF83  }
0x35b: {  	_ =	swait.ge [sflag:s26], $0x7D  }
0x35c: {  	[sflag:s26] =	ssyncset.done $0x0  }
0x35d: {  	[sflag:s26] =	ssyncadd.s32 $0xFFFFFF83  }
0x35e: {  	_ =	swait.ge [sflag:s26], $0x7D  }
0x35f: {  	[sflag:s26] =	ssyncset.done $0x0  }
0x360: {  	[sflag:s26] =	ssyncadd.s32 $0xFFFFFF83  }
0x361: {  	_ =	swait.ge [sflag:s26], $0x7D  }
0x362: {  	[sflag:s26] =	ssyncset.done $0x0  }
0x363: {  	[sflag:s26] =	ssyncadd.s32 $0xFFFFFF83  }
0x364: {  	_ =	swait.ge [sflag:s26], $0x7D  }
0x365: {  	[sflag:s26] =	ssyncset.done $0x0  }
0x366: {  	[sflag:s26] =	ssyncadd.s32 $0xFFFFFF83  }
0x367: {  	[bflag:$0x0] =	sbarrier.arrive $0xFFFF  }
0x368: {  	s30 =	sld [smem:$0x7FD]  }
0x369: {  	s28 =	rddreg [dreg:$0x1c]  }
0x36a: {  	s31 =	rddreg [dreg:$0x1d]  }
0x36b: {  	[hbm:s31], [sflag:s28] =	dma.local [spmem:s30], $0x2800  }
0x36c: {  	_ =	swait.ge [sflag:s13], $0x2800  }
0x36d: {  	s29 =	sld [smem:$0x7FC]  }
0x36e: {  	[sflag:s13] =	ssyncset.done $0x0  }
0x36f: {  	s0 =	rddreg [dreg:$0x1e];
	[sflag:s13] =	ssyncadd.s32 $0xFFFFD800  }
0x370: {  	[hbm:s0], [sflag:s28] =	dma.local [spmem:s29], $0x50  }
0x371: {  	_ =	swait.ge [sflag:s13], $0x50  }
0x372: {  	s2 =	sld [smem:$0x7FB];
	_ =	sdelay $0x2  }
0x373: {  	s31 =	rddreg [dreg:$0x1f];
	s0 =	sadd.s32 $0x1, s2  }
0x374: {  	p0 =	sne.s32 s0, s31  }
.Ltmp1:
0x375: {  	_ = 	snop;
	(pc) =	sbr.rel @p0 .LBB2_1-.Ltmp1, $3  }
0x376: {  	_ =	sdelay $0x1  }
0x377: {  	[sflag:s13] =	ssyncset.done $0x0  }
0x378: {  	[sflag:s13] =	ssyncadd.s32 $0xFFFFFFB0  }
0x379: {  	_ =	sfence.sel $0x180000  }
0x37a: {  	[bflag:$0x0] =	sbarrier.arrive $0xFFFF  }
0x37b: {  	_ =	strace $0x90000047  }
0x37c: {  	s0 =	stileid.u32;
	[bflag:$0x2] =	sbarrier.arrive $0xFFFF  }
0x37d: {  	p0 =	sne.s32 s0, $0x0;
	s0 =	rddreg [dreg:$0x4]  }
0x37e: {  	s0 =	sadd.s32 @!p0 $0x100000, s0  }
0x37f: {  	[sflag:s0] =	ssyncadd.tile.s32 @!p0 $0x1;
	_ =	shalt  }
.Lfunc_end2:
_tile_overlayer_lowered:
.L_overlay_start_2:
0x380: {  	(tag) =	ssettag $0x2  }
0x381: {  	s0 =	rddreg [dreg:$0x0];
	s2 =	stileid.u32  }
0x382: {  	s1 =	rddreg [dreg:$0x1];
	p0 =	sne.s32 s2, $0x0  }
0x383: {  	s3 =	rddreg [dreg:$0x2];
	[bflag:$0x3] =	sbarrier.arrive $0xFFFF;
	s2 =	simm.s32 @!p0 $0x1C06  }
0x384: {  	[timem:s3], [sflag:s2] =	dma.local @!p0 [hbm:s0], s1  }
0x385: {  	s0 =	simm.s32 @!p0 $0x6  }
0x386: {  	_ =	swait.ge @!p0 [sflag:s0], s1  }
0x387: {  	s1 =	ssub.s32 @!p0 $0x0, s1;
	[sflag:s0] =	ssyncset.done @!p0 $0x0  }
0x388: {  	[sflag:s0] =	ssyncadd.s32 @!p0 s1  }
0x389: {  	[bflag:$0x3] =	sbarrier.arrive $0xFFFF  }
0x38a: {  	_ =	shalt  }

</sc_bundles>
